<compile_context>
chip_gen: v7x
topology: tpu7x:2x2x1
jax: 0.10.2.dev20260603
libtpu: 0.0.44.dev20260713+nightly
codegen_flags: <defaults>
</compile_context>

<pallas_src>
import functools

import jax
import jax.numpy as jnp
from jax import lax
from jax.experimental import pallas as pl
from jax.experimental.pallas import tpu as pltpu
from jax.experimental.pallas import tpu_sc as plsc

BATCH = 4096
SEQ = 200
EMBED_DIM = 64
PAD_DIM = 128
LANES = 16
NUM_WORKERS = 32
ROWS_PER_W = BATCH // NUM_WORKERS
CHUNK = 32
LAST_OFF = SEQ - CHUNK
NBUF = 4


def _body(ids_hbm, lens_hbm, table_hbm, out_hbm, ids_v, lens_v, rows_v,
          out_v, sem0, sem1, sem2, sem3):
    cid = lax.axis_index("c")
    sid = lax.axis_index("s")
    wid = sid * 2 + cid
    base = wid * ROWS_PER_W
    sems = (sem0, sem1, sem2, sem3)

    pltpu.sync_copy(ids_hbm.at[pl.ds(base * SEQ, ROWS_PER_W * SEQ)], ids_v)
    pltpu.sync_copy(lens_hbm.at[pl.ds(base, ROWS_PER_W)],
                    lens_v.at[pl.ds(0, ROWS_PER_W)])

    def dbl(r, _):
        for u in range(4):
            off = (4 * r + u) * LANES
            ids_v[pl.ds(off, LANES)] = ids_v[pl.ds(off, LANES)] * 2
        return 0

    lax.fori_loop(0, ROWS_PER_W * SEQ // (4 * LANES), dbl, 0)

    def nchunks(b):
        ln = lens_v[pl.ds(b, LANES)][0]
        return ln, lax.div(ln + (CHUNK - 1), CHUNK)

    def fire(b, buf):
        _, nch = nchunks(b)

        def chunk(c, _):
            off = lax.min(c * CHUNK, LAST_OFF)
            pltpu.async_copy(
                table_hbm.at[ids_v.at[pl.ds(b * SEQ + off, CHUNK)]],
                rows_v.at[buf, pl.ds(off, CHUNK), :],
                sems[buf],
            )
            return 0

        lax.fori_loop(0, nch, chunk, 0)

    def drain_sum(b, buf):
        ln, nch = nchunks(b)

        def dchunk(c, _):
            off = lax.min(c * CHUNK, LAST_OFF)
            pltpu.make_async_copy(
                table_hbm.at[ids_v.at[pl.ds(b * SEQ + off, CHUNK)]],
                rows_v.at[buf, pl.ds(off, CHUNK), :],
                sems[buf],
            ).wait()
            return 0

        lax.fori_loop(0, nch, dchunk, 0)

        def load4(s):
            return [rows_v[buf, s, pl.ds(l * LANES, LANES)]
                    for l in range(4)]

        zero = jnp.zeros((LANES,), jnp.float32)

        def accum4(i, acc):
            r = [load4(4 * i + j) for j in range(4)]
            return tuple(
                acc[l] + ((r[0][l] + r[1][l]) + (r[2][l] + r[3][l]))
                for l in range(4)
            )

        acc0 = tuple(zero for _ in range(4))
        nq = lax.div(ln, 4)
        acc = lax.fori_loop(0, nq, accum4, acc0)
        tail = nq * 4
        for j in range(3):
            keep = jnp.full((LANES,), tail + j < ln)
            rj = load4(tail + j)
            acc = tuple(acc[l] + lax.select(keep, rj[l], zero)
                        for l in range(4))

        den = jnp.full((LANES,), lax.max(ln, 1), jnp.int32).astype(jnp.float32)
        for l in range(4):
            out_v[b, pl.ds(l * LANES, LANES)] = acc[l] / den

    for j in range(NBUF):
        fire(j, j)

    def group(i, _):
        b0 = NBUF * i
        for j in range(NBUF):
            b = b0 + j
            drain_sum(b, j)

            @pl.when(b + NBUF < ROWS_PER_W)
            def _():
                fire(b + NBUF, j)

        return 0

    lax.fori_loop(0, ROWS_PER_W // NBUF, group, 0)

    pltpu.sync_copy(out_v, out_hbm.at[pl.ds(base, ROWS_PER_W), :])


@jax.jit
def _pooled(token_ids, token_lens, table):
    ids_flat = token_ids.reshape(BATCH * SEQ)
    table_pad = jnp.pad(table, ((0, 0), (0, PAD_DIM - EMBED_DIM)))
    table_pairs = table_pad.reshape(2 * 1000000, EMBED_DIM)
    mesh = plsc.VectorSubcoreMesh(core_axis_name="c", subcore_axis_name="s")
    f = functools.partial(
        pl.kernel,
        mesh=mesh,
        compiler_params=pltpu.CompilerParams(use_tc_tiling_on_sc=False,
                                             needs_layout_passes=False),
        out_type=jax.ShapeDtypeStruct((BATCH, EMBED_DIM), jnp.float32),
        scratch_types=[
            pltpu.VMEM((ROWS_PER_W * SEQ,), jnp.int32),
            pltpu.VMEM((ROWS_PER_W + LANES,), jnp.int32),
            pltpu.VMEM((NBUF, SEQ + 4, EMBED_DIM), jnp.float32),
            pltpu.VMEM((ROWS_PER_W, EMBED_DIM), jnp.float32),
            pltpu.SemaphoreType.DMA,
            pltpu.SemaphoreType.DMA,
            pltpu.SemaphoreType.DMA,
            pltpu.SemaphoreType.DMA,
        ],
    )(_body)
    return f(ids_flat, token_lens, table_pairs)


def kernel(token_ids, token_lens, table):
    return _pooled(token_ids, token_lens, table)

# --- scband reference (transcript-rebuilt; emitter-appended) ---
"""Pipeline reference for scband-text-encoder-86852828660342 (READ-ONLY COPY).

The authoritative reference and input builder live on the scoring server;
editing this copy changes nothing except your own understanding.
"""

import jax, jax.numpy as jnp
import numpy as np

VOCAB = 1000000
EMBED_DIM = 64
BATCH = 4096
SEQ = 200
PAD_INDEX = 0


def setup_inputs(seed: int = 0) -> dict:
    key = jax.random.key(seed)
    k1, k2, k3 = jax.random.split(key, 3)
    token_ids = jax.random.randint(k1, (BATCH, SEQ), 0, VOCAB, dtype=jnp.int64 if jax.config.jax_enable_x64 else jnp.int32)
    token_lens = jax.random.randint(k2, (BATCH,), 0, SEQ, dtype=jnp.int64 if jax.config.jax_enable_x64 else jnp.int32)
    table = jax.random.normal(k3, (VOCAB, EMBED_DIM), dtype=jnp.float32) * 0.02
    # padding_idx row is zero (as in nn.Embedding with padding_idx)
    table = table.at[PAD_INDEX].set(0.0)
    return {"token_ids": token_ids, "token_lens": token_lens, "table": table}


def reference(token_ids, token_lens, table):
    # embedding lookup
    embedded = jnp.take(table, token_ids, axis=0)  # [B, S, D]
    # mask positions beyond token_lens
    seq = token_ids.shape[1]
    mask = (jnp.arange(seq) < token_lens[:, None])[:, :, None].astype(embedded.dtype)
    embedded = embedded * mask
    denom = jnp.maximum(token_lens, 1).astype(embedded.dtype)[:, None]
    pooled = embedded.sum(axis=1) / denom
    # dropout is identity at inference
    return pooled

if __name__ == "__main__":
    import jax
    _d = setup_inputs()
    print(jax.jit(kernel)(*tuple(_d.values())))

</pallas_src>

<mosaic_0001>
#map = affine_map<(d0, d1) -> (0)>
#map1 = affine_map<(d0, d1) -> (0, 0)>
module attributes {stable_mosaic.version = 14 : i64} {
  func.func @_body(%arg0: i32, %arg1: i32, %arg2: memref<819200xi32, #tpu.memory_space<hbm>>, %arg3: memref<4096xi32, #tpu.memory_space<hbm>>, %arg4: memref<2000000x64xf32, #tpu.memory_space<hbm>>, %arg5: memref<4096x64xf32, #tpu.memory_space<hbm>>, %arg6: memref<25600xi32, #tpu.memory_space<vmem>>, %arg7: memref<144xi32, #tpu.memory_space<vmem>>, %arg8: memref<4x204x64xf32, #tpu.memory_space<vmem>>, %arg9: memref<128x64xf32, #tpu.memory_space<vmem>>, %arg10: memref<!tpu.dma_semaphore, #tpu.memory_space<semaphore_mem>>, %arg11: memref<!tpu.dma_semaphore, #tpu.memory_space<semaphore_mem>>, %arg12: memref<!tpu.dma_semaphore, #tpu.memory_space<semaphore_mem>>, %arg13: memref<!tpu.dma_semaphore, #tpu.memory_space<semaphore_mem>>) attributes {dimension_semantics = [#tpu.dimension_semantics<core_parallel>, #tpu.dimension_semantics<subcore_parallel>], iteration_bounds = array<i64: 2, 16>, scalar_prefetch = 0 : i64, scratch_operands = 8 : i64, tpu.core_type = #tpu.core_type<sc_vector_subcore>, window_params = [{transform_indices = #map}, {transform_indices = #map}, {transform_indices = #map1}, {transform_indices = #map1}]} {
    %mul3A = arith.constant 2 : i32
    %mul3A_0 = arith.muli %arg1, %mul3A : i32
    %add3A = arith.addi %mul3A_0, %arg0 : i32
    %mul3A_1 = arith.constant 128 : i32
    %mul3A_2 = arith.muli %add3A, %mul3A_1 : i32
    %mul3A_3 = arith.constant 200 : i32
    %mul3A_4 = arith.muli %mul3A_2, %mul3A_3 : i32
    "tpu.region"() ({
      %run_scoped3A = tpu.sem_alloc : memref<!tpu.dma_semaphore, #tpu.memory_space<semaphore_mem>>
      %dma_start3A = tpu.memref_slice %arg2[%mul3A_4] : memref<819200xi32, #tpu.memory_space<hbm>> -> memref<25600xi32, #tpu.memory_space<hbm>>
      %dma_start3A_93 = tpu.memref_slice %arg2[%mul3A_4] : memref<819200xi32, #tpu.memory_space<hbm>> -> memref<25600xi32, #tpu.memory_space<hbm>>
      tpu.enqueue_dma source(%dma_start3A_93 : memref<25600xi32, #tpu.memory_space<hbm>>) target(%arg6 : memref<25600xi32, #tpu.memory_space<vmem>>) target_semaphore(%run_scoped3A : memref<!tpu.dma_semaphore, #tpu.memory_space<semaphore_mem>>)
      %dma_wait3A = tpu.memref_slice %arg2[%mul3A_4] : memref<819200xi32, #tpu.memory_space<hbm>> -> memref<25600xi32, #tpu.memory_space<hbm>>
      %dma_wait3A_94 = tpu.memref_slice %arg2[%mul3A_4] : memref<819200xi32, #tpu.memory_space<hbm>> -> memref<25600xi32, #tpu.memory_space<hbm>>
      tpu.wait_dma2 semaphore(%run_scoped3A : memref<!tpu.dma_semaphore, #tpu.memory_space<semaphore_mem>>) src(%dma_wait3A_94 : memref<25600xi32, #tpu.memory_space<hbm>>) dst(%arg6 : memref<25600xi32, #tpu.memory_space<vmem>>)
      tpu.yield
    }) : () -> ()
    "tpu.region"() ({
      %run_scoped3A = tpu.sem_alloc : memref<!tpu.dma_semaphore, #tpu.memory_space<semaphore_mem>>
      %dma_start3A = arith.constant 0 : i32
      %dma_start3A_93 = tpu.memref_slice %arg7[%dma_start3A] : memref<144xi32, #tpu.memory_space<vmem>> -> memref<128xi32, #tpu.memory_space<vmem>>
      %dma_start3A_94 = tpu.memref_slice %arg3[%mul3A_2] : memref<4096xi32, #tpu.memory_space<hbm>> -> memref<128xi32, #tpu.memory_space<hbm>>
      %dma_start3A_95 = arith.constant 0 : i32
      %dma_start3A_96 = tpu.memref_slice %arg7[%dma_start3A_95] : memref<144xi32, #tpu.memory_space<vmem>> -> memref<128xi32, #tpu.memory_space<vmem>>
      %dma_start3A_97 = tpu.memref_slice %arg3[%mul3A_2] : memref<4096xi32, #tpu.memory_space<hbm>> -> memref<128xi32, #tpu.memory_space<hbm>>
      tpu.enqueue_dma source(%dma_start3A_97 : memref<128xi32, #tpu.memory_space<hbm>>) target(%dma_start3A_96 : memref<128xi32, #tpu.memory_space<vmem>>) target_semaphore(%run_scoped3A : memref<!tpu.dma_semaphore, #tpu.memory_space<semaphore_mem>>)
      %dma_wait3A = arith.constant 0 : i32
      %dma_wait3A_98 = tpu.memref_slice %arg7[%dma_wait3A] : memref<144xi32, #tpu.memory_space<vmem>> -> memref<128xi32, #tpu.memory_space<vmem>>
      %dma_wait3A_99 = tpu.memref_slice %arg3[%mul3A_2] : memref<4096xi32, #tpu.memory_space<hbm>> -> memref<128xi32, #tpu.memory_space<hbm>>
      %dma_wait3A_100 = arith.constant 0 : i32
      %dma_wait3A_101 = tpu.memref_slice %arg7[%dma_wait3A_100] : memref<144xi32, #tpu.memory_space<vmem>> -> memref<128xi32, #tpu.memory_space<vmem>>
      %dma_wait3A_102 = tpu.memref_slice %arg3[%mul3A_2] : memref<4096xi32, #tpu.memory_space<hbm>> -> memref<128xi32, #tpu.memory_space<hbm>>
      tpu.wait_dma2 semaphore(%run_scoped3A : memref<!tpu.dma_semaphore, #tpu.memory_space<semaphore_mem>>) src(%dma_wait3A_102 : memref<128xi32, #tpu.memory_space<hbm>>) dst(%dma_wait3A_101 : memref<128xi32, #tpu.memory_space<vmem>>)
      tpu.yield
    }) : () -> ()
    %scan3A = arith.constant 0 : i32
    %scan3A_5 = arith.constant 0 : i32
    %scan3A_6 = arith.constant 400 : i32
    %scan3A_7 = arith.addi %scan3A_5, %scan3A_6 : i32
    %scan3A_8 = arith.constant 1 : i32
    %scan3A_9 = scf.for %scan3A_93 = %scan3A_5 to %scan3A_7 step %scan3A_8 iter_args(%scan3A_94 = %scan3A) -> (i32)  : i32 {
      %mul3A_95 = arith.constant 4 : i32
      %mul3A_96 = arith.muli %mul3A_95, %scan3A_93 : i32
      %add3A_97 = arith.constant 0 : i32
      %add3A_98 = arith.addi %mul3A_96, %add3A_97 : i32
      %mul3A_99 = arith.constant 16 : i32
      %mul3A_100 = arith.muli %add3A_98, %mul3A_99 : i32
      %get3A_101 = arith.index_cast %mul3A_100 : i32 to index
      %get3A_102 = tpu.vector_load %arg6[%get3A_101] {strides = array<i32>} : memref<25600xi32, #tpu.memory_space<vmem>>, vector<16xi32>,
      %mul3A_103 = arith.constant 2 : i32
      %mul3A_104 = vector.broadcast %mul3A_103 : i32 to vector<16xi32>
      %mul3A_105 = arith.muli %get3A_102, %mul3A_104 : vector<16xi32>
      %swap3A = arith.index_cast %mul3A_100 : i32 to index
      %swap3A_106 = tpu.vector_load %arg6[%swap3A] {strides = array<i32>} : memref<25600xi32, #tpu.memory_space<vmem>>, vector<16xi32>,
      tpu.vector_store %arg6[%swap3A], %mul3A_105 {strides = array<i32>} : memref<25600xi32, #tpu.memory_space<vmem>>, vector<16xi32>,
      %mul3A_107 = arith.constant 4 : i32
      %mul3A_108 = arith.muli %mul3A_107, %scan3A_93 : i32
      %add3A_109 = arith.constant 1 : i32
      %add3A_110 = arith.addi %mul3A_108, %add3A_109 : i32
      %mul3A_111 = arith.constant 16 : i32
      %mul3A_112 = arith.muli %add3A_110, %mul3A_111 : i32
      %get3A_113 = arith.index_cast %mul3A_112 : i32 to index
      %get3A_114 = tpu.vector_load %arg6[%get3A_113] {strides = array<i32>} : memref<25600xi32, #tpu.memory_space<vmem>>, vector<16xi32>,
      %mul3A_115 = arith.constant 2 : i32
      %mul3A_116 = vector.broadcast %mul3A_115 : i32 to vector<16xi32>
      %mul3A_117 = arith.muli %get3A_114, %mul3A_116 : vector<16xi32>
      %swap3A_118 = arith.index_cast %mul3A_112 : i32 to index
      %swap3A_119 = tpu.vector_load %arg6[%swap3A_118] {strides = array<i32>} : memref<25600xi32, #tpu.memory_space<vmem>>, vector<16xi32>,
      tpu.vector_store %arg6[%swap3A_118], %mul3A_117 {strides = array<i32>} : memref<25600xi32, #tpu.memory_space<vmem>>, vector<16xi32>,
      %mul3A_120 = arith.constant 4 : i32
      %mul3A_121 = arith.muli %mul3A_120, %scan3A_93 : i32
      %add3A_122 = arith.constant 2 : i32
      %add3A_123 = arith.addi %mul3A_121, %add3A_122 : i32
      %mul3A_124 = arith.constant 16 : i32
      %mul3A_125 = arith.muli %add3A_123, %mul3A_124 : i32
      %get3A_126 = arith.index_cast %mul3A_125 : i32 to index
      %get3A_127 = tpu.vector_load %arg6[%get3A_126] {strides = array<i32>} : memref<25600xi32, #tpu.memory_space<vmem>>, vector<16xi32>,
      %mul3A_128 = arith.constant 2 : i32
      %mul3A_129 = vector.broadcast %mul3A_128 : i32 to vector<16xi32>
      %mul3A_130 = arith.muli %get3A_127, %mul3A_129 : vector<16xi32>
      %swap3A_131 = arith.index_cast %mul3A_125 : i32 to index
      %swap3A_132 = tpu.vector_load %arg6[%swap3A_131] {strides = array<i32>} : memref<25600xi32, #tpu.memory_space<vmem>>, vector<16xi32>,
      tpu.vector_store %arg6[%swap3A_131], %mul3A_130 {strides = array<i32>} : memref<25600xi32, #tpu.memory_space<vmem>>, vector<16xi32>,
      %mul3A_133 = arith.constant 4 : i32
      %mul3A_134 = arith.muli %mul3A_133, %scan3A_93 : i32
      %add3A_135 = arith.constant 3 : i32
      %add3A_136 = arith.addi %mul3A_134, %add3A_135 : i32
      %mul3A_137 = arith.constant 16 : i32
      %mul3A_138 = arith.muli %add3A_136, %mul3A_137 : i32
      %get3A_139 = arith.index_cast %mul3A_138 : i32 to index
      %get3A_140 = tpu.vector_load %arg6[%get3A_139] {strides = array<i32>} : memref<25600xi32, #tpu.memory_space<vmem>>, vector<16xi32>,
      %mul3A_141 = arith.constant 2 : i32
      %mul3A_142 = vector.broadcast %mul3A_141 : i32 to vector<16xi32>
      %mul3A_143 = arith.muli %get3A_140, %mul3A_142 : vector<16xi32>
      %swap3A_144 = arith.index_cast %mul3A_138 : i32 to index
      %swap3A_145 = tpu.vector_load %arg6[%swap3A_144] {strides = array<i32>} : memref<25600xi32, #tpu.memory_space<vmem>>, vector<16xi32>,
      tpu.vector_store %arg6[%swap3A_144], %mul3A_143 {strides = array<i32>} : memref<25600xi32, #tpu.memory_space<vmem>>, vector<16xi32>,
      %scan3A_146 = arith.constant 0 : i32
      scf.yield %scan3A_146 : i32
    }
    %scan3A_10 = arith.constant 400 : i32
    %get3A = arith.constant 0 : index
    %get3A_11 = tpu.vector_load %arg7[%get3A] {strides = array<i32>} : memref<144xi32, #tpu.memory_space<vmem>>, vector<16xi32>,
    %slice3A = vector.extract_strided_slice %get3A_11 {offsets = [0], sizes = [1], strides = [1]} : vector<16xi32> to vector<1xi32>
    %squeeze3A = vector.extract %slice3A[0] : i32 from vector<1xi32>
    %add3A_12 = arith.constant 31 : i32
    %add3A_13 = arith.addi %squeeze3A, %add3A_12 : i32
    %div3A = arith.constant 32 : i32
    %div3A_14 = arith.divsi %add3A_13, %div3A : i32
    %while3A = arith.constant 0 : i32
    %while3A_15 = arith.constant 0 : i32
    %while3A_16 = arith.subi %div3A_14, %while3A : i32
    %while3A_17 = arith.addi %while3A, %while3A_16 : i32
    %while3A_18 = arith.constant 1 : i32
    %while3A_19 = arith.divsi %while3A_16, %while3A_18 : i32
    %while3A_20 = arith.muli %while3A_19, %while3A_18 : i32
    %while3A_21 = arith.addi %while3A, %while3A_20 : i32
    %while3A_22 = arith.constant 1 : i32
    %while3A_23 = scf.for %while3A_93 = %while3A to %while3A_21 step %while3A_22 iter_args(%while3A_94 = %while3A_15) -> (i32)  : i32 {
      %mul3A_95 = arith.constant 32 : i32
      %mul3A_96 = arith.muli %while3A_93, %mul3A_95 : i32
      %min3A = arith.constant 168 : i32
      %min3A_97 = arith.minsi %mul3A_96, %min3A : i32
      %add3A_98 = arith.constant 0 : i32
      %add3A_99 = arith.addi %add3A_98, %min3A_97 : i32
      %dma_start3A = arith.constant 0 : i32
      %dma_start3A_100 = arith.constant 0 : i32
      %dma_start3A_101 = tpu.memref_slice %arg8[%dma_start3A, %min3A_97, %dma_start3A_100] : memref<4x204x64xf32, #tpu.memory_space<vmem>> -> memref<1x32x64xf32, #tpu.memory_space<vmem>>
      %dma_start3A_102 = tpu.memref_squeeze %dma_start3A_101 : memref<1x32x64xf32, #tpu.memory_space<vmem>> -> memref<32x64xf32, #tpu.memory_space<vmem>>
      %dma_start3A_103 = tpu.memref_slice %arg6[%add3A_99] : memref<25600xi32, #tpu.memory_space<vmem>> -> memref<32xi32, #tpu.memory_space<vmem>>
      %dma_start3A_104 = arith.constant 0 : i32
      %dma_start3A_105 = arith.constant 0 : i32
      %dma_start3A_106 = tpu.memref_slice %arg4[%dma_start3A_104, %dma_start3A_105] : memref<2000000x64xf32, #tpu.memory_space<hbm>> -> memref<2000000x64xf32, #tpu.memory_space<hbm>>
      tpu.enqueue_indirect_dma source(%dma_start3A_106 : memref<2000000x64xf32, #tpu.memory_space<hbm>>) target(%dma_start3A_102 : memref<32x64xf32, #tpu.memory_space<vmem>>) offsets(%dma_start3A_103 : memref<32xi32, #tpu.memory_space<vmem>>) semaphore(%arg10 : memref<!tpu.dma_semaphore, #tpu.memory_space<semaphore_mem>>)
      %while3A_107 = arith.constant 0 : i32
      scf.yield %while3A_107 : i32
    }
    %while3A_24 = arith.constant 1 : i32
    %while3A_25 = scf.for %while3A_93 = %while3A_21 to %while3A_17 step %while3A_24 iter_args(%while3A_94 = %while3A_23) -> (i32)  : i32 {
      %mul3A_95 = arith.constant 32 : i32
      %mul3A_96 = arith.muli %while3A_93, %mul3A_95 : i32
      %min3A = arith.constant 168 : i32
      %min3A_97 = arith.minsi %mul3A_96, %min3A : i32
      %add3A_98 = arith.constant 0 : i32
      %add3A_99 = arith.addi %add3A_98, %min3A_97 : i32
      %dma_start3A = arith.constant 0 : i32
      %dma_start3A_100 = arith.constant 0 : i32
      %dma_start3A_101 = tpu.memref_slice %arg8[%dma_start3A, %min3A_97, %dma_start3A_100] : memref<4x204x64xf32, #tpu.memory_space<vmem>> -> memref<1x32x64xf32, #tpu.memory_space<vmem>>
      %dma_start3A_102 = tpu.memref_squeeze %dma_start3A_101 : memref<1x32x64xf32, #tpu.memory_space<vmem>> -> memref<32x64xf32, #tpu.memory_space<vmem>>
      %dma_start3A_103 = tpu.memref_slice %arg6[%add3A_99] : memref<25600xi32, #tpu.memory_space<vmem>> -> memref<32xi32, #tpu.memory_space<vmem>>
      %dma_start3A_104 = arith.constant 0 : i32
      %dma_start3A_105 = arith.constant 0 : i32
      %dma_start3A_106 = tpu.memref_slice %arg4[%dma_start3A_104, %dma_start3A_105] : memref<2000000x64xf32, #tpu.memory_space<hbm>> -> memref<2000000x64xf32, #tpu.memory_space<hbm>>
      tpu.enqueue_indirect_dma source(%dma_start3A_106 : memref<2000000x64xf32, #tpu.memory_space<hbm>>) target(%dma_start3A_102 : memref<32x64xf32, #tpu.memory_space<vmem>>) offsets(%dma_start3A_103 : memref<32xi32, #tpu.memory_space<vmem>>) semaphore(%arg10 : memref<!tpu.dma_semaphore, #tpu.memory_space<semaphore_mem>>)
      %while3A_107 = arith.constant 0 : i32
      scf.yield %while3A_107 : i32
    }
    %get3A_26 = arith.constant 1 : index
    %get3A_27 = tpu.vector_load %arg7[%get3A_26] {strides = array<i32>} : memref<144xi32, #tpu.memory_space<vmem>>, vector<16xi32>,
    %slice3A_28 = vector.extract_strided_slice %get3A_27 {offsets = [0], sizes = [1], strides = [1]} : vector<16xi32> to vector<1xi32>
    %squeeze3A_29 = vector.extract %slice3A_28[0] : i32 from vector<1xi32>
    %add3A_30 = arith.constant 31 : i32
    %add3A_31 = arith.addi %squeeze3A_29, %add3A_30 : i32
    %div3A_32 = arith.constant 32 : i32
    %div3A_33 = arith.divsi %add3A_31, %div3A_32 : i32
    %while3A_34 = arith.constant 0 : i32
    %while3A_35 = arith.constant 0 : i32
    %while3A_36 = arith.subi %div3A_33, %while3A_34 : i32
    %while3A_37 = arith.addi %while3A_34, %while3A_36 : i32
    %while3A_38 = arith.constant 1 : i32
    %while3A_39 = arith.divsi %while3A_36, %while3A_38 : i32
    %while3A_40 = arith.muli %while3A_39, %while3A_38 : i32
    %while3A_41 = arith.addi %while3A_34, %while3A_40 : i32
    %while3A_42 = arith.constant 1 : i32
    %while3A_43 = scf.for %while3A_93 = %while3A_34 to %while3A_41 step %while3A_42 iter_args(%while3A_94 = %while3A_35) -> (i32)  : i32 {
      %mul3A_95 = arith.constant 32 : i32
      %mul3A_96 = arith.muli %while3A_93, %mul3A_95 : i32
      %min3A = arith.constant 168 : i32
      %min3A_97 = arith.minsi %mul3A_96, %min3A : i32
      %add3A_98 = arith.constant 200 : i32
      %add3A_99 = arith.addi %add3A_98, %min3A_97 : i32
      %dma_start3A = arith.constant 1 : i32
      %dma_start3A_100 = arith.constant 0 : i32
      %dma_start3A_101 = tpu.memref_slice %arg8[%dma_start3A, %min3A_97, %dma_start3A_100] : memref<4x204x64xf32, #tpu.memory_space<vmem>> -> memref<1x32x64xf32, #tpu.memory_space<vmem>>
      %dma_start3A_102 = tpu.memref_squeeze %dma_start3A_101 : memref<1x32x64xf32, #tpu.memory_space<vmem>> -> memref<32x64xf32, #tpu.memory_space<vmem>>
      %dma_start3A_103 = tpu.memref_slice %arg6[%add3A_99] : memref<25600xi32, #tpu.memory_space<vmem>> -> memref<32xi32, #tpu.memory_space<vmem>>
      %dma_start3A_104 = arith.constant 0 : i32
      %dma_start3A_105 = arith.constant 0 : i32
      %dma_start3A_106 = tpu.memref_slice %arg4[%dma_start3A_104, %dma_start3A_105] : memref<2000000x64xf32, #tpu.memory_space<hbm>> -> memref<2000000x64xf32, #tpu.memory_space<hbm>>
      tpu.enqueue_indirect_dma source(%dma_start3A_106 : memref<2000000x64xf32, #tpu.memory_space<hbm>>) target(%dma_start3A_102 : memref<32x64xf32, #tpu.memory_space<vmem>>) offsets(%dma_start3A_103 : memref<32xi32, #tpu.memory_space<vmem>>) semaphore(%arg11 : memref<!tpu.dma_semaphore, #tpu.memory_space<semaphore_mem>>)
      %while3A_107 = arith.constant 0 : i32
      scf.yield %while3A_107 : i32
    }
    %while3A_44 = arith.constant 1 : i32
    %while3A_45 = scf.for %while3A_93 = %while3A_41 to %while3A_37 step %while3A_44 iter_args(%while3A_94 = %while3A_43) -> (i32)  : i32 {
      %mul3A_95 = arith.constant 32 : i32
      %mul3A_96 = arith.muli %while3A_93, %mul3A_95 : i32
      %min3A = arith.constant 168 : i32
      %min3A_97 = arith.minsi %mul3A_96, %min3A : i32
      %add3A_98 = arith.constant 200 : i32
      %add3A_99 = arith.addi %add3A_98, %min3A_97 : i32
      %dma_start3A = arith.constant 1 : i32
      %dma_start3A_100 = arith.constant 0 : i32
      %dma_start3A_101 = tpu.memref_slice %arg8[%dma_start3A, %min3A_97, %dma_start3A_100] : memref<4x204x64xf32, #tpu.memory_space<vmem>> -> memref<1x32x64xf32, #tpu.memory_space<vmem>>
      %dma_start3A_102 = tpu.memref_squeeze %dma_start3A_101 : memref<1x32x64xf32, #tpu.memory_space<vmem>> -> memref<32x64xf32, #tpu.memory_space<vmem>>
      %dma_start3A_103 = tpu.memref_slice %arg6[%add3A_99] : memref<25600xi32, #tpu.memory_space<vmem>> -> memref<32xi32, #tpu.memory_space<vmem>>
      %dma_start3A_104 = arith.constant 0 : i32
      %dma_start3A_105 = arith.constant 0 : i32
      %dma_start3A_106 = tpu.memref_slice %arg4[%dma_start3A_104, %dma_start3A_105] : memref<2000000x64xf32, #tpu.memory_space<hbm>> -> memref<2000000x64xf32, #tpu.memory_space<hbm>>
      tpu.enqueue_indirect_dma source(%dma_start3A_106 : memref<2000000x64xf32, #tpu.memory_space<hbm>>) target(%dma_start3A_102 : memref<32x64xf32, #tpu.memory_space<vmem>>) offsets(%dma_start3A_103 : memref<32xi32, #tpu.memory_space<vmem>>) semaphore(%arg11 : memref<!tpu.dma_semaphore, #tpu.memory_space<semaphore_mem>>)
      %while3A_107 = arith.constant 0 : i32
      scf.yield %while3A_107 : i32
    }
    %get3A_46 = arith.constant 2 : index
    %get3A_47 = tpu.vector_load %arg7[%get3A_46] {strides = array<i32>} : memref<144xi32, #tpu.memory_space<vmem>>, vector<16xi32>,
    %slice3A_48 = vector.extract_strided_slice %get3A_47 {offsets = [0], sizes = [1], strides = [1]} : vector<16xi32> to vector<1xi32>
    %squeeze3A_49 = vector.extract %slice3A_48[0] : i32 from vector<1xi32>
    %add3A_50 = arith.constant 31 : i32
    %add3A_51 = arith.addi %squeeze3A_49, %add3A_50 : i32
    %div3A_52 = arith.constant 32 : i32
    %div3A_53 = arith.divsi %add3A_51, %div3A_52 : i32
    %while3A_54 = arith.constant 0 : i32
    %while3A_55 = arith.constant 0 : i32
    %while3A_56 = arith.subi %div3A_53, %while3A_54 : i32
    %while3A_57 = arith.addi %while3A_54, %while3A_56 : i32
    %while3A_58 = arith.constant 1 : i32
    %while3A_59 = arith.divsi %while3A_56, %while3A_58 : i32
    %while3A_60 = arith.muli %while3A_59, %while3A_58 : i32
    %while3A_61 = arith.addi %while3A_54, %while3A_60 : i32
    %while3A_62 = arith.constant 1 : i32
    %while3A_63 = scf.for %while3A_93 = %while3A_54 to %while3A_61 step %while3A_62 iter_args(%while3A_94 = %while3A_55) -> (i32)  : i32 {
      %mul3A_95 = arith.constant 32 : i32
      %mul3A_96 = arith.muli %while3A_93, %mul3A_95 : i32
      %min3A = arith.constant 168 : i32
      %min3A_97 = arith.minsi %mul3A_96, %min3A : i32
      %add3A_98 = arith.constant 400 : i32
      %add3A_99 = arith.addi %add3A_98, %min3A_97 : i32
      %dma_start3A = arith.constant 2 : i32
      %dma_start3A_100 = arith.constant 0 : i32
      %dma_start3A_101 = tpu.memref_slice %arg8[%dma_start3A, %min3A_97, %dma_start3A_100] : memref<4x204x64xf32, #tpu.memory_space<vmem>> -> memref<1x32x64xf32, #tpu.memory_space<vmem>>
      %dma_start3A_102 = tpu.memref_squeeze %dma_start3A_101 : memref<1x32x64xf32, #tpu.memory_space<vmem>> -> memref<32x64xf32, #tpu.memory_space<vmem>>
      %dma_start3A_103 = tpu.memref_slice %arg6[%add3A_99] : memref<25600xi32, #tpu.memory_space<vmem>> -> memref<32xi32, #tpu.memory_space<vmem>>
      %dma_start3A_104 = arith.constant 0 : i32
      %dma_start3A_105 = arith.constant 0 : i32
      %dma_start3A_106 = tpu.memref_slice %arg4[%dma_start3A_104, %dma_start3A_105] : memref<2000000x64xf32, #tpu.memory_space<hbm>> -> memref<2000000x64xf32, #tpu.memory_space<hbm>>
      tpu.enqueue_indirect_dma source(%dma_start3A_106 : memref<2000000x64xf32, #tpu.memory_space<hbm>>) target(%dma_start3A_102 : memref<32x64xf32, #tpu.memory_space<vmem>>) offsets(%dma_start3A_103 : memref<32xi32, #tpu.memory_space<vmem>>) semaphore(%arg12 : memref<!tpu.dma_semaphore, #tpu.memory_space<semaphore_mem>>)
      %while3A_107 = arith.constant 0 : i32
      scf.yield %while3A_107 : i32
    }
    %while3A_64 = arith.constant 1 : i32
    %while3A_65 = scf.for %while3A_93 = %while3A_61 to %while3A_57 step %while3A_64 iter_args(%while3A_94 = %while3A_63) -> (i32)  : i32 {
      %mul3A_95 = arith.constant 32 : i32
      %mul3A_96 = arith.muli %while3A_93, %mul3A_95 : i32
      %min3A = arith.constant 168 : i32
      %min3A_97 = arith.minsi %mul3A_96, %min3A : i32
      %add3A_98 = arith.constant 400 : i32
      %add3A_99 = arith.addi %add3A_98, %min3A_97 : i32
      %dma_start3A = arith.constant 2 : i32
      %dma_start3A_100 = arith.constant 0 : i32
      %dma_start3A_101 = tpu.memref_slice %arg8[%dma_start3A, %min3A_97, %dma_start3A_100] : memref<4x204x64xf32, #tpu.memory_space<vmem>> -> memref<1x32x64xf32, #tpu.memory_space<vmem>>
      %dma_start3A_102 = tpu.memref_squeeze %dma_start3A_101 : memref<1x32x64xf32, #tpu.memory_space<vmem>> -> memref<32x64xf32, #tpu.memory_space<vmem>>
      %dma_start3A_103 = tpu.memref_slice %arg6[%add3A_99] : memref<25600xi32, #tpu.memory_space<vmem>> -> memref<32xi32, #tpu.memory_space<vmem>>
      %dma_start3A_104 = arith.constant 0 : i32
      %dma_start3A_105 = arith.constant 0 : i32
      %dma_start3A_106 = tpu.memref_slice %arg4[%dma_start3A_104, %dma_start3A_105] : memref<2000000x64xf32, #tpu.memory_space<hbm>> -> memref<2000000x64xf32, #tpu.memory_space<hbm>>
      tpu.enqueue_indirect_dma source(%dma_start3A_106 : memref<2000000x64xf32, #tpu.memory_space<hbm>>) target(%dma_start3A_102 : memref<32x64xf32, #tpu.memory_space<vmem>>) offsets(%dma_start3A_103 : memref<32xi32, #tpu.memory_space<vmem>>) semaphore(%arg12 : memref<!tpu.dma_semaphore, #tpu.memory_space<semaphore_mem>>)
      %while3A_107 = arith.constant 0 : i32
      scf.yield %while3A_107 : i32
    }
    %get3A_66 = arith.constant 3 : index
    %get3A_67 = tpu.vector_load %arg7[%get3A_66] {strides = array<i32>} : memref<144xi32, #tpu.memory_space<vmem>>, vector<16xi32>,
    %slice3A_68 = vector.extract_strided_slice %get3A_67 {offsets = [0], sizes = [1], strides = [1]} : vector<16xi32> to vector<1xi32>
    %squeeze3A_69 = vector.extract %slice3A_68[0] : i32 from vector<1xi32>
    %add3A_70 = arith.constant 31 : i32
    %add3A_71 = arith.addi %squeeze3A_69, %add3A_70 : i32
    %div3A_72 = arith.constant 32 : i32
    %div3A_73 = arith.divsi %add3A_71, %div3A_72 : i32
    %while3A_74 = arith.constant 0 : i32
    %while3A_75 = arith.constant 0 : i32
    %while3A_76 = arith.subi %div3A_73, %while3A_74 : i32
    %while3A_77 = arith.addi %while3A_74, %while3A_76 : i32
    %while3A_78 = arith.constant 1 : i32
    %while3A_79 = arith.divsi %while3A_76, %while3A_78 : i32
    %while3A_80 = arith.muli %while3A_79, %while3A_78 : i32
    %while3A_81 = arith.addi %while3A_74, %while3A_80 : i32
    %while3A_82 = arith.constant 1 : i32
    %while3A_83 = scf.for %while3A_93 = %while3A_74 to %while3A_81 step %while3A_82 iter_args(%while3A_94 = %while3A_75) -> (i32)  : i32 {
      %mul3A_95 = arith.constant 32 : i32
      %mul3A_96 = arith.muli %while3A_93, %mul3A_95 : i32
      %min3A = arith.constant 168 : i32
      %min3A_97 = arith.minsi %mul3A_96, %min3A : i32
      %add3A_98 = arith.constant 600 : i32
      %add3A_99 = arith.addi %add3A_98, %min3A_97 : i32
      %dma_start3A = arith.constant 3 : i32
      %dma_start3A_100 = arith.constant 0 : i32
      %dma_start3A_101 = tpu.memref_slice %arg8[%dma_start3A, %min3A_97, %dma_start3A_100] : memref<4x204x64xf32, #tpu.memory_space<vmem>> -> memref<1x32x64xf32, #tpu.memory_space<vmem>>
      %dma_start3A_102 = tpu.memref_squeeze %dma_start3A_101 : memref<1x32x64xf32, #tpu.memory_space<vmem>> -> memref<32x64xf32, #tpu.memory_space<vmem>>
      %dma_start3A_103 = tpu.memref_slice %arg6[%add3A_99] : memref<25600xi32, #tpu.memory_space<vmem>> -> memref<32xi32, #tpu.memory_space<vmem>>
      %dma_start3A_104 = arith.constant 0 : i32
      %dma_start3A_105 = arith.constant 0 : i32
      %dma_start3A_106 = tpu.memref_slice %arg4[%dma_start3A_104, %dma_start3A_105] : memref<2000000x64xf32, #tpu.memory_space<hbm>> -> memref<2000000x64xf32, #tpu.memory_space<hbm>>
      tpu.enqueue_indirect_dma source(%dma_start3A_106 : memref<2000000x64xf32, #tpu.memory_space<hbm>>) target(%dma_start3A_102 : memref<32x64xf32, #tpu.memory_space<vmem>>) offsets(%dma_start3A_103 : memref<32xi32, #tpu.memory_space<vmem>>) semaphore(%arg13 : memref<!tpu.dma_semaphore, #tpu.memory_space<semaphore_mem>>)
      %while3A_107 = arith.constant 0 : i32
      scf.yield %while3A_107 : i32
    }
    %while3A_84 = arith.constant 1 : i32
    %while3A_85 = scf.for %while3A_93 = %while3A_81 to %while3A_77 step %while3A_84 iter_args(%while3A_94 = %while3A_83) -> (i32)  : i32 {
      %mul3A_95 = arith.constant 32 : i32
      %mul3A_96 = arith.muli %while3A_93, %mul3A_95 : i32
      %min3A = arith.constant 168 : i32
      %min3A_97 = arith.minsi %mul3A_96, %min3A : i32
      %add3A_98 = arith.constant 600 : i32
      %add3A_99 = arith.addi %add3A_98, %min3A_97 : i32
      %dma_start3A = arith.constant 3 : i32
      %dma_start3A_100 = arith.constant 0 : i32
      %dma_start3A_101 = tpu.memref_slice %arg8[%dma_start3A, %min3A_97, %dma_start3A_100] : memref<4x204x64xf32, #tpu.memory_space<vmem>> -> memref<1x32x64xf32, #tpu.memory_space<vmem>>
      %dma_start3A_102 = tpu.memref_squeeze %dma_start3A_101 : memref<1x32x64xf32, #tpu.memory_space<vmem>> -> memref<32x64xf32, #tpu.memory_space<vmem>>
      %dma_start3A_103 = tpu.memref_slice %arg6[%add3A_99] : memref<25600xi32, #tpu.memory_space<vmem>> -> memref<32xi32, #tpu.memory_space<vmem>>
      %dma_start3A_104 = arith.constant 0 : i32
      %dma_start3A_105 = arith.constant 0 : i32
      %dma_start3A_106 = tpu.memref_slice %arg4[%dma_start3A_104, %dma_start3A_105] : memref<2000000x64xf32, #tpu.memory_space<hbm>> -> memref<2000000x64xf32, #tpu.memory_space<hbm>>
      tpu.enqueue_indirect_dma source(%dma_start3A_106 : memref<2000000x64xf32, #tpu.memory_space<hbm>>) target(%dma_start3A_102 : memref<32x64xf32, #tpu.memory_space<vmem>>) offsets(%dma_start3A_103 : memref<32xi32, #tpu.memory_space<vmem>>) semaphore(%arg13 : memref<!tpu.dma_semaphore, #tpu.memory_space<semaphore_mem>>)
      %while3A_107 = arith.constant 0 : i32
      scf.yield %while3A_107 : i32
    }
    %scan3A_86 = arith.constant 0 : i32
    %scan3A_87 = arith.constant 0 : i32
    %scan3A_88 = arith.constant 32 : i32
    %scan3A_89 = arith.addi %scan3A_87, %scan3A_88 : i32
    %scan3A_90 = arith.constant 1 : i32
    %scan3A_91 = scf.for %scan3A_93 = %scan3A_87 to %scan3A_89 step %scan3A_90 iter_args(%scan3A_94 = %scan3A_86) -> (i32)  : i32 {
      %mul3A_95 = arith.constant 4 : i32
      %mul3A_96 = arith.muli %mul3A_95, %scan3A_93 : i32
      %add3A_97 = arith.constant 0 : i32
      %add3A_98 = arith.addi %mul3A_96, %add3A_97 : i32
      %get3A_99 = arith.index_cast %add3A_98 : i32 to index
      %get3A_100 = tpu.vector_load %arg7[%get3A_99] {strides = array<i32>} : memref<144xi32, #tpu.memory_space<vmem>>, vector<16xi32>,
      %slice3A_101 = vector.extract_strided_slice %get3A_100 {offsets = [0], sizes = [1], strides = [1]} : vector<16xi32> to vector<1xi32>
      %squeeze3A_102 = vector.extract %slice3A_101[0] : i32 from vector<1xi32>
      %add3A_103 = arith.constant 31 : i32
      %add3A_104 = arith.addi %squeeze3A_102, %add3A_103 : i32
      %div3A_105 = arith.constant 32 : i32
      %div3A_106 = arith.divsi %add3A_104, %div3A_105 : i32
      %while3A_107 = arith.constant 0 : i32
      %while3A_108 = arith.constant 0 : i32
      %while3A_109 = arith.subi %div3A_106, %while3A_107 : i32
      %while3A_110 = arith.addi %while3A_107, %while3A_109 : i32
      %while3A_111 = arith.constant 1 : i32
      %while3A_112 = arith.divsi %while3A_109, %while3A_111 : i32
      %while3A_113 = arith.muli %while3A_112, %while3A_111 : i32
      %while3A_114 = arith.addi %while3A_107, %while3A_113 : i32
      %while3A_115 = arith.constant 1 : i32
      %while3A_116 = scf.for %while3A_763 = %while3A_107 to %while3A_114 step %while3A_115 iter_args(%while3A_764 = %while3A_108) -> (i32)  : i32 {
        %mul3A_765 = arith.constant 32 : i32
        %mul3A_766 = arith.muli %while3A_763, %mul3A_765 : i32
        %min3A = arith.constant 168 : i32
        %min3A_767 = arith.minsi %mul3A_766, %min3A : i32
        %mul3A_768 = arith.constant 200 : i32
        %mul3A_769 = arith.muli %add3A_98, %mul3A_768 : i32
        %add3A_770 = arith.addi %mul3A_769, %min3A_767 : i32
        %dma_wait3A = arith.constant 0 : i32
        %dma_wait3A_771 = arith.constant 0 : i32
        %dma_wait3A_772 = tpu.memref_slice %arg8[%dma_wait3A, %min3A_767, %dma_wait3A_771] : memref<4x204x64xf32, #tpu.memory_space<vmem>> -> memref<1x32x64xf32, #tpu.memory_space<vmem>>
        %dma_wait3A_773 = tpu.memref_squeeze %dma_wait3A_772 : memref<1x32x64xf32, #tpu.memory_space<vmem>> -> memref<32x64xf32, #tpu.memory_space<vmem>>
        %dma_wait3A_774 = tpu.memref_slice %arg6[%add3A_770] : memref<25600xi32, #tpu.memory_space<vmem>> -> memref<32xi32, #tpu.memory_space<vmem>>
        %dma_wait3A_775 = arith.constant 0 : i32
        %dma_wait3A_776 = arith.constant 0 : i32
        %dma_wait3A_777 = tpu.memref_slice %arg4[%dma_wait3A_775, %dma_wait3A_776] : memref<2000000x64xf32, #tpu.memory_space<hbm>> -> memref<2000000x64xf32, #tpu.memory_space<hbm>>
        tpu.wait_indirect_dma semaphore(%arg10 : memref<!tpu.dma_semaphore, #tpu.memory_space<semaphore_mem>>) src(%dma_wait3A_777 : memref<2000000x64xf32, #tpu.memory_space<hbm>>) dst(%dma_wait3A_773 : memref<32x64xf32, #tpu.memory_space<vmem>>)
        %while3A_778 = arith.constant 0 : i32
        scf.yield %while3A_778 : i32
      }
      %while3A_117 = arith.constant 1 : i32
      %while3A_118 = scf.for %while3A_763 = %while3A_114 to %while3A_110 step %while3A_117 iter_args(%while3A_764 = %while3A_116) -> (i32)  : i32 {
        %mul3A_765 = arith.constant 32 : i32
        %mul3A_766 = arith.muli %while3A_763, %mul3A_765 : i32
        %min3A = arith.constant 168 : i32
        %min3A_767 = arith.minsi %mul3A_766, %min3A : i32
        %mul3A_768 = arith.constant 200 : i32
        %mul3A_769 = arith.muli %add3A_98, %mul3A_768 : i32
        %add3A_770 = arith.addi %mul3A_769, %min3A_767 : i32
        %dma_wait3A = arith.constant 0 : i32
        %dma_wait3A_771 = arith.constant 0 : i32
        %dma_wait3A_772 = tpu.memref_slice %arg8[%dma_wait3A, %min3A_767, %dma_wait3A_771] : memref<4x204x64xf32, #tpu.memory_space<vmem>> -> memref<1x32x64xf32, #tpu.memory_space<vmem>>
        %dma_wait3A_773 = tpu.memref_squeeze %dma_wait3A_772 : memref<1x32x64xf32, #tpu.memory_space<vmem>> -> memref<32x64xf32, #tpu.memory_space<vmem>>
        %dma_wait3A_774 = tpu.memref_slice %arg6[%add3A_770] : memref<25600xi32, #tpu.memory_space<vmem>> -> memref<32xi32, #tpu.memory_space<vmem>>
        %dma_wait3A_775 = arith.constant 0 : i32
        %dma_wait3A_776 = arith.constant 0 : i32
        %dma_wait3A_777 = tpu.memref_slice %arg4[%dma_wait3A_775, %dma_wait3A_776] : memref<2000000x64xf32, #tpu.memory_space<hbm>> -> memref<2000000x64xf32, #tpu.memory_space<hbm>>
        tpu.wait_indirect_dma semaphore(%arg10 : memref<!tpu.dma_semaphore, #tpu.memory_space<semaphore_mem>>) src(%dma_wait3A_777 : memref<2000000x64xf32, #tpu.memory_space<hbm>>) dst(%dma_wait3A_773 : memref<32x64xf32, #tpu.memory_space<vmem>>)
        %while3A_778 = arith.constant 0 : i32
        scf.yield %while3A_778 : i32
      }
      %broadcast_in_dim3A = arith.constant 0.000000e+00 : f32
      %broadcast_in_dim3A_119 = vector.broadcast %broadcast_in_dim3A : f32 to vector<16xf32>
      %div3A_120 = arith.constant 4 : i32
      %div3A_121 = arith.divsi %squeeze3A_102, %div3A_120 : i32
      %while3A_122 = arith.constant 0 : i32
      %while3A_123 = arith.subi %div3A_121, %while3A_122 : i32
      %while3A_124 = arith.addi %while3A_122, %while3A_123 : i32
      %while3A_125 = arith.constant 1 : i32
      %while3A_126 = arith.divsi %while3A_123, %while3A_125 : i32
      %while3A_127 = arith.muli %while3A_126, %while3A_125 : i32
      %while3A_128 = arith.addi %while3A_122, %while3A_127 : i32
      %while3A_129 = arith.constant 1 : i32
      %while3A_130:4 = scf.for %while3A_763 = %while3A_122 to %while3A_128 step %while3A_129 iter_args(%while3A_764 = %broadcast_in_dim3A_119, %while3A_765 = %broadcast_in_dim3A_119, %while3A_766 = %broadcast_in_dim3A_119, %while3A_767 = %broadcast_in_dim3A_119) -> (vector<16xf32>, vector<16xf32>, vector<16xf32>, vector<16xf32>)  : i32 {
        %mul3A_768 = arith.constant 4 : i32
        %mul3A_769 = arith.muli %mul3A_768, %while3A_763 : i32
        %add3A_770 = arith.constant 0 : i32
        %add3A_771 = arith.addi %mul3A_769, %add3A_770 : i32
        %get3A_772 = arith.constant 0 : i32
        %get3A_773 = arith.index_cast %get3A_772 : i32 to index
        %get3A_774 = arith.index_cast %add3A_771 : i32 to index
        %get3A_775 = arith.constant 0 : index
        %get3A_776 = tpu.vector_load %arg8[%get3A_773, %get3A_774, %get3A_775] {strides = array<i32>} : memref<4x204x64xf32, #tpu.memory_space<vmem>>, vector<16xf32>,
        %get3A_777 = arith.constant 0 : i32
        %get3A_778 = arith.index_cast %get3A_777 : i32 to index
        %get3A_779 = arith.index_cast %add3A_771 : i32 to index
        %get3A_780 = arith.constant 16 : index
        %get3A_781 = tpu.vector_load %arg8[%get3A_778, %get3A_779, %get3A_780] {strides = array<i32>} : memref<4x204x64xf32, #tpu.memory_space<vmem>>, vector<16xf32>,
        %get3A_782 = arith.constant 0 : i32
        %get3A_783 = arith.index_cast %get3A_782 : i32 to index
        %get3A_784 = arith.index_cast %add3A_771 : i32 to index
        %get3A_785 = arith.constant 32 : index
        %get3A_786 = tpu.vector_load %arg8[%get3A_783, %get3A_784, %get3A_785] {strides = array<i32>} : memref<4x204x64xf32, #tpu.memory_space<vmem>>, vector<16xf32>,
        %get3A_787 = arith.constant 0 : i32
        %get3A_788 = arith.index_cast %get3A_787 : i32 to index
        %get3A_789 = arith.index_cast %add3A_771 : i32 to index
        %get3A_790 = arith.constant 48 : index
        %get3A_791 = tpu.vector_load %arg8[%get3A_788, %get3A_789, %get3A_790] {strides = array<i32>} : memref<4x204x64xf32, #tpu.memory_space<vmem>>, vector<16xf32>,
        %mul3A_792 = arith.constant 4 : i32
        %mul3A_793 = arith.muli %mul3A_792, %while3A_763 : i32
        %add3A_794 = arith.constant 1 : i32
        %add3A_795 = arith.addi %mul3A_793, %add3A_794 : i32
        %get3A_796 = arith.constant 0 : i32
        %get3A_797 = arith.index_cast %get3A_796 : i32 to index
        %get3A_798 = arith.index_cast %add3A_795 : i32 to index
        %get3A_799 = arith.constant 0 : index
        %get3A_800 = tpu.vector_load %arg8[%get3A_797, %get3A_798, %get3A_799] {strides = array<i32>} : memref<4x204x64xf32, #tpu.memory_space<vmem>>, vector<16xf32>,
        %get3A_801 = arith.constant 0 : i32
        %get3A_802 = arith.index_cast %get3A_801 : i32 to index
        %get3A_803 = arith.index_cast %add3A_795 : i32 to index
        %get3A_804 = arith.constant 16 : index
        %get3A_805 = tpu.vector_load %arg8[%get3A_802, %get3A_803, %get3A_804] {strides = array<i32>} : memref<4x204x64xf32, #tpu.memory_space<vmem>>, vector<16xf32>,
        %get3A_806 = arith.constant 0 : i32
        %get3A_807 = arith.index_cast %get3A_806 : i32 to index
        %get3A_808 = arith.index_cast %add3A_795 : i32 to index
        %get3A_809 = arith.constant 32 : index
        %get3A_810 = tpu.vector_load %arg8[%get3A_807, %get3A_808, %get3A_809] {strides = array<i32>} : memref<4x204x64xf32, #tpu.memory_space<vmem>>, vector<16xf32>,
        %get3A_811 = arith.constant 0 : i32
        %get3A_812 = arith.index_cast %get3A_811 : i32 to index
        %get3A_813 = arith.index_cast %add3A_795 : i32 to index
        %get3A_814 = arith.constant 48 : index
        %get3A_815 = tpu.vector_load %arg8[%get3A_812, %get3A_813, %get3A_814] {strides = array<i32>} : memref<4x204x64xf32, #tpu.memory_space<vmem>>, vector<16xf32>,
        %mul3A_816 = arith.constant 4 : i32
        %mul3A_817 = arith.muli %mul3A_816, %while3A_763 : i32
        %add3A_818 = arith.constant 2 : i32
        %add3A_819 = arith.addi %mul3A_817, %add3A_818 : i32
        %get3A_820 = arith.constant 0 : i32
        %get3A_821 = arith.index_cast %get3A_820 : i32 to index
        %get3A_822 = arith.index_cast %add3A_819 : i32 to index
        %get3A_823 = arith.constant 0 : index
        %get3A_824 = tpu.vector_load %arg8[%get3A_821, %get3A_822, %get3A_823] {strides = array<i32>} : memref<4x204x64xf32, #tpu.memory_space<vmem>>, vector<16xf32>,
        %get3A_825 = arith.constant 0 : i32
        %get3A_826 = arith.index_cast %get3A_825 : i32 to index
        %get3A_827 = arith.index_cast %add3A_819 : i32 to index
        %get3A_828 = arith.constant 16 : index
        %get3A_829 = tpu.vector_load %arg8[%get3A_826, %get3A_827, %get3A_828] {strides = array<i32>} : memref<4x204x64xf32, #tpu.memory_space<vmem>>, vector<16xf32>,
        %get3A_830 = arith.constant 0 : i32
        %get3A_831 = arith.index_cast %get3A_830 : i32 to index
        %get3A_832 = arith.index_cast %add3A_819 : i32 to index
        %get3A_833 = arith.constant 32 : index
        %get3A_834 = tpu.vector_load %arg8[%get3A_831, %get3A_832, %get3A_833] {strides = array<i32>} : memref<4x204x64xf32, #tpu.memory_space<vmem>>, vector<16xf32>,
        %get3A_835 = arith.constant 0 : i32
        %get3A_836 = arith.index_cast %get3A_835 : i32 to index
        %get3A_837 = arith.index_cast %add3A_819 : i32 to index
        %get3A_838 = arith.constant 48 : index
        %get3A_839 = tpu.vector_load %arg8[%get3A_836, %get3A_837, %get3A_838] {strides = array<i32>} : memref<4x204x64xf32, #tpu.memory_space<vmem>>, vector<16xf32>,
        %mul3A_840 = arith.constant 4 : i32
        %mul3A_841 = arith.muli %mul3A_840, %while3A_763 : i32
        %add3A_842 = arith.constant 3 : i32
        %add3A_843 = arith.addi %mul3A_841, %add3A_842 : i32
        %get3A_844 = arith.constant 0 : i32
        %get3A_845 = arith.index_cast %get3A_844 : i32 to index
        %get3A_846 = arith.index_cast %add3A_843 : i32 to index
        %get3A_847 = arith.constant 0 : index
        %get3A_848 = tpu.vector_load %arg8[%get3A_845, %get3A_846, %get3A_847] {strides = array<i32>} : memref<4x204x64xf32, #tpu.memory_space<vmem>>, vector<16xf32>,
        %get3A_849 = arith.constant 0 : i32
        %get3A_850 = arith.index_cast %get3A_849 : i32 to index
        %get3A_851 = arith.index_cast %add3A_843 : i32 to index
        %get3A_852 = arith.constant 16 : index
        %get3A_853 = tpu.vector_load %arg8[%get3A_850, %get3A_851, %get3A_852] {strides = array<i32>} : memref<4x204x64xf32, #tpu.memory_space<vmem>>, vector<16xf32>,
        %get3A_854 = arith.constant 0 : i32
        %get3A_855 = arith.index_cast %get3A_854 : i32 to index
        %get3A_856 = arith.index_cast %add3A_843 : i32 to index
        %get3A_857 = arith.constant 32 : index
        %get3A_858 = tpu.vector_load %arg8[%get3A_855, %get3A_856, %get3A_857] {strides = array<i32>} : memref<4x204x64xf32, #tpu.memory_space<vmem>>, vector<16xf32>,
        %get3A_859 = arith.constant 0 : i32
        %get3A_860 = arith.index_cast %get3A_859 : i32 to index
        %get3A_861 = arith.index_cast %add3A_843 : i32 to index
        %get3A_862 = arith.constant 48 : index
        %get3A_863 = tpu.vector_load %arg8[%get3A_860, %get3A_861, %get3A_862] {strides = array<i32>} : memref<4x204x64xf32, #tpu.memory_space<vmem>>, vector<16xf32>,
        %add3A_864 = arith.addf %get3A_776, %get3A_800 : vector<16xf32>
        %add3A_865 = arith.addf %get3A_824, %get3A_848 : vector<16xf32>
        %add3A_866 = arith.addf %add3A_864, %add3A_865 : vector<16xf32>
        %add3A_867 = arith.addf %while3A_764, %add3A_866 : vector<16xf32>
        %add3A_868 = arith.addf %get3A_781, %get3A_805 : vector<16xf32>
        %add3A_869 = arith.addf %get3A_829, %get3A_853 : vector<16xf32>
        %add3A_870 = arith.addf %add3A_868, %add3A_869 : vector<16xf32>
        %add3A_871 = arith.addf %while3A_765, %add3A_870 : vector<16xf32>
        %add3A_872 = arith.addf %get3A_786, %get3A_810 : vector<16xf32>
        %add3A_873 = arith.addf %get3A_834, %get3A_858 : vector<16xf32>
        %add3A_874 = arith.addf %add3A_872, %add3A_873 : vector<16xf32>
        %add3A_875 = arith.addf %while3A_766, %add3A_874 : vector<16xf32>
        %add3A_876 = arith.addf %get3A_791, %get3A_815 : vector<16xf32>
        %add3A_877 = arith.addf %get3A_839, %get3A_863 : vector<16xf32>
        %add3A_878 = arith.addf %add3A_876, %add3A_877 : vector<16xf32>
        %add3A_879 = arith.addf %while3A_767, %add3A_878 : vector<16xf32>
        scf.yield %add3A_867, %add3A_871, %add3A_875, %add3A_879 : vector<16xf32>, vector<16xf32>, vector<16xf32>, vector<16xf32>
      }
      %while3A_131 = arith.constant 1 : i32
      %while3A_132:4 = scf.for %while3A_763 = %while3A_128 to %while3A_124 step %while3A_131 iter_args(%while3A_764 = %while3A_130#0, %while3A_765 = %while3A_130#1, %while3A_766 = %while3A_130#2, %while3A_767 = %while3A_130#3) -> (vector<16xf32>, vector<16xf32>, vector<16xf32>, vector<16xf32>)  : i32 {
        %mul3A_768 = arith.constant 4 : i32
        %mul3A_769 = arith.muli %mul3A_768, %while3A_763 : i32
        %add3A_770 = arith.constant 0 : i32
        %add3A_771 = arith.addi %mul3A_769, %add3A_770 : i32
        %get3A_772 = arith.constant 0 : i32
        %get3A_773 = arith.index_cast %get3A_772 : i32 to index
        %get3A_774 = arith.index_cast %add3A_771 : i32 to index
        %get3A_775 = arith.constant 0 : index
        %get3A_776 = tpu.vector_load %arg8[%get3A_773, %get3A_774, %get3A_775] {strides = array<i32>} : memref<4x204x64xf32, #tpu.memory_space<vmem>>, vector<16xf32>,
        %get3A_777 = arith.constant 0 : i32
        %get3A_778 = arith.index_cast %get3A_777 : i32 to index
        %get3A_779 = arith.index_cast %add3A_771 : i32 to index
        %get3A_780 = arith.constant 16 : index
        %get3A_781 = tpu.vector_load %arg8[%get3A_778, %get3A_779, %get3A_780] {strides = array<i32>} : memref<4x204x64xf32, #tpu.memory_space<vmem>>, vector<16xf32>,
        %get3A_782 = arith.constant 0 : i32
        %get3A_783 = arith.index_cast %get3A_782 : i32 to index
        %get3A_784 = arith.index_cast %add3A_771 : i32 to index
        %get3A_785 = arith.constant 32 : index
        %get3A_786 = tpu.vector_load %arg8[%get3A_783, %get3A_784, %get3A_785] {strides = array<i32>} : memref<4x204x64xf32, #tpu.memory_space<vmem>>, vector<16xf32>,
        %get3A_787 = arith.constant 0 : i32
        %get3A_788 = arith.index_cast %get3A_787 : i32 to index
        %get3A_789 = arith.index_cast %add3A_771 : i32 to index
        %get3A_790 = arith.constant 48 : index
        %get3A_791 = tpu.vector_load %arg8[%get3A_788, %get3A_789, %get3A_790] {strides = array<i32>} : memref<4x204x64xf32, #tpu.memory_space<vmem>>, vector<16xf32>,
        %mul3A_792 = arith.constant 4 : i32
        %mul3A_793 = arith.muli %mul3A_792, %while3A_763 : i32
        %add3A_794 = arith.constant 1 : i32
        %add3A_795 = arith.addi %mul3A_793, %add3A_794 : i32
        %get3A_796 = arith.constant 0 : i32
        %get3A_797 = arith.index_cast %get3A_796 : i32 to index
        %get3A_798 = arith.index_cast %add3A_795 : i32 to index
        %get3A_799 = arith.constant 0 : index
        %get3A_800 = tpu.vector_load %arg8[%get3A_797, %get3A_798, %get3A_799] {strides = array<i32>} : memref<4x204x64xf32, #tpu.memory_space<vmem>>, vector<16xf32>,
        %get3A_801 = arith.constant 0 : i32
        %get3A_802 = arith.index_cast %get3A_801 : i32 to index
        %get3A_803 = arith.index_cast %add3A_795 : i32 to index
        %get3A_804 = arith.constant 16 : index
        %get3A_805 = tpu.vector_load %arg8[%get3A_802, %get3A_803, %get3A_804] {strides = array<i32>} : memref<4x204x64xf32, #tpu.memory_space<vmem>>, vector<16xf32>,
        %get3A_806 = arith.constant 0 : i32
        %get3A_807 = arith.index_cast %get3A_806 : i32 to index
        %get3A_808 = arith.index_cast %add3A_795 : i32 to index
        %get3A_809 = arith.constant 32 : index
        %get3A_810 = tpu.vector_load %arg8[%get3A_807, %get3A_808, %get3A_809] {strides = array<i32>} : memref<4x204x64xf32, #tpu.memory_space<vmem>>, vector<16xf32>,
        %get3A_811 = arith.constant 0 : i32
        %get3A_812 = arith.index_cast %get3A_811 : i32 to index
        %get3A_813 = arith.index_cast %add3A_795 : i32 to index
        %get3A_814 = arith.constant 48 : index
        %get3A_815 = tpu.vector_load %arg8[%get3A_812, %get3A_813, %get3A_814] {strides = array<i32>} : memref<4x204x64xf32, #tpu.memory_space<vmem>>, vector<16xf32>,
        %mul3A_816 = arith.constant 4 : i32
        %mul3A_817 = arith.muli %mul3A_816, %while3A_763 : i32
        %add3A_818 = arith.constant 2 : i32
        %add3A_819 = arith.addi %mul3A_817, %add3A_818 : i32
        %get3A_820 = arith.constant 0 : i32
        %get3A_821 = arith.index_cast %get3A_820 : i32 to index
        %get3A_822 = arith.index_cast %add3A_819 : i32 to index
        %get3A_823 = arith.constant 0 : index
        %get3A_824 = tpu.vector_load %arg8[%get3A_821, %get3A_822, %get3A_823] {strides = array<i32>} : memref<4x204x64xf32, #tpu.memory_space<vmem>>, vector<16xf32>,
        %get3A_825 = arith.constant 0 : i32
        %get3A_826 = arith.index_cast %get3A_825 : i32 to index
        %get3A_827 = arith.index_cast %add3A_819 : i32 to index
        %get3A_828 = arith.constant 16 : index
        %get3A_829 = tpu.vector_load %arg8[%get3A_826, %get3A_827, %get3A_828] {strides = array<i32>} : memref<4x204x64xf32, #tpu.memory_space<vmem>>, vector<16xf32>,
        %get3A_830 = arith.constant 0 : i32
        %get3A_831 = arith.index_cast %get3A_830 : i32 to index
        %get3A_832 = arith.index_cast %add3A_819 : i32 to index
        %get3A_833 = arith.constant 32 : index
        %get3A_834 = tpu.vector_load %arg8[%get3A_831, %get3A_832, %get3A_833] {strides = array<i32>} : memref<4x204x64xf32, #tpu.memory_space<vmem>>, vector<16xf32>,
        %get3A_835 = arith.constant 0 : i32
        %get3A_836 = arith.index_cast %get3A_835 : i32 to index
        %get3A_837 = arith.index_cast %add3A_819 : i32 to index
        %get3A_838 = arith.constant 48 : index
        %get3A_839 = tpu.vector_load %arg8[%get3A_836, %get3A_837, %get3A_838] {strides = array<i32>} : memref<4x204x64xf32, #tpu.memory_space<vmem>>, vector<16xf32>,
        %mul3A_840 = arith.constant 4 : i32
        %mul3A_841 = arith.muli %mul3A_840, %while3A_763 : i32
        %add3A_842 = arith.constant 3 : i32
        %add3A_843 = arith.addi %mul3A_841, %add3A_842 : i32
        %get3A_844 = arith.constant 0 : i32
        %get3A_845 = arith.index_cast %get3A_844 : i32 to index
        %get3A_846 = arith.index_cast %add3A_843 : i32 to index
        %get3A_847 = arith.constant 0 : index
        %get3A_848 = tpu.vector_load %arg8[%get3A_845, %get3A_846, %get3A_847] {strides = array<i32>} : memref<4x204x64xf32, #tpu.memory_space<vmem>>, vector<16xf32>,
        %get3A_849 = arith.constant 0 : i32
        %get3A_850 = arith.index_cast %get3A_849 : i32 to index
        %get3A_851 = arith.index_cast %add3A_843 : i32 to index
        %get3A_852 = arith.constant 16 : index
        %get3A_853 = tpu.vector_load %arg8[%get3A_850, %get3A_851, %get3A_852] {strides = array<i32>} : memref<4x204x64xf32, #tpu.memory_space<vmem>>, vector<16xf32>,
        %get3A_854 = arith.constant 0 : i32
        %get3A_855 = arith.index_cast %get3A_854 : i32 to index
        %get3A_856 = arith.index_cast %add3A_843 : i32 to index
        %get3A_857 = arith.constant 32 : index
        %get3A_858 = tpu.vector_load %arg8[%get3A_855, %get3A_856, %get3A_857] {strides = array<i32>} : memref<4x204x64xf32, #tpu.memory_space<vmem>>, vector<16xf32>,
        %get3A_859 = arith.constant 0 : i32
        %get3A_860 = arith.index_cast %get3A_859 : i32 to index
        %get3A_861 = arith.index_cast %add3A_843 : i32 to index
        %get3A_862 = arith.constant 48 : index
        %get3A_863 = tpu.vector_load %arg8[%get3A_860, %get3A_861, %get3A_862] {strides = array<i32>} : memref<4x204x64xf32, #tpu.memory_space<vmem>>, vector<16xf32>,
        %add3A_864 = arith.addf %get3A_776, %get3A_800 : vector<16xf32>
        %add3A_865 = arith.addf %get3A_824, %get3A_848 : vector<16xf32>
        %add3A_866 = arith.addf %add3A_864, %add3A_865 : vector<16xf32>
        %add3A_867 = arith.addf %while3A_764, %add3A_866 : vector<16xf32>
        %add3A_868 = arith.addf %get3A_781, %get3A_805 : vector<16xf32>
        %add3A_869 = arith.addf %get3A_829, %get3A_853 : vector<16xf32>
        %add3A_870 = arith.addf %add3A_868, %add3A_869 : vector<16xf32>
        %add3A_871 = arith.addf %while3A_765, %add3A_870 : vector<16xf32>
        %add3A_872 = arith.addf %get3A_786, %get3A_810 : vector<16xf32>
        %add3A_873 = arith.addf %get3A_834, %get3A_858 : vector<16xf32>
        %add3A_874 = arith.addf %add3A_872, %add3A_873 : vector<16xf32>
        %add3A_875 = arith.addf %while3A_766, %add3A_874 : vector<16xf32>
        %add3A_876 = arith.addf %get3A_791, %get3A_815 : vector<16xf32>
        %add3A_877 = arith.addf %get3A_839, %get3A_863 : vector<16xf32>
        %add3A_878 = arith.addf %add3A_876, %add3A_877 : vector<16xf32>
        %add3A_879 = arith.addf %while3A_767, %add3A_878 : vector<16xf32>
        scf.yield %add3A_867, %add3A_871, %add3A_875, %add3A_879 : vector<16xf32>, vector<16xf32>, vector<16xf32>, vector<16xf32>
      }
      %mul3A_133 = arith.constant 4 : i32
      %mul3A_134 = arith.muli %div3A_121, %mul3A_133 : i32
      %add3A_135 = arith.constant 0 : i32
      %add3A_136 = arith.addi %mul3A_134, %add3A_135 : i32
      %lt3A = arith.cmpi slt, %add3A_136, %squeeze3A_102 : i32
      %broadcast_in_dim3A_137 = vector.broadcast %lt3A : i1 to vector<16xi1>
      %add3A_138 = arith.constant 0 : i32
      %add3A_139 = arith.addi %mul3A_134, %add3A_138 : i32
      %get3A_140 = arith.constant 0 : i32
      %get3A_141 = arith.index_cast %get3A_140 : i32 to index
      %get3A_142 = arith.index_cast %add3A_139 : i32 to index
      %get3A_143 = arith.constant 0 : index
      %get3A_144 = tpu.vector_load %arg8[%get3A_141, %get3A_142, %get3A_143] {strides = array<i32>} : memref<4x204x64xf32, #tpu.memory_space<vmem>>, vector<16xf32>,
      %get3A_145 = arith.constant 0 : i32
      %get3A_146 = arith.index_cast %get3A_145 : i32 to index
      %get3A_147 = arith.index_cast %add3A_139 : i32 to index
      %get3A_148 = arith.constant 16 : index
      %get3A_149 = tpu.vector_load %arg8[%get3A_146, %get3A_147, %get3A_148] {strides = array<i32>} : memref<4x204x64xf32, #tpu.memory_space<vmem>>, vector<16xf32>,
      %get3A_150 = arith.constant 0 : i32
      %get3A_151 = arith.index_cast %get3A_150 : i32 to index
      %get3A_152 = arith.index_cast %add3A_139 : i32 to index
      %get3A_153 = arith.constant 32 : index
      %get3A_154 = tpu.vector_load %arg8[%get3A_151, %get3A_152, %get3A_153] {strides = array<i32>} : memref<4x204x64xf32, #tpu.memory_space<vmem>>, vector<16xf32>,
      %get3A_155 = arith.constant 0 : i32
      %get3A_156 = arith.index_cast %get3A_155 : i32 to index
      %get3A_157 = arith.index_cast %add3A_139 : i32 to index
      %get3A_158 = arith.constant 48 : index
      %get3A_159 = tpu.vector_load %arg8[%get3A_156, %get3A_157, %get3A_158] {strides = array<i32>} : memref<4x204x64xf32, #tpu.memory_space<vmem>>, vector<16xf32>,
      %select_n3A = arith.select %broadcast_in_dim3A_137, %get3A_144, %broadcast_in_dim3A_119 : vector<16xi1>, vector<16xf32>
      %add3A_160 = arith.addf %while3A_132#0, %select_n3A : vector<16xf32>
      %select_n3A_161 = arith.select %broadcast_in_dim3A_137, %get3A_149, %broadcast_in_dim3A_119 : vector<16xi1>, vector<16xf32>
      %add3A_162 = arith.addf %while3A_132#1, %select_n3A_161 : vector<16xf32>
      %select_n3A_163 = arith.select %broadcast_in_dim3A_137, %get3A_154, %broadcast_in_dim3A_119 : vector<16xi1>, vector<16xf32>
      %add3A_164 = arith.addf %while3A_132#2, %select_n3A_163 : vector<16xf32>
      %select_n3A_165 = arith.select %broadcast_in_dim3A_137, %get3A_159, %broadcast_in_dim3A_119 : vector<16xi1>, vector<16xf32>
      %add3A_166 = arith.addf %while3A_132#3, %select_n3A_165 : vector<16xf32>
      %add3A_167 = arith.constant 1 : i32
      %add3A_168 = arith.addi %mul3A_134, %add3A_167 : i32
      %lt3A_169 = arith.cmpi slt, %add3A_168, %squeeze3A_102 : i32
      %broadcast_in_dim3A_170 = vector.broadcast %lt3A_169 : i1 to vector<16xi1>
      %add3A_171 = arith.constant 1 : i32
      %add3A_172 = arith.addi %mul3A_134, %add3A_171 : i32
      %get3A_173 = arith.constant 0 : i32
      %get3A_174 = arith.index_cast %get3A_173 : i32 to index
      %get3A_175 = arith.index_cast %add3A_172 : i32 to index
      %get3A_176 = arith.constant 0 : index
      %get3A_177 = tpu.vector_load %arg8[%get3A_174, %get3A_175, %get3A_176] {strides = array<i32>} : memref<4x204x64xf32, #tpu.memory_space<vmem>>, vector<16xf32>,
      %get3A_178 = arith.constant 0 : i32
      %get3A_179 = arith.index_cast %get3A_178 : i32 to index
      %get3A_180 = arith.index_cast %add3A_172 : i32 to index
      %get3A_181 = arith.constant 16 : index
      %get3A_182 = tpu.vector_load %arg8[%get3A_179, %get3A_180, %get3A_181] {strides = array<i32>} : memref<4x204x64xf32, #tpu.memory_space<vmem>>, vector<16xf32>,
      %get3A_183 = arith.constant 0 : i32
      %get3A_184 = arith.index_cast %get3A_183 : i32 to index
      %get3A_185 = arith.index_cast %add3A_172 : i32 to index
      %get3A_186 = arith.constant 32 : index
      %get3A_187 = tpu.vector_load %arg8[%get3A_184, %get3A_185, %get3A_186] {strides = array<i32>} : memref<4x204x64xf32, #tpu.memory_space<vmem>>, vector<16xf32>,
      %get3A_188 = arith.constant 0 : i32
      %get3A_189 = arith.index_cast %get3A_188 : i32 to index
      %get3A_190 = arith.index_cast %add3A_172 : i32 to index
      %get3A_191 = arith.constant 48 : index
      %get3A_192 = tpu.vector_load %arg8[%get3A_189, %get3A_190, %get3A_191] {strides = array<i32>} : memref<4x204x64xf32, #tpu.memory_space<vmem>>, vector<16xf32>,
      %select_n3A_193 = arith.select %broadcast_in_dim3A_170, %get3A_177, %broadcast_in_dim3A_119 : vector<16xi1>, vector<16xf32>
      %add3A_194 = arith.addf %add3A_160, %select_n3A_193 : vector<16xf32>
      %select_n3A_195 = arith.select %broadcast_in_dim3A_170, %get3A_182, %broadcast_in_dim3A_119 : vector<16xi1>, vector<16xf32>
      %add3A_196 = arith.addf %add3A_162, %select_n3A_195 : vector<16xf32>
      %select_n3A_197 = arith.select %broadcast_in_dim3A_170, %get3A_187, %broadcast_in_dim3A_119 : vector<16xi1>, vector<16xf32>
      %add3A_198 = arith.addf %add3A_164, %select_n3A_197 : vector<16xf32>
      %select_n3A_199 = arith.select %broadcast_in_dim3A_170, %get3A_192, %broadcast_in_dim3A_119 : vector<16xi1>, vector<16xf32>
      %add3A_200 = arith.addf %add3A_166, %select_n3A_199 : vector<16xf32>
      %add3A_201 = arith.constant 2 : i32
      %add3A_202 = arith.addi %mul3A_134, %add3A_201 : i32
      %lt3A_203 = arith.cmpi slt, %add3A_202, %squeeze3A_102 : i32
      %broadcast_in_dim3A_204 = vector.broadcast %lt3A_203 : i1 to vector<16xi1>
      %add3A_205 = arith.constant 2 : i32
      %add3A_206 = arith.addi %mul3A_134, %add3A_205 : i32
      %get3A_207 = arith.constant 0 : i32
      %get3A_208 = arith.index_cast %get3A_207 : i32 to index
      %get3A_209 = arith.index_cast %add3A_206 : i32 to index
      %get3A_210 = arith.constant 0 : index
      %get3A_211 = tpu.vector_load %arg8[%get3A_208, %get3A_209, %get3A_210] {strides = array<i32>} : memref<4x204x64xf32, #tpu.memory_space<vmem>>, vector<16xf32>,
      %get3A_212 = arith.constant 0 : i32
      %get3A_213 = arith.index_cast %get3A_212 : i32 to index
      %get3A_214 = arith.index_cast %add3A_206 : i32 to index
      %get3A_215 = arith.constant 16 : index
      %get3A_216 = tpu.vector_load %arg8[%get3A_213, %get3A_214, %get3A_215] {strides = array<i32>} : memref<4x204x64xf32, #tpu.memory_space<vmem>>, vector<16xf32>,
      %get3A_217 = arith.constant 0 : i32
      %get3A_218 = arith.index_cast %get3A_217 : i32 to index
      %get3A_219 = arith.index_cast %add3A_206 : i32 to index
      %get3A_220 = arith.constant 32 : index
      %get3A_221 = tpu.vector_load %arg8[%get3A_218, %get3A_219, %get3A_220] {strides = array<i32>} : memref<4x204x64xf32, #tpu.memory_space<vmem>>, vector<16xf32>,
      %get3A_222 = arith.constant 0 : i32
      %get3A_223 = arith.index_cast %get3A_222 : i32 to index
      %get3A_224 = arith.index_cast %add3A_206 : i32 to index
      %get3A_225 = arith.constant 48 : index
      %get3A_226 = tpu.vector_load %arg8[%get3A_223, %get3A_224, %get3A_225] {strides = array<i32>} : memref<4x204x64xf32, #tpu.memory_space<vmem>>, vector<16xf32>,
      %select_n3A_227 = arith.select %broadcast_in_dim3A_204, %get3A_211, %broadcast_in_dim3A_119 : vector<16xi1>, vector<16xf32>
      %add3A_228 = arith.addf %add3A_194, %select_n3A_227 : vector<16xf32>
      %select_n3A_229 = arith.select %broadcast_in_dim3A_204, %get3A_216, %broadcast_in_dim3A_119 : vector<16xi1>, vector<16xf32>
      %add3A_230 = arith.addf %add3A_196, %select_n3A_229 : vector<16xf32>
      %select_n3A_231 = arith.select %broadcast_in_dim3A_204, %get3A_221, %broadcast_in_dim3A_119 : vector<16xi1>, vector<16xf32>
      %add3A_232 = arith.addf %add3A_198, %select_n3A_231 : vector<16xf32>
      %select_n3A_233 = arith.select %broadcast_in_dim3A_204, %get3A_226, %broadcast_in_dim3A_119 : vector<16xi1>, vector<16xf32>
      %add3A_234 = arith.addf %add3A_200, %select_n3A_233 : vector<16xf32>
      %max3A = arith.constant 1 : i32
      %max3A_235 = arith.maxsi %squeeze3A_102, %max3A : i32
      %broadcast_in_dim3A_236 = vector.broadcast %max3A_235 : i32 to vector<16xi32>
      %convert_element_type3A = arith.sitofp %broadcast_in_dim3A_236 : vector<16xi32> to vector<16xf32>
      %div3A_237 = arith.divf %add3A_228, %convert_element_type3A : vector<16xf32>
      %swap3A = arith.index_cast %add3A_98 : i32 to index
      %swap3A_238 = arith.constant 0 : index
      %swap3A_239 = tpu.vector_load %arg9[%swap3A, %swap3A_238] {strides = array<i32>} : memref<128x64xf32, #tpu.memory_space<vmem>>, vector<16xf32>,
      tpu.vector_store %arg9[%swap3A, %swap3A_238], %div3A_237 {strides = array<i32>} : memref<128x64xf32, #tpu.memory_space<vmem>>, vector<16xf32>,
      %div3A_240 = arith.divf %add3A_230, %convert_element_type3A : vector<16xf32>
      %swap3A_241 = arith.index_cast %add3A_98 : i32 to index
      %swap3A_242 = arith.constant 16 : index
      %swap3A_243 = tpu.vector_load %arg9[%swap3A_241, %swap3A_242] {strides = array<i32>} : memref<128x64xf32, #tpu.memory_space<vmem>>, vector<16xf32>,
      tpu.vector_store %arg9[%swap3A_241, %swap3A_242], %div3A_240 {strides = array<i32>} : memref<128x64xf32, #tpu.memory_space<vmem>>, vector<16xf32>,
      %div3A_244 = arith.divf %add3A_232, %convert_element_type3A : vector<16xf32>
      %swap3A_245 = arith.index_cast %add3A_98 : i32 to index
      %swap3A_246 = arith.constant 32 : index
      %swap3A_247 = tpu.vector_load %arg9[%swap3A_245, %swap3A_246] {strides = array<i32>} : memref<128x64xf32, #tpu.memory_space<vmem>>, vector<16xf32>,
      tpu.vector_store %arg9[%swap3A_245, %swap3A_246], %div3A_244 {strides = array<i32>} : memref<128x64xf32, #tpu.memory_space<vmem>>, vector<16xf32>,
      %div3A_248 = arith.divf %add3A_234, %convert_element_type3A : vector<16xf32>
      %swap3A_249 = arith.index_cast %add3A_98 : i32 to index
      %swap3A_250 = arith.constant 48 : index
      %swap3A_251 = tpu.vector_load %arg9[%swap3A_249, %swap3A_250] {strides = array<i32>} : memref<128x64xf32, #tpu.memory_space<vmem>>, vector<16xf32>,
      tpu.vector_store %arg9[%swap3A_249, %swap3A_250], %div3A_248 {strides = array<i32>} : memref<128x64xf32, #tpu.memory_space<vmem>>, vector<16xf32>,
      %add3A_252 = arith.constant 4 : i32
      %add3A_253 = arith.addi %add3A_98, %add3A_252 : i32
      %lt3A_254 = arith.constant 128 : i32
      %lt3A_255 = arith.cmpi slt, %add3A_253, %lt3A_254 : i32
      %convert_element_type3A_256 = arith.extui %lt3A_255 : i1 to i32
      %cond3A = arith.constant 0 : i32
      %cond3A_257 = arith.cmpi ne, %convert_element_type3A_256, %cond3A : i32
      scf.if %cond3A_257 {
        %add3A_763 = arith.constant 4 : i32
        %add3A_764 = arith.addi %add3A_98, %add3A_763 : i32
        %get3A_765 = arith.index_cast %add3A_764 : i32 to index
        %get3A_766 = tpu.vector_load %arg7[%get3A_765] {strides = array<i32>} : memref<144xi32, #tpu.memory_space<vmem>>, vector<16xi32>,
        %slice3A_767 = vector.extract_strided_slice %get3A_766 {offsets = [0], sizes = [1], strides = [1]} : vector<16xi32> to vector<1xi32>
        %squeeze3A_768 = vector.extract %slice3A_767[0] : i32 from vector<1xi32>
        %add3A_769 = arith.constant 31 : i32
        %add3A_770 = arith.addi %squeeze3A_768, %add3A_769 : i32
        %div3A_771 = arith.constant 32 : i32
        %div3A_772 = arith.divsi %add3A_770, %div3A_771 : i32
        %while3A_773 = arith.constant 0 : i32
        %while3A_774 = arith.constant 0 : i32
        %while3A_775 = arith.subi %div3A_772, %while3A_773 : i32
        %while3A_776 = arith.addi %while3A_773, %while3A_775 : i32
        %while3A_777 = arith.constant 1 : i32
        %while3A_778 = arith.divsi %while3A_775, %while3A_777 : i32
        %while3A_779 = arith.muli %while3A_778, %while3A_777 : i32
        %while3A_780 = arith.addi %while3A_773, %while3A_779 : i32
        %while3A_781 = arith.constant 1 : i32
        %while3A_782 = scf.for %while3A_785 = %while3A_773 to %while3A_780 step %while3A_781 iter_args(%while3A_786 = %while3A_774) -> (i32)  : i32 {
          %mul3A_787 = arith.constant 32 : i32
          %mul3A_788 = arith.muli %while3A_785, %mul3A_787 : i32
          %min3A = arith.constant 168 : i32
          %min3A_789 = arith.minsi %mul3A_788, %min3A : i32
          %mul3A_790 = arith.constant 200 : i32
          %mul3A_791 = arith.muli %add3A_764, %mul3A_790 : i32
          %add3A_792 = arith.addi %mul3A_791, %min3A_789 : i32
          %dma_start3A = arith.constant 0 : i32
          %dma_start3A_793 = arith.constant 0 : i32
          %dma_start3A_794 = tpu.memref_slice %arg8[%dma_start3A, %min3A_789, %dma_start3A_793] : memref<4x204x64xf32, #tpu.memory_space<vmem>> -> memref<1x32x64xf32, #tpu.memory_space<vmem>>
          %dma_start3A_795 = tpu.memref_squeeze %dma_start3A_794 : memref<1x32x64xf32, #tpu.memory_space<vmem>> -> memref<32x64xf32, #tpu.memory_space<vmem>>
          %dma_start3A_796 = tpu.memref_slice %arg6[%add3A_792] : memref<25600xi32, #tpu.memory_space<vmem>> -> memref<32xi32, #tpu.memory_space<vmem>>
          %dma_start3A_797 = arith.constant 0 : i32
          %dma_start3A_798 = arith.constant 0 : i32
          %dma_start3A_799 = tpu.memref_slice %arg4[%dma_start3A_797, %dma_start3A_798] : memref<2000000x64xf32, #tpu.memory_space<hbm>> -> memref<2000000x64xf32, #tpu.memory_space<hbm>>
          tpu.enqueue_indirect_dma source(%dma_start3A_799 : memref<2000000x64xf32, #tpu.memory_space<hbm>>) target(%dma_start3A_795 : memref<32x64xf32, #tpu.memory_space<vmem>>) offsets(%dma_start3A_796 : memref<32xi32, #tpu.memory_space<vmem>>) semaphore(%arg10 : memref<!tpu.dma_semaphore, #tpu.memory_space<semaphore_mem>>)
          %while3A_800 = arith.constant 0 : i32
          scf.yield %while3A_800 : i32
        }
        %while3A_783 = arith.constant 1 : i32
        %while3A_784 = scf.for %while3A_785 = %while3A_780 to %while3A_776 step %while3A_783 iter_args(%while3A_786 = %while3A_782) -> (i32)  : i32 {
          %mul3A_787 = arith.constant 32 : i32
          %mul3A_788 = arith.muli %while3A_785, %mul3A_787 : i32
          %min3A = arith.constant 168 : i32
          %min3A_789 = arith.minsi %mul3A_788, %min3A : i32
          %mul3A_790 = arith.constant 200 : i32
          %mul3A_791 = arith.muli %add3A_764, %mul3A_790 : i32
          %add3A_792 = arith.addi %mul3A_791, %min3A_789 : i32
          %dma_start3A = arith.constant 0 : i32
          %dma_start3A_793 = arith.constant 0 : i32
          %dma_start3A_794 = tpu.memref_slice %arg8[%dma_start3A, %min3A_789, %dma_start3A_793] : memref<4x204x64xf32, #tpu.memory_space<vmem>> -> memref<1x32x64xf32, #tpu.memory_space<vmem>>
          %dma_start3A_795 = tpu.memref_squeeze %dma_start3A_794 : memref<1x32x64xf32, #tpu.memory_space<vmem>> -> memref<32x64xf32, #tpu.memory_space<vmem>>
          %dma_start3A_796 = tpu.memref_slice %arg6[%add3A_792] : memref<25600xi32, #tpu.memory_space<vmem>> -> memref<32xi32, #tpu.memory_space<vmem>>
          %dma_start3A_797 = arith.constant 0 : i32
          %dma_start3A_798 = arith.constant 0 : i32
          %dma_start3A_799 = tpu.memref_slice %arg4[%dma_start3A_797, %dma_start3A_798] : memref<2000000x64xf32, #tpu.memory_space<hbm>> -> memref<2000000x64xf32, #tpu.memory_space<hbm>>
          tpu.enqueue_indirect_dma source(%dma_start3A_799 : memref<2000000x64xf32, #tpu.memory_space<hbm>>) target(%dma_start3A_795 : memref<32x64xf32, #tpu.memory_space<vmem>>) offsets(%dma_start3A_796 : memref<32xi32, #tpu.memory_space<vmem>>) semaphore(%arg10 : memref<!tpu.dma_semaphore, #tpu.memory_space<semaphore_mem>>)
          %while3A_800 = arith.constant 0 : i32
          scf.yield %while3A_800 : i32
        }
      } else {
      }
      %add3A_258 = arith.constant 1 : i32
      %add3A_259 = arith.addi %mul3A_96, %add3A_258 : i32
      %get3A_260 = arith.index_cast %add3A_259 : i32 to index
      %get3A_261 = tpu.vector_load %arg7[%get3A_260] {strides = array<i32>} : memref<144xi32, #tpu.memory_space<vmem>>, vector<16xi32>,
      %slice3A_262 = vector.extract_strided_slice %get3A_261 {offsets = [0], sizes = [1], strides = [1]} : vector<16xi32> to vector<1xi32>
      %squeeze3A_263 = vector.extract %slice3A_262[0] : i32 from vector<1xi32>
      %add3A_264 = arith.constant 31 : i32
      %add3A_265 = arith.addi %squeeze3A_263, %add3A_264 : i32
      %div3A_266 = arith.constant 32 : i32
      %div3A_267 = arith.divsi %add3A_265, %div3A_266 : i32
      %while3A_268 = arith.constant 0 : i32
      %while3A_269 = arith.constant 0 : i32
      %while3A_270 = arith.subi %div3A_267, %while3A_268 : i32
      %while3A_271 = arith.addi %while3A_268, %while3A_270 : i32
      %while3A_272 = arith.constant 1 : i32
      %while3A_273 = arith.divsi %while3A_270, %while3A_272 : i32
      %while3A_274 = arith.muli %while3A_273, %while3A_272 : i32
      %while3A_275 = arith.addi %while3A_268, %while3A_274 : i32
      %while3A_276 = arith.constant 1 : i32
      %while3A_277 = scf.for %while3A_763 = %while3A_268 to %while3A_275 step %while3A_276 iter_args(%while3A_764 = %while3A_269) -> (i32)  : i32 {
        %mul3A_765 = arith.constant 32 : i32
        %mul3A_766 = arith.muli %while3A_763, %mul3A_765 : i32
        %min3A = arith.constant 168 : i32
        %min3A_767 = arith.minsi %mul3A_766, %min3A : i32
        %mul3A_768 = arith.constant 200 : i32
        %mul3A_769 = arith.muli %add3A_259, %mul3A_768 : i32
        %add3A_770 = arith.addi %mul3A_769, %min3A_767 : i32
        %dma_wait3A = arith.constant 1 : i32
        %dma_wait3A_771 = arith.constant 0 : i32
        %dma_wait3A_772 = tpu.memref_slice %arg8[%dma_wait3A, %min3A_767, %dma_wait3A_771] : memref<4x204x64xf32, #tpu.memory_space<vmem>> -> memref<1x32x64xf32, #tpu.memory_space<vmem>>
        %dma_wait3A_773 = tpu.memref_squeeze %dma_wait3A_772 : memref<1x32x64xf32, #tpu.memory_space<vmem>> -> memref<32x64xf32, #tpu.memory_space<vmem>>
        %dma_wait3A_774 = tpu.memref_slice %arg6[%add3A_770] : memref<25600xi32, #tpu.memory_space<vmem>> -> memref<32xi32, #tpu.memory_space<vmem>>
        %dma_wait3A_775 = arith.constant 0 : i32
        %dma_wait3A_776 = arith.constant 0 : i32
        %dma_wait3A_777 = tpu.memref_slice %arg4[%dma_wait3A_775, %dma_wait3A_776] : memref<2000000x64xf32, #tpu.memory_space<hbm>> -> memref<2000000x64xf32, #tpu.memory_space<hbm>>
        tpu.wait_indirect_dma semaphore(%arg11 : memref<!tpu.dma_semaphore, #tpu.memory_space<semaphore_mem>>) src(%dma_wait3A_777 : memref<2000000x64xf32, #tpu.memory_space<hbm>>) dst(%dma_wait3A_773 : memref<32x64xf32, #tpu.memory_space<vmem>>)
        %while3A_778 = arith.constant 0 : i32
        scf.yield %while3A_778 : i32
      }
      %while3A_278 = arith.constant 1 : i32
      %while3A_279 = scf.for %while3A_763 = %while3A_275 to %while3A_271 step %while3A_278 iter_args(%while3A_764 = %while3A_277) -> (i32)  : i32 {
        %mul3A_765 = arith.constant 32 : i32
        %mul3A_766 = arith.muli %while3A_763, %mul3A_765 : i32
        %min3A = arith.constant 168 : i32
        %min3A_767 = arith.minsi %mul3A_766, %min3A : i32
        %mul3A_768 = arith.constant 200 : i32
        %mul3A_769 = arith.muli %add3A_259, %mul3A_768 : i32
        %add3A_770 = arith.addi %mul3A_769, %min3A_767 : i32
        %dma_wait3A = arith.constant 1 : i32
        %dma_wait3A_771 = arith.constant 0 : i32
        %dma_wait3A_772 = tpu.memref_slice %arg8[%dma_wait3A, %min3A_767, %dma_wait3A_771] : memref<4x204x64xf32, #tpu.memory_space<vmem>> -> memref<1x32x64xf32, #tpu.memory_space<vmem>>
        %dma_wait3A_773 = tpu.memref_squeeze %dma_wait3A_772 : memref<1x32x64xf32, #tpu.memory_space<vmem>> -> memref<32x64xf32, #tpu.memory_space<vmem>>
        %dma_wait3A_774 = tpu.memref_slice %arg6[%add3A_770] : memref<25600xi32, #tpu.memory_space<vmem>> -> memref<32xi32, #tpu.memory_space<vmem>>
        %dma_wait3A_775 = arith.constant 0 : i32
        %dma_wait3A_776 = arith.constant 0 : i32
        %dma_wait3A_777 = tpu.memref_slice %arg4[%dma_wait3A_775, %dma_wait3A_776] : memref<2000000x64xf32, #tpu.memory_space<hbm>> -> memref<2000000x64xf32, #tpu.memory_space<hbm>>
        tpu.wait_indirect_dma semaphore(%arg11 : memref<!tpu.dma_semaphore, #tpu.memory_space<semaphore_mem>>) src(%dma_wait3A_777 : memref<2000000x64xf32, #tpu.memory_space<hbm>>) dst(%dma_wait3A_773 : memref<32x64xf32, #tpu.memory_space<vmem>>)
        %while3A_778 = arith.constant 0 : i32
        scf.yield %while3A_778 : i32
      }
      %broadcast_in_dim3A_280 = arith.constant 0.000000e+00 : f32
      %broadcast_in_dim3A_281 = vector.broadcast %broadcast_in_dim3A_280 : f32 to vector<16xf32>
      %div3A_282 = arith.constant 4 : i32
      %div3A_283 = arith.divsi %squeeze3A_263, %div3A_282 : i32
      %while3A_284 = arith.constant 0 : i32
      %while3A_285 = arith.subi %div3A_283, %while3A_284 : i32
      %while3A_286 = arith.addi %while3A_284, %while3A_285 : i32
      %while3A_287 = arith.constant 1 : i32
      %while3A_288 = arith.divsi %while3A_285, %while3A_287 : i32
      %while3A_289 = arith.muli %while3A_288, %while3A_287 : i32
      %while3A_290 = arith.addi %while3A_284, %while3A_289 : i32
      %while3A_291 = arith.constant 1 : i32
      %while3A_292:4 = scf.for %while3A_763 = %while3A_284 to %while3A_290 step %while3A_291 iter_args(%while3A_764 = %broadcast_in_dim3A_281, %while3A_765 = %broadcast_in_dim3A_281, %while3A_766 = %broadcast_in_dim3A_281, %while3A_767 = %broadcast_in_dim3A_281) -> (vector<16xf32>, vector<16xf32>, vector<16xf32>, vector<16xf32>)  : i32 {
        %mul3A_768 = arith.constant 4 : i32
        %mul3A_769 = arith.muli %mul3A_768, %while3A_763 : i32
        %add3A_770 = arith.constant 0 : i32
        %add3A_771 = arith.addi %mul3A_769, %add3A_770 : i32
        %get3A_772 = arith.constant 1 : i32
        %get3A_773 = arith.index_cast %get3A_772 : i32 to index
        %get3A_774 = arith.index_cast %add3A_771 : i32 to index
        %get3A_775 = arith.constant 0 : index
        %get3A_776 = tpu.vector_load %arg8[%get3A_773, %get3A_774, %get3A_775] {strides = array<i32>} : memref<4x204x64xf32, #tpu.memory_space<vmem>>, vector<16xf32>,
        %get3A_777 = arith.constant 1 : i32
        %get3A_778 = arith.index_cast %get3A_777 : i32 to index
        %get3A_779 = arith.index_cast %add3A_771 : i32 to index
        %get3A_780 = arith.constant 16 : index
        %get3A_781 = tpu.vector_load %arg8[%get3A_778, %get3A_779, %get3A_780] {strides = array<i32>} : memref<4x204x64xf32, #tpu.memory_space<vmem>>, vector<16xf32>,
        %get3A_782 = arith.constant 1 : i32
        %get3A_783 = arith.index_cast %get3A_782 : i32 to index
        %get3A_784 = arith.index_cast %add3A_771 : i32 to index
        %get3A_785 = arith.constant 32 : index
        %get3A_786 = tpu.vector_load %arg8[%get3A_783, %get3A_784, %get3A_785] {strides = array<i32>} : memref<4x204x64xf32, #tpu.memory_space<vmem>>, vector<16xf32>,
        %get3A_787 = arith.constant 1 : i32
        %get3A_788 = arith.index_cast %get3A_787 : i32 to index
        %get3A_789 = arith.index_cast %add3A_771 : i32 to index
        %get3A_790 = arith.constant 48 : index
        %get3A_791 = tpu.vector_load %arg8[%get3A_788, %get3A_789, %get3A_790] {strides = array<i32>} : memref<4x204x64xf32, #tpu.memory_space<vmem>>, vector<16xf32>,
        %mul3A_792 = arith.constant 4 : i32
        %mul3A_793 = arith.muli %mul3A_792, %while3A_763 : i32
        %add3A_794 = arith.constant 1 : i32
        %add3A_795 = arith.addi %mul3A_793, %add3A_794 : i32
        %get3A_796 = arith.constant 1 : i32
        %get3A_797 = arith.index_cast %get3A_796 : i32 to index
        %get3A_798 = arith.index_cast %add3A_795 : i32 to index
        %get3A_799 = arith.constant 0 : index
        %get3A_800 = tpu.vector_load %arg8[%get3A_797, %get3A_798, %get3A_799] {strides = array<i32>} : memref<4x204x64xf32, #tpu.memory_space<vmem>>, vector<16xf32>,
        %get3A_801 = arith.constant 1 : i32
        %get3A_802 = arith.index_cast %get3A_801 : i32 to index
        %get3A_803 = arith.index_cast %add3A_795 : i32 to index
        %get3A_804 = arith.constant 16 : index
        %get3A_805 = tpu.vector_load %arg8[%get3A_802, %get3A_803, %get3A_804] {strides = array<i32>} : memref<4x204x64xf32, #tpu.memory_space<vmem>>, vector<16xf32>,
        %get3A_806 = arith.constant 1 : i32
        %get3A_807 = arith.index_cast %get3A_806 : i32 to index
        %get3A_808 = arith.index_cast %add3A_795 : i32 to index
        %get3A_809 = arith.constant 32 : index
        %get3A_810 = tpu.vector_load %arg8[%get3A_807, %get3A_808, %get3A_809] {strides = array<i32>} : memref<4x204x64xf32, #tpu.memory_space<vmem>>, vector<16xf32>,
        %get3A_811 = arith.constant 1 : i32
        %get3A_812 = arith.index_cast %get3A_811 : i32 to index
        %get3A_813 = arith.index_cast %add3A_795 : i32 to index
        %get3A_814 = arith.constant 48 : index
        %get3A_815 = tpu.vector_load %arg8[%get3A_812, %get3A_813, %get3A_814] {strides = array<i32>} : memref<4x204x64xf32, #tpu.memory_space<vmem>>, vector<16xf32>,
        %mul3A_816 = arith.constant 4 : i32
        %mul3A_817 = arith.muli %mul3A_816, %while3A_763 : i32
        %add3A_818 = arith.constant 2 : i32
        %add3A_819 = arith.addi %mul3A_817, %add3A_818 : i32
        %get3A_820 = arith.constant 1 : i32
        %get3A_821 = arith.index_cast %get3A_820 : i32 to index
        %get3A_822 = arith.index_cast %add3A_819 : i32 to index
        %get3A_823 = arith.constant 0 : index
        %get3A_824 = tpu.vector_load %arg8[%get3A_821, %get3A_822, %get3A_823] {strides = array<i32>} : memref<4x204x64xf32, #tpu.memory_space<vmem>>, vector<16xf32>,
        %get3A_825 = arith.constant 1 : i32
        %get3A_826 = arith.index_cast %get3A_825 : i32 to index
        %get3A_827 = arith.index_cast %add3A_819 : i32 to index
        %get3A_828 = arith.constant 16 : index
        %get3A_829 = tpu.vector_load %arg8[%get3A_826, %get3A_827, %get3A_828] {strides = array<i32>} : memref<4x204x64xf32, #tpu.memory_space<vmem>>, vector<16xf32>,
        %get3A_830 = arith.constant 1 : i32
        %get3A_831 = arith.index_cast %get3A_830 : i32 to index
        %get3A_832 = arith.index_cast %add3A_819 : i32 to index
        %get3A_833 = arith.constant 32 : index
        %get3A_834 = tpu.vector_load %arg8[%get3A_831, %get3A_832, %get3A_833] {strides = array<i32>} : memref<4x204x64xf32, #tpu.memory_space<vmem>>, vector<16xf32>,
        %get3A_835 = arith.constant 1 : i32
        %get3A_836 = arith.index_cast %get3A_835 : i32 to index
        %get3A_837 = arith.index_cast %add3A_819 : i32 to index
        %get3A_838 = arith.constant 48 : index
        %get3A_839 = tpu.vector_load %arg8[%get3A_836, %get3A_837, %get3A_838] {strides = array<i32>} : memref<4x204x64xf32, #tpu.memory_space<vmem>>, vector<16xf32>,
        %mul3A_840 = arith.constant 4 : i32
        %mul3A_841 = arith.muli %mul3A_840, %while3A_763 : i32
        %add3A_842 = arith.constant 3 : i32
        %add3A_843 = arith.addi %mul3A_841, %add3A_842 : i32
        %get3A_844 = arith.constant 1 : i32
        %get3A_845 = arith.index_cast %get3A_844 : i32 to index
        %get3A_846 = arith.index_cast %add3A_843 : i32 to index
        %get3A_847 = arith.constant 0 : index
        %get3A_848 = tpu.vector_load %arg8[%get3A_845, %get3A_846, %get3A_847] {strides = array<i32>} : memref<4x204x64xf32, #tpu.memory_space<vmem>>, vector<16xf32>,
        %get3A_849 = arith.constant 1 : i32
        %get3A_850 = arith.index_cast %get3A_849 : i32 to index
        %get3A_851 = arith.index_cast %add3A_843 : i32 to index
        %get3A_852 = arith.constant 16 : index
        %get3A_853 = tpu.vector_load %arg8[%get3A_850, %get3A_851, %get3A_852] {strides = array<i32>} : memref<4x204x64xf32, #tpu.memory_space<vmem>>, vector<16xf32>,
        %get3A_854 = arith.constant 1 : i32
        %get3A_855 = arith.index_cast %get3A_854 : i32 to index
        %get3A_856 = arith.index_cast %add3A_843 : i32 to index
        %get3A_857 = arith.constant 32 : index
        %get3A_858 = tpu.vector_load %arg8[%get3A_855, %get3A_856, %get3A_857] {strides = array<i32>} : memref<4x204x64xf32, #tpu.memory_space<vmem>>, vector<16xf32>,
        %get3A_859 = arith.constant 1 : i32
        %get3A_860 = arith.index_cast %get3A_859 : i32 to index
        %get3A_861 = arith.index_cast %add3A_843 : i32 to index
        %get3A_862 = arith.constant 48 : index
        %get3A_863 = tpu.vector_load %arg8[%get3A_860, %get3A_861, %get3A_862] {strides = array<i32>} : memref<4x204x64xf32, #tpu.memory_space<vmem>>, vector<16xf32>,
        %add3A_864 = arith.addf %get3A_776, %get3A_800 : vector<16xf32>
        %add3A_865 = arith.addf %get3A_824, %get3A_848 : vector<16xf32>
        %add3A_866 = arith.addf %add3A_864, %add3A_865 : vector<16xf32>
        %add3A_867 = arith.addf %while3A_764, %add3A_866 : vector<16xf32>
        %add3A_868 = arith.addf %get3A_781, %get3A_805 : vector<16xf32>
        %add3A_869 = arith.addf %get3A_829, %get3A_853 : vector<16xf32>
        %add3A_870 = arith.addf %add3A_868, %add3A_869 : vector<16xf32>
        %add3A_871 = arith.addf %while3A_765, %add3A_870 : vector<16xf32>
        %add3A_872 = arith.addf %get3A_786, %get3A_810 : vector<16xf32>
        %add3A_873 = arith.addf %get3A_834, %get3A_858 : vector<16xf32>
        %add3A_874 = arith.addf %add3A_872, %add3A_873 : vector<16xf32>
        %add3A_875 = arith.addf %while3A_766, %add3A_874 : vector<16xf32>
        %add3A_876 = arith.addf %get3A_791, %get3A_815 : vector<16xf32>
        %add3A_877 = arith.addf %get3A_839, %get3A_863 : vector<16xf32>
        %add3A_878 = arith.addf %add3A_876, %add3A_877 : vector<16xf32>
        %add3A_879 = arith.addf %while3A_767, %add3A_878 : vector<16xf32>
        scf.yield %add3A_867, %add3A_871, %add3A_875, %add3A_879 : vector<16xf32>, vector<16xf32>, vector<16xf32>, vector<16xf32>
      }
      %while3A_293 = arith.constant 1 : i32
      %while3A_294:4 = scf.for %while3A_763 = %while3A_290 to %while3A_286 step %while3A_293 iter_args(%while3A_764 = %while3A_292#0, %while3A_765 = %while3A_292#1, %while3A_766 = %while3A_292#2, %while3A_767 = %while3A_292#3) -> (vector<16xf32>, vector<16xf32>, vector<16xf32>, vector<16xf32>)  : i32 {
        %mul3A_768 = arith.constant 4 : i32
        %mul3A_769 = arith.muli %mul3A_768, %while3A_763 : i32
        %add3A_770 = arith.constant 0 : i32
        %add3A_771 = arith.addi %mul3A_769, %add3A_770 : i32
        %get3A_772 = arith.constant 1 : i32
        %get3A_773 = arith.index_cast %get3A_772 : i32 to index
        %get3A_774 = arith.index_cast %add3A_771 : i32 to index
        %get3A_775 = arith.constant 0 : index
        %get3A_776 = tpu.vector_load %arg8[%get3A_773, %get3A_774, %get3A_775] {strides = array<i32>} : memref<4x204x64xf32, #tpu.memory_space<vmem>>, vector<16xf32>,
        %get3A_777 = arith.constant 1 : i32
        %get3A_778 = arith.index_cast %get3A_777 : i32 to index
        %get3A_779 = arith.index_cast %add3A_771 : i32 to index
        %get3A_780 = arith.constant 16 : index
        %get3A_781 = tpu.vector_load %arg8[%get3A_778, %get3A_779, %get3A_780] {strides = array<i32>} : memref<4x204x64xf32, #tpu.memory_space<vmem>>, vector<16xf32>,
        %get3A_782 = arith.constant 1 : i32
        %get3A_783 = arith.index_cast %get3A_782 : i32 to index
        %get3A_784 = arith.index_cast %add3A_771 : i32 to index
        %get3A_785 = arith.constant 32 : index
        %get3A_786 = tpu.vector_load %arg8[%get3A_783, %get3A_784, %get3A_785] {strides = array<i32>} : memref<4x204x64xf32, #tpu.memory_space<vmem>>, vector<16xf32>,
        %get3A_787 = arith.constant 1 : i32
        %get3A_788 = arith.index_cast %get3A_787 : i32 to index
        %get3A_789 = arith.index_cast %add3A_771 : i32 to index
        %get3A_790 = arith.constant 48 : index
        %get3A_791 = tpu.vector_load %arg8[%get3A_788, %get3A_789, %get3A_790] {strides = array<i32>} : memref<4x204x64xf32, #tpu.memory_space<vmem>>, vector<16xf32>,
        %mul3A_792 = arith.constant 4 : i32
        %mul3A_793 = arith.muli %mul3A_792, %while3A_763 : i32
        %add3A_794 = arith.constant 1 : i32
        %add3A_795 = arith.addi %mul3A_793, %add3A_794 : i32
        %get3A_796 = arith.constant 1 : i32
        %get3A_797 = arith.index_cast %get3A_796 : i32 to index
        %get3A_798 = arith.index_cast %add3A_795 : i32 to index
        %get3A_799 = arith.constant 0 : index
        %get3A_800 = tpu.vector_load %arg8[%get3A_797, %get3A_798, %get3A_799] {strides = array<i32>} : memref<4x204x64xf32, #tpu.memory_space<vmem>>, vector<16xf32>,
        %get3A_801 = arith.constant 1 : i32
        %get3A_802 = arith.index_cast %get3A_801 : i32 to index
        %get3A_803 = arith.index_cast %add3A_795 : i32 to index
        %get3A_804 = arith.constant 16 : index
        %get3A_805 = tpu.vector_load %arg8[%get3A_802, %get3A_803, %get3A_804] {strides = array<i32>} : memref<4x204x64xf32, #tpu.memory_space<vmem>>, vector<16xf32>,
        %get3A_806 = arith.constant 1 : i32
        %get3A_807 = arith.index_cast %get3A_806 : i32 to index
        %get3A_808 = arith.index_cast %add3A_795 : i32 to index
        %get3A_809 = arith.constant 32 : index
        %get3A_810 = tpu.vector_load %arg8[%get3A_807, %get3A_808, %get3A_809] {strides = array<i32>} : memref<4x204x64xf32, #tpu.memory_space<vmem>>, vector<16xf32>,
        %get3A_811 = arith.constant 1 : i32
        %get3A_812 = arith.index_cast %get3A_811 : i32 to index
        %get3A_813 = arith.index_cast %add3A_795 : i32 to index
        %get3A_814 = arith.constant 48 : index
        %get3A_815 = tpu.vector_load %arg8[%get3A_812, %get3A_813, %get3A_814] {strides = array<i32>} : memref<4x204x64xf32, #tpu.memory_space<vmem>>, vector<16xf32>,
        %mul3A_816 = arith.constant 4 : i32
        %mul3A_817 = arith.muli %mul3A_816, %while3A_763 : i32
        %add3A_818 = arith.constant 2 : i32
        %add3A_819 = arith.addi %mul3A_817, %add3A_818 : i32
        %get3A_820 = arith.constant 1 : i32
        %get3A_821 = arith.index_cast %get3A_820 : i32 to index
        %get3A_822 = arith.index_cast %add3A_819 : i32 to index
        %get3A_823 = arith.constant 0 : index
        %get3A_824 = tpu.vector_load %arg8[%get3A_821, %get3A_822, %get3A_823] {strides = array<i32>} : memref<4x204x64xf32, #tpu.memory_space<vmem>>, vector<16xf32>,
        %get3A_825 = arith.constant 1 : i32
        %get3A_826 = arith.index_cast %get3A_825 : i32 to index
        %get3A_827 = arith.index_cast %add3A_819 : i32 to index
        %get3A_828 = arith.constant 16 : index
        %get3A_829 = tpu.vector_load %arg8[%get3A_826, %get3A_827, %get3A_828] {strides = array<i32>} : memref<4x204x64xf32, #tpu.memory_space<vmem>>, vector<16xf32>,
        %get3A_830 = arith.constant 1 : i32
        %get3A_831 = arith.index_cast %get3A_830 : i32 to index
        %get3A_832 = arith.index_cast %add3A_819 : i32 to index
        %get3A_833 = arith.constant 32 : index
        %get3A_834 = tpu.vector_load %arg8[%get3A_831, %get3A_832, %get3A_833] {strides = array<i32>} : memref<4x204x64xf32, #tpu.memory_space<vmem>>, vector<16xf32>,
        %get3A_835 = arith.constant 1 : i32
        %get3A_836 = arith.index_cast %get3A_835 : i32 to index
        %get3A_837 = arith.index_cast %add3A_819 : i32 to index
        %get3A_838 = arith.constant 48 : index
        %get3A_839 = tpu.vector_load %arg8[%get3A_836, %get3A_837, %get3A_838] {strides = array<i32>} : memref<4x204x64xf32, #tpu.memory_space<vmem>>, vector<16xf32>,
        %mul3A_840 = arith.constant 4 : i32
        %mul3A_841 = arith.muli %mul3A_840, %while3A_763 : i32
        %add3A_842 = arith.constant 3 : i32
        %add3A_843 = arith.addi %mul3A_841, %add3A_842 : i32
        %get3A_844 = arith.constant 1 : i32
        %get3A_845 = arith.index_cast %get3A_844 : i32 to index
        %get3A_846 = arith.index_cast %add3A_843 : i32 to index
        %get3A_847 = arith.constant 0 : index
        %get3A_848 = tpu.vector_load %arg8[%get3A_845, %get3A_846, %get3A_847] {strides = array<i32>} : memref<4x204x64xf32, #tpu.memory_space<vmem>>, vector<16xf32>,
        %get3A_849 = arith.constant 1 : i32
        %get3A_850 = arith.index_cast %get3A_849 : i32 to index
        %get3A_851 = arith.index_cast %add3A_843 : i32 to index
        %get3A_852 = arith.constant 16 : index
        %get3A_853 = tpu.vector_load %arg8[%get3A_850, %get3A_851, %get3A_852] {strides = array<i32>} : memref<4x204x64xf32, #tpu.memory_space<vmem>>, vector<16xf32>,
        %get3A_854 = arith.constant 1 : i32
        %get3A_855 = arith.index_cast %get3A_854 : i32 to index
        %get3A_856 = arith.index_cast %add3A_843 : i32 to index
        %get3A_857 = arith.constant 32 : index
        %get3A_858 = tpu.vector_load %arg8[%get3A_855, %get3A_856, %get3A_857] {strides = array<i32>} : memref<4x204x64xf32, #tpu.memory_space<vmem>>, vector<16xf32>,
        %get3A_859 = arith.constant 1 : i32
        %get3A_860 = arith.index_cast %get3A_859 : i32 to index
        %get3A_861 = arith.index_cast %add3A_843 : i32 to index
        %get3A_862 = arith.constant 48 : index
        %get3A_863 = tpu.vector_load %arg8[%get3A_860, %get3A_861, %get3A_862] {strides = array<i32>} : memref<4x204x64xf32, #tpu.memory_space<vmem>>, vector<16xf32>,
        %add3A_864 = arith.addf %get3A_776, %get3A_800 : vector<16xf32>
        %add3A_865 = arith.addf %get3A_824, %get3A_848 : vector<16xf32>
        %add3A_866 = arith.addf %add3A_864, %add3A_865 : vector<16xf32>
        %add3A_867 = arith.addf %while3A_764, %add3A_866 : vector<16xf32>
        %add3A_868 = arith.addf %get3A_781, %get3A_805 : vector<16xf32>
        %add3A_869 = arith.addf %get3A_829, %get3A_853 : vector<16xf32>
        %add3A_870 = arith.addf %add3A_868, %add3A_869 : vector<16xf32>
        %add3A_871 = arith.addf %while3A_765, %add3A_870 : vector<16xf32>
        %add3A_872 = arith.addf %get3A_786, %get3A_810 : vector<16xf32>
        %add3A_873 = arith.addf %get3A_834, %get3A_858 : vector<16xf32>
        %add3A_874 = arith.addf %add3A_872, %add3A_873 : vector<16xf32>
        %add3A_875 = arith.addf %while3A_766, %add3A_874 : vector<16xf32>
        %add3A_876 = arith.addf %get3A_791, %get3A_815 : vector<16xf32>
        %add3A_877 = arith.addf %get3A_839, %get3A_863 : vector<16xf32>
        %add3A_878 = arith.addf %add3A_876, %add3A_877 : vector<16xf32>
        %add3A_879 = arith.addf %while3A_767, %add3A_878 : vector<16xf32>
        scf.yield %add3A_867, %add3A_871, %add3A_875, %add3A_879 : vector<16xf32>, vector<16xf32>, vector<16xf32>, vector<16xf32>
      }
      %mul3A_295 = arith.constant 4 : i32
      %mul3A_296 = arith.muli %div3A_283, %mul3A_295 : i32
      %add3A_297 = arith.constant 0 : i32
      %add3A_298 = arith.addi %mul3A_296, %add3A_297 : i32
      %lt3A_299 = arith.cmpi slt, %add3A_298, %squeeze3A_263 : i32
      %broadcast_in_dim3A_300 = vector.broadcast %lt3A_299 : i1 to vector<16xi1>
      %add3A_301 = arith.constant 0 : i32
      %add3A_302 = arith.addi %mul3A_296, %add3A_301 : i32
      %get3A_303 = arith.constant 1 : i32
      %get3A_304 = arith.index_cast %get3A_303 : i32 to index
      %get3A_305 = arith.index_cast %add3A_302 : i32 to index
      %get3A_306 = arith.constant 0 : index
      %get3A_307 = tpu.vector_load %arg8[%get3A_304, %get3A_305, %get3A_306] {strides = array<i32>} : memref<4x204x64xf32, #tpu.memory_space<vmem>>, vector<16xf32>,
      %get3A_308 = arith.constant 1 : i32
      %get3A_309 = arith.index_cast %get3A_308 : i32 to index
      %get3A_310 = arith.index_cast %add3A_302 : i32 to index
      %get3A_311 = arith.constant 16 : index
      %get3A_312 = tpu.vector_load %arg8[%get3A_309, %get3A_310, %get3A_311] {strides = array<i32>} : memref<4x204x64xf32, #tpu.memory_space<vmem>>, vector<16xf32>,
      %get3A_313 = arith.constant 1 : i32
      %get3A_314 = arith.index_cast %get3A_313 : i32 to index
      %get3A_315 = arith.index_cast %add3A_302 : i32 to index
      %get3A_316 = arith.constant 32 : index
      %get3A_317 = tpu.vector_load %arg8[%get3A_314, %get3A_315, %get3A_316] {strides = array<i32>} : memref<4x204x64xf32, #tpu.memory_space<vmem>>, vector<16xf32>,
      %get3A_318 = arith.constant 1 : i32
      %get3A_319 = arith.index_cast %get3A_318 : i32 to index
      %get3A_320 = arith.index_cast %add3A_302 : i32 to index
      %get3A_321 = arith.constant 48 : index
      %get3A_322 = tpu.vector_load %arg8[%get3A_319, %get3A_320, %get3A_321] {strides = array<i32>} : memref<4x204x64xf32, #tpu.memory_space<vmem>>, vector<16xf32>,
      %select_n3A_323 = arith.select %broadcast_in_dim3A_300, %get3A_307, %broadcast_in_dim3A_281 : vector<16xi1>, vector<16xf32>
      %add3A_324 = arith.addf %while3A_294#0, %select_n3A_323 : vector<16xf32>
      %select_n3A_325 = arith.select %broadcast_in_dim3A_300, %get3A_312, %broadcast_in_dim3A_281 : vector<16xi1>, vector<16xf32>
      %add3A_326 = arith.addf %while3A_294#1, %select_n3A_325 : vector<16xf32>
      %select_n3A_327 = arith.select %broadcast_in_dim3A_300, %get3A_317, %broadcast_in_dim3A_281 : vector<16xi1>, vector<16xf32>
      %add3A_328 = arith.addf %while3A_294#2, %select_n3A_327 : vector<16xf32>
      %select_n3A_329 = arith.select %broadcast_in_dim3A_300, %get3A_322, %broadcast_in_dim3A_281 : vector<16xi1>, vector<16xf32>
      %add3A_330 = arith.addf %while3A_294#3, %select_n3A_329 : vector<16xf32>
      %add3A_331 = arith.constant 1 : i32
      %add3A_332 = arith.addi %mul3A_296, %add3A_331 : i32
      %lt3A_333 = arith.cmpi slt, %add3A_332, %squeeze3A_263 : i32
      %broadcast_in_dim3A_334 = vector.broadcast %lt3A_333 : i1 to vector<16xi1>
      %add3A_335 = arith.constant 1 : i32
      %add3A_336 = arith.addi %mul3A_296, %add3A_335 : i32
      %get3A_337 = arith.constant 1 : i32
      %get3A_338 = arith.index_cast %get3A_337 : i32 to index
      %get3A_339 = arith.index_cast %add3A_336 : i32 to index
      %get3A_340 = arith.constant 0 : index
      %get3A_341 = tpu.vector_load %arg8[%get3A_338, %get3A_339, %get3A_340] {strides = array<i32>} : memref<4x204x64xf32, #tpu.memory_space<vmem>>, vector<16xf32>,
      %get3A_342 = arith.constant 1 : i32
      %get3A_343 = arith.index_cast %get3A_342 : i32 to index
      %get3A_344 = arith.index_cast %add3A_336 : i32 to index
      %get3A_345 = arith.constant 16 : index
      %get3A_346 = tpu.vector_load %arg8[%get3A_343, %get3A_344, %get3A_345] {strides = array<i32>} : memref<4x204x64xf32, #tpu.memory_space<vmem>>, vector<16xf32>,
      %get3A_347 = arith.constant 1 : i32
      %get3A_348 = arith.index_cast %get3A_347 : i32 to index
      %get3A_349 = arith.index_cast %add3A_336 : i32 to index
      %get3A_350 = arith.constant 32 : index
      %get3A_351 = tpu.vector_load %arg8[%get3A_348, %get3A_349, %get3A_350] {strides = array<i32>} : memref<4x204x64xf32, #tpu.memory_space<vmem>>, vector<16xf32>,
      %get3A_352 = arith.constant 1 : i32
      %get3A_353 = arith.index_cast %get3A_352 : i32 to index
      %get3A_354 = arith.index_cast %add3A_336 : i32 to index
      %get3A_355 = arith.constant 48 : index
      %get3A_356 = tpu.vector_load %arg8[%get3A_353, %get3A_354, %get3A_355] {strides = array<i32>} : memref<4x204x64xf32, #tpu.memory_space<vmem>>, vector<16xf32>,
      %select_n3A_357 = arith.select %broadcast_in_dim3A_334, %get3A_341, %broadcast_in_dim3A_281 : vector<16xi1>, vector<16xf32>
      %add3A_358 = arith.addf %add3A_324, %select_n3A_357 : vector<16xf32>
      %select_n3A_359 = arith.select %broadcast_in_dim3A_334, %get3A_346, %broadcast_in_dim3A_281 : vector<16xi1>, vector<16xf32>
      %add3A_360 = arith.addf %add3A_326, %select_n3A_359 : vector<16xf32>
      %select_n3A_361 = arith.select %broadcast_in_dim3A_334, %get3A_351, %broadcast_in_dim3A_281 : vector<16xi1>, vector<16xf32>
      %add3A_362 = arith.addf %add3A_328, %select_n3A_361 : vector<16xf32>
      %select_n3A_363 = arith.select %broadcast_in_dim3A_334, %get3A_356, %broadcast_in_dim3A_281 : vector<16xi1>, vector<16xf32>
      %add3A_364 = arith.addf %add3A_330, %select_n3A_363 : vector<16xf32>
      %add3A_365 = arith.constant 2 : i32
      %add3A_366 = arith.addi %mul3A_296, %add3A_365 : i32
      %lt3A_367 = arith.cmpi slt, %add3A_366, %squeeze3A_263 : i32
      %broadcast_in_dim3A_368 = vector.broadcast %lt3A_367 : i1 to vector<16xi1>
      %add3A_369 = arith.constant 2 : i32
      %add3A_370 = arith.addi %mul3A_296, %add3A_369 : i32
      %get3A_371 = arith.constant 1 : i32
      %get3A_372 = arith.index_cast %get3A_371 : i32 to index
      %get3A_373 = arith.index_cast %add3A_370 : i32 to index
      %get3A_374 = arith.constant 0 : index
      %get3A_375 = tpu.vector_load %arg8[%get3A_372, %get3A_373, %get3A_374] {strides = array<i32>} : memref<4x204x64xf32, #tpu.memory_space<vmem>>, vector<16xf32>,
      %get3A_376 = arith.constant 1 : i32
      %get3A_377 = arith.index_cast %get3A_376 : i32 to index
      %get3A_378 = arith.index_cast %add3A_370 : i32 to index
      %get3A_379 = arith.constant 16 : index
      %get3A_380 = tpu.vector_load %arg8[%get3A_377, %get3A_378, %get3A_379] {strides = array<i32>} : memref<4x204x64xf32, #tpu.memory_space<vmem>>, vector<16xf32>,
      %get3A_381 = arith.constant 1 : i32
      %get3A_382 = arith.index_cast %get3A_381 : i32 to index
      %get3A_383 = arith.index_cast %add3A_370 : i32 to index
      %get3A_384 = arith.constant 32 : index
      %get3A_385 = tpu.vector_load %arg8[%get3A_382, %get3A_383, %get3A_384] {strides = array<i32>} : memref<4x204x64xf32, #tpu.memory_space<vmem>>, vector<16xf32>,
      %get3A_386 = arith.constant 1 : i32
      %get3A_387 = arith.index_cast %get3A_386 : i32 to index
      %get3A_388 = arith.index_cast %add3A_370 : i32 to index
      %get3A_389 = arith.constant 48 : index
      %get3A_390 = tpu.vector_load %arg8[%get3A_387, %get3A_388, %get3A_389] {strides = array<i32>} : memref<4x204x64xf32, #tpu.memory_space<vmem>>, vector<16xf32>,
      %select_n3A_391 = arith.select %broadcast_in_dim3A_368, %get3A_375, %broadcast_in_dim3A_281 : vector<16xi1>, vector<16xf32>
      %add3A_392 = arith.addf %add3A_358, %select_n3A_391 : vector<16xf32>
      %select_n3A_393 = arith.select %broadcast_in_dim3A_368, %get3A_380, %broadcast_in_dim3A_281 : vector<16xi1>, vector<16xf32>
      %add3A_394 = arith.addf %add3A_360, %select_n3A_393 : vector<16xf32>
      %select_n3A_395 = arith.select %broadcast_in_dim3A_368, %get3A_385, %broadcast_in_dim3A_281 : vector<16xi1>, vector<16xf32>
      %add3A_396 = arith.addf %add3A_362, %select_n3A_395 : vector<16xf32>
      %select_n3A_397 = arith.select %broadcast_in_dim3A_368, %get3A_390, %broadcast_in_dim3A_281 : vector<16xi1>, vector<16xf32>
      %add3A_398 = arith.addf %add3A_364, %select_n3A_397 : vector<16xf32>
      %max3A_399 = arith.constant 1 : i32
      %max3A_400 = arith.maxsi %squeeze3A_263, %max3A_399 : i32
      %broadcast_in_dim3A_401 = vector.broadcast %max3A_400 : i32 to vector<16xi32>
      %convert_element_type3A_402 = arith.sitofp %broadcast_in_dim3A_401 : vector<16xi32> to vector<16xf32>
      %div3A_403 = arith.divf %add3A_392, %convert_element_type3A_402 : vector<16xf32>
      %swap3A_404 = arith.index_cast %add3A_259 : i32 to index
      %swap3A_405 = arith.constant 0 : index
      %swap3A_406 = tpu.vector_load %arg9[%swap3A_404, %swap3A_405] {strides = array<i32>} : memref<128x64xf32, #tpu.memory_space<vmem>>, vector<16xf32>,
      tpu.vector_store %arg9[%swap3A_404, %swap3A_405], %div3A_403 {strides = array<i32>} : memref<128x64xf32, #tpu.memory_space<vmem>>, vector<16xf32>,
      %div3A_407 = arith.divf %add3A_394, %convert_element_type3A_402 : vector<16xf32>
      %swap3A_408 = arith.index_cast %add3A_259 : i32 to index
      %swap3A_409 = arith.constant 16 : index
      %swap3A_410 = tpu.vector_load %arg9[%swap3A_408, %swap3A_409] {strides = array<i32>} : memref<128x64xf32, #tpu.memory_space<vmem>>, vector<16xf32>,
      tpu.vector_store %arg9[%swap3A_408, %swap3A_409], %div3A_407 {strides = array<i32>} : memref<128x64xf32, #tpu.memory_space<vmem>>, vector<16xf32>,
      %div3A_411 = arith.divf %add3A_396, %convert_element_type3A_402 : vector<16xf32>
      %swap3A_412 = arith.index_cast %add3A_259 : i32 to index
      %swap3A_413 = arith.constant 32 : index
      %swap3A_414 = tpu.vector_load %arg9[%swap3A_412, %swap3A_413] {strides = array<i32>} : memref<128x64xf32, #tpu.memory_space<vmem>>, vector<16xf32>,
      tpu.vector_store %arg9[%swap3A_412, %swap3A_413], %div3A_411 {strides = array<i32>} : memref<128x64xf32, #tpu.memory_space<vmem>>, vector<16xf32>,
      %div3A_415 = arith.divf %add3A_398, %convert_element_type3A_402 : vector<16xf32>
      %swap3A_416 = arith.index_cast %add3A_259 : i32 to index
      %swap3A_417 = arith.constant 48 : index
      %swap3A_418 = tpu.vector_load %arg9[%swap3A_416, %swap3A_417] {strides = array<i32>} : memref<128x64xf32, #tpu.memory_space<vmem>>, vector<16xf32>,
      tpu.vector_store %arg9[%swap3A_416, %swap3A_417], %div3A_415 {strides = array<i32>} : memref<128x64xf32, #tpu.memory_space<vmem>>, vector<16xf32>,
      %add3A_419 = arith.constant 4 : i32
      %add3A_420 = arith.addi %add3A_259, %add3A_419 : i32
      %lt3A_421 = arith.constant 128 : i32
      %lt3A_422 = arith.cmpi slt, %add3A_420, %lt3A_421 : i32
      %convert_element_type3A_423 = arith.extui %lt3A_422 : i1 to i32
      %cond3A_424 = arith.constant 0 : i32
      %cond3A_425 = arith.cmpi ne, %convert_element_type3A_423, %cond3A_424 : i32
      scf.if %cond3A_425 {
        %add3A_763 = arith.constant 4 : i32
        %add3A_764 = arith.addi %add3A_259, %add3A_763 : i32
        %get3A_765 = arith.index_cast %add3A_764 : i32 to index
        %get3A_766 = tpu.vector_load %arg7[%get3A_765] {strides = array<i32>} : memref<144xi32, #tpu.memory_space<vmem>>, vector<16xi32>,
        %slice3A_767 = vector.extract_strided_slice %get3A_766 {offsets = [0], sizes = [1], strides = [1]} : vector<16xi32> to vector<1xi32>
        %squeeze3A_768 = vector.extract %slice3A_767[0] : i32 from vector<1xi32>
        %add3A_769 = arith.constant 31 : i32
        %add3A_770 = arith.addi %squeeze3A_768, %add3A_769 : i32
        %div3A_771 = arith.constant 32 : i32
        %div3A_772 = arith.divsi %add3A_770, %div3A_771 : i32
        %while3A_773 = arith.constant 0 : i32
        %while3A_774 = arith.constant 0 : i32
        %while3A_775 = arith.subi %div3A_772, %while3A_773 : i32
        %while3A_776 = arith.addi %while3A_773, %while3A_775 : i32
        %while3A_777 = arith.constant 1 : i32
        %while3A_778 = arith.divsi %while3A_775, %while3A_777 : i32
        %while3A_779 = arith.muli %while3A_778, %while3A_777 : i32
        %while3A_780 = arith.addi %while3A_773, %while3A_779 : i32
        %while3A_781 = arith.constant 1 : i32
        %while3A_782 = scf.for %while3A_785 = %while3A_773 to %while3A_780 step %while3A_781 iter_args(%while3A_786 = %while3A_774) -> (i32)  : i32 {
          %mul3A_787 = arith.constant 32 : i32
          %mul3A_788 = arith.muli %while3A_785, %mul3A_787 : i32
          %min3A = arith.constant 168 : i32
          %min3A_789 = arith.minsi %mul3A_788, %min3A : i32
          %mul3A_790 = arith.constant 200 : i32
          %mul3A_791 = arith.muli %add3A_764, %mul3A_790 : i32
          %add3A_792 = arith.addi %mul3A_791, %min3A_789 : i32
          %dma_start3A = arith.constant 1 : i32
          %dma_start3A_793 = arith.constant 0 : i32
          %dma_start3A_794 = tpu.memref_slice %arg8[%dma_start3A, %min3A_789, %dma_start3A_793] : memref<4x204x64xf32, #tpu.memory_space<vmem>> -> memref<1x32x64xf32, #tpu.memory_space<vmem>>
          %dma_start3A_795 = tpu.memref_squeeze %dma_start3A_794 : memref<1x32x64xf32, #tpu.memory_space<vmem>> -> memref<32x64xf32, #tpu.memory_space<vmem>>
          %dma_start3A_796 = tpu.memref_slice %arg6[%add3A_792] : memref<25600xi32, #tpu.memory_space<vmem>> -> memref<32xi32, #tpu.memory_space<vmem>>
          %dma_start3A_797 = arith.constant 0 : i32
          %dma_start3A_798 = arith.constant 0 : i32
          %dma_start3A_799 = tpu.memref_slice %arg4[%dma_start3A_797, %dma_start3A_798] : memref<2000000x64xf32, #tpu.memory_space<hbm>> -> memref<2000000x64xf32, #tpu.memory_space<hbm>>
          tpu.enqueue_indirect_dma source(%dma_start3A_799 : memref<2000000x64xf32, #tpu.memory_space<hbm>>) target(%dma_start3A_795 : memref<32x64xf32, #tpu.memory_space<vmem>>) offsets(%dma_start3A_796 : memref<32xi32, #tpu.memory_space<vmem>>) semaphore(%arg11 : memref<!tpu.dma_semaphore, #tpu.memory_space<semaphore_mem>>)
          %while3A_800 = arith.constant 0 : i32
          scf.yield %while3A_800 : i32
        }
        %while3A_783 = arith.constant 1 : i32
        %while3A_784 = scf.for %while3A_785 = %while3A_780 to %while3A_776 step %while3A_783 iter_args(%while3A_786 = %while3A_782) -> (i32)  : i32 {
          %mul3A_787 = arith.constant 32 : i32
          %mul3A_788 = arith.muli %while3A_785, %mul3A_787 : i32
          %min3A = arith.constant 168 : i32
          %min3A_789 = arith.minsi %mul3A_788, %min3A : i32
          %mul3A_790 = arith.constant 200 : i32
          %mul3A_791 = arith.muli %add3A_764, %mul3A_790 : i32
          %add3A_792 = arith.addi %mul3A_791, %min3A_789 : i32
          %dma_start3A = arith.constant 1 : i32
          %dma_start3A_793 = arith.constant 0 : i32
          %dma_start3A_794 = tpu.memref_slice %arg8[%dma_start3A, %min3A_789, %dma_start3A_793] : memref<4x204x64xf32, #tpu.memory_space<vmem>> -> memref<1x32x64xf32, #tpu.memory_space<vmem>>
          %dma_start3A_795 = tpu.memref_squeeze %dma_start3A_794 : memref<1x32x64xf32, #tpu.memory_space<vmem>> -> memref<32x64xf32, #tpu.memory_space<vmem>>
          %dma_start3A_796 = tpu.memref_slice %arg6[%add3A_792] : memref<25600xi32, #tpu.memory_space<vmem>> -> memref<32xi32, #tpu.memory_space<vmem>>
          %dma_start3A_797 = arith.constant 0 : i32
          %dma_start3A_798 = arith.constant 0 : i32
          %dma_start3A_799 = tpu.memref_slice %arg4[%dma_start3A_797, %dma_start3A_798] : memref<2000000x64xf32, #tpu.memory_space<hbm>> -> memref<2000000x64xf32, #tpu.memory_space<hbm>>
          tpu.enqueue_indirect_dma source(%dma_start3A_799 : memref<2000000x64xf32, #tpu.memory_space<hbm>>) target(%dma_start3A_795 : memref<32x64xf32, #tpu.memory_space<vmem>>) offsets(%dma_start3A_796 : memref<32xi32, #tpu.memory_space<vmem>>) semaphore(%arg11 : memref<!tpu.dma_semaphore, #tpu.memory_space<semaphore_mem>>)
          %while3A_800 = arith.constant 0 : i32
          scf.yield %while3A_800 : i32
        }
      } else {
      }
      %add3A_426 = arith.constant 2 : i32
      %add3A_427 = arith.addi %mul3A_96, %add3A_426 : i32
      %get3A_428 = arith.index_cast %add3A_427 : i32 to index
      %get3A_429 = tpu.vector_load %arg7[%get3A_428] {strides = array<i32>} : memref<144xi32, #tpu.memory_space<vmem>>, vector<16xi32>,
      %slice3A_430 = vector.extract_strided_slice %get3A_429 {offsets = [0], sizes = [1], strides = [1]} : vector<16xi32> to vector<1xi32>
      %squeeze3A_431 = vector.extract %slice3A_430[0] : i32 from vector<1xi32>
      %add3A_432 = arith.constant 31 : i32
      %add3A_433 = arith.addi %squeeze3A_431, %add3A_432 : i32
      %div3A_434 = arith.constant 32 : i32
      %div3A_435 = arith.divsi %add3A_433, %div3A_434 : i32
      %while3A_436 = arith.constant 0 : i32
      %while3A_437 = arith.constant 0 : i32
      %while3A_438 = arith.subi %div3A_435, %while3A_436 : i32
      %while3A_439 = arith.addi %while3A_436, %while3A_438 : i32
      %while3A_440 = arith.constant 1 : i32
      %while3A_441 = arith.divsi %while3A_438, %while3A_440 : i32
      %while3A_442 = arith.muli %while3A_441, %while3A_440 : i32
      %while3A_443 = arith.addi %while3A_436, %while3A_442 : i32
      %while3A_444 = arith.constant 1 : i32
      %while3A_445 = scf.for %while3A_763 = %while3A_436 to %while3A_443 step %while3A_444 iter_args(%while3A_764 = %while3A_437) -> (i32)  : i32 {
        %mul3A_765 = arith.constant 32 : i32
        %mul3A_766 = arith.muli %while3A_763, %mul3A_765 : i32
        %min3A = arith.constant 168 : i32
        %min3A_767 = arith.minsi %mul3A_766, %min3A : i32
        %mul3A_768 = arith.constant 200 : i32
        %mul3A_769 = arith.muli %add3A_427, %mul3A_768 : i32
        %add3A_770 = arith.addi %mul3A_769, %min3A_767 : i32
        %dma_wait3A = arith.constant 2 : i32
        %dma_wait3A_771 = arith.constant 0 : i32
        %dma_wait3A_772 = tpu.memref_slice %arg8[%dma_wait3A, %min3A_767, %dma_wait3A_771] : memref<4x204x64xf32, #tpu.memory_space<vmem>> -> memref<1x32x64xf32, #tpu.memory_space<vmem>>
        %dma_wait3A_773 = tpu.memref_squeeze %dma_wait3A_772 : memref<1x32x64xf32, #tpu.memory_space<vmem>> -> memref<32x64xf32, #tpu.memory_space<vmem>>
        %dma_wait3A_774 = tpu.memref_slice %arg6[%add3A_770] : memref<25600xi32, #tpu.memory_space<vmem>> -> memref<32xi32, #tpu.memory_space<vmem>>
        %dma_wait3A_775 = arith.constant 0 : i32
        %dma_wait3A_776 = arith.constant 0 : i32
        %dma_wait3A_777 = tpu.memref_slice %arg4[%dma_wait3A_775, %dma_wait3A_776] : memref<2000000x64xf32, #tpu.memory_space<hbm>> -> memref<2000000x64xf32, #tpu.memory_space<hbm>>
        tpu.wait_indirect_dma semaphore(%arg12 : memref<!tpu.dma_semaphore, #tpu.memory_space<semaphore_mem>>) src(%dma_wait3A_777 : memref<2000000x64xf32, #tpu.memory_space<hbm>>) dst(%dma_wait3A_773 : memref<32x64xf32, #tpu.memory_space<vmem>>)
        %while3A_778 = arith.constant 0 : i32
        scf.yield %while3A_778 : i32
      }
      %while3A_446 = arith.constant 1 : i32
      %while3A_447 = scf.for %while3A_763 = %while3A_443 to %while3A_439 step %while3A_446 iter_args(%while3A_764 = %while3A_445) -> (i32)  : i32 {
        %mul3A_765 = arith.constant 32 : i32
        %mul3A_766 = arith.muli %while3A_763, %mul3A_765 : i32
        %min3A = arith.constant 168 : i32
        %min3A_767 = arith.minsi %mul3A_766, %min3A : i32
        %mul3A_768 = arith.constant 200 : i32
        %mul3A_769 = arith.muli %add3A_427, %mul3A_768 : i32
        %add3A_770 = arith.addi %mul3A_769, %min3A_767 : i32
        %dma_wait3A = arith.constant 2 : i32
        %dma_wait3A_771 = arith.constant 0 : i32
        %dma_wait3A_772 = tpu.memref_slice %arg8[%dma_wait3A, %min3A_767, %dma_wait3A_771] : memref<4x204x64xf32, #tpu.memory_space<vmem>> -> memref<1x32x64xf32, #tpu.memory_space<vmem>>
        %dma_wait3A_773 = tpu.memref_squeeze %dma_wait3A_772 : memref<1x32x64xf32, #tpu.memory_space<vmem>> -> memref<32x64xf32, #tpu.memory_space<vmem>>
        %dma_wait3A_774 = tpu.memref_slice %arg6[%add3A_770] : memref<25600xi32, #tpu.memory_space<vmem>> -> memref<32xi32, #tpu.memory_space<vmem>>
        %dma_wait3A_775 = arith.constant 0 : i32
        %dma_wait3A_776 = arith.constant 0 : i32
        %dma_wait3A_777 = tpu.memref_slice %arg4[%dma_wait3A_775, %dma_wait3A_776] : memref<2000000x64xf32, #tpu.memory_space<hbm>> -> memref<2000000x64xf32, #tpu.memory_space<hbm>>
        tpu.wait_indirect_dma semaphore(%arg12 : memref<!tpu.dma_semaphore, #tpu.memory_space<semaphore_mem>>) src(%dma_wait3A_777 : memref<2000000x64xf32, #tpu.memory_space<hbm>>) dst(%dma_wait3A_773 : memref<32x64xf32, #tpu.memory_space<vmem>>)
        %while3A_778 = arith.constant 0 : i32
        scf.yield %while3A_778 : i32
      }
      %broadcast_in_dim3A_448 = arith.constant 0.000000e+00 : f32
      %broadcast_in_dim3A_449 = vector.broadcast %broadcast_in_dim3A_448 : f32 to vector<16xf32>
      %div3A_450 = arith.constant 4 : i32
      %div3A_451 = arith.divsi %squeeze3A_431, %div3A_450 : i32
      %while3A_452 = arith.constant 0 : i32
      %while3A_453 = arith.subi %div3A_451, %while3A_452 : i32
      %while3A_454 = arith.addi %while3A_452, %while3A_453 : i32
      %while3A_455 = arith.constant 1 : i32
      %while3A_456 = arith.divsi %while3A_453, %while3A_455 : i32
      %while3A_457 = arith.muli %while3A_456, %while3A_455 : i32
      %while3A_458 = arith.addi %while3A_452, %while3A_457 : i32
      %while3A_459 = arith.constant 1 : i32
      %while3A_460:4 = scf.for %while3A_763 = %while3A_452 to %while3A_458 step %while3A_459 iter_args(%while3A_764 = %broadcast_in_dim3A_449, %while3A_765 = %broadcast_in_dim3A_449, %while3A_766 = %broadcast_in_dim3A_449, %while3A_767 = %broadcast_in_dim3A_449) -> (vector<16xf32>, vector<16xf32>, vector<16xf32>, vector<16xf32>)  : i32 {
        %mul3A_768 = arith.constant 4 : i32
        %mul3A_769 = arith.muli %mul3A_768, %while3A_763 : i32
        %add3A_770 = arith.constant 0 : i32
        %add3A_771 = arith.addi %mul3A_769, %add3A_770 : i32
        %get3A_772 = arith.constant 2 : i32
        %get3A_773 = arith.index_cast %get3A_772 : i32 to index
        %get3A_774 = arith.index_cast %add3A_771 : i32 to index
        %get3A_775 = arith.constant 0 : index
        %get3A_776 = tpu.vector_load %arg8[%get3A_773, %get3A_774, %get3A_775] {strides = array<i32>} : memref<4x204x64xf32, #tpu.memory_space<vmem>>, vector<16xf32>,
        %get3A_777 = arith.constant 2 : i32
        %get3A_778 = arith.index_cast %get3A_777 : i32 to index
        %get3A_779 = arith.index_cast %add3A_771 : i32 to index
        %get3A_780 = arith.constant 16 : index
        %get3A_781 = tpu.vector_load %arg8[%get3A_778, %get3A_779, %get3A_780] {strides = array<i32>} : memref<4x204x64xf32, #tpu.memory_space<vmem>>, vector<16xf32>,
        %get3A_782 = arith.constant 2 : i32
        %get3A_783 = arith.index_cast %get3A_782 : i32 to index
        %get3A_784 = arith.index_cast %add3A_771 : i32 to index
        %get3A_785 = arith.constant 32 : index
        %get3A_786 = tpu.vector_load %arg8[%get3A_783, %get3A_784, %get3A_785] {strides = array<i32>} : memref<4x204x64xf32, #tpu.memory_space<vmem>>, vector<16xf32>,
        %get3A_787 = arith.constant 2 : i32
        %get3A_788 = arith.index_cast %get3A_787 : i32 to index
        %get3A_789 = arith.index_cast %add3A_771 : i32 to index
        %get3A_790 = arith.constant 48 : index
        %get3A_791 = tpu.vector_load %arg8[%get3A_788, %get3A_789, %get3A_790] {strides = array<i32>} : memref<4x204x64xf32, #tpu.memory_space<vmem>>, vector<16xf32>,
        %mul3A_792 = arith.constant 4 : i32
        %mul3A_793 = arith.muli %mul3A_792, %while3A_763 : i32
        %add3A_794 = arith.constant 1 : i32
        %add3A_795 = arith.addi %mul3A_793, %add3A_794 : i32
        %get3A_796 = arith.constant 2 : i32
        %get3A_797 = arith.index_cast %get3A_796 : i32 to index
        %get3A_798 = arith.index_cast %add3A_795 : i32 to index
        %get3A_799 = arith.constant 0 : index
        %get3A_800 = tpu.vector_load %arg8[%get3A_797, %get3A_798, %get3A_799] {strides = array<i32>} : memref<4x204x64xf32, #tpu.memory_space<vmem>>, vector<16xf32>,
        %get3A_801 = arith.constant 2 : i32
        %get3A_802 = arith.index_cast %get3A_801 : i32 to index
        %get3A_803 = arith.index_cast %add3A_795 : i32 to index
        %get3A_804 = arith.constant 16 : index
        %get3A_805 = tpu.vector_load %arg8[%get3A_802, %get3A_803, %get3A_804] {strides = array<i32>} : memref<4x204x64xf32, #tpu.memory_space<vmem>>, vector<16xf32>,
        %get3A_806 = arith.constant 2 : i32
        %get3A_807 = arith.index_cast %get3A_806 : i32 to index
        %get3A_808 = arith.index_cast %add3A_795 : i32 to index
        %get3A_809 = arith.constant 32 : index
        %get3A_810 = tpu.vector_load %arg8[%get3A_807, %get3A_808, %get3A_809] {strides = array<i32>} : memref<4x204x64xf32, #tpu.memory_space<vmem>>, vector<16xf32>,
        %get3A_811 = arith.constant 2 : i32
        %get3A_812 = arith.index_cast %get3A_811 : i32 to index
        %get3A_813 = arith.index_cast %add3A_795 : i32 to index
        %get3A_814 = arith.constant 48 : index
        %get3A_815 = tpu.vector_load %arg8[%get3A_812, %get3A_813, %get3A_814] {strides = array<i32>} : memref<4x204x64xf32, #tpu.memory_space<vmem>>, vector<16xf32>,
        %mul3A_816 = arith.constant 4 : i32
        %mul3A_817 = arith.muli %mul3A_816, %while3A_763 : i32
        %add3A_818 = arith.constant 2 : i32
        %add3A_819 = arith.addi %mul3A_817, %add3A_818 : i32
        %get3A_820 = arith.constant 2 : i32
        %get3A_821 = arith.index_cast %get3A_820 : i32 to index
        %get3A_822 = arith.index_cast %add3A_819 : i32 to index
        %get3A_823 = arith.constant 0 : index
        %get3A_824 = tpu.vector_load %arg8[%get3A_821, %get3A_822, %get3A_823] {strides = array<i32>} : memref<4x204x64xf32, #tpu.memory_space<vmem>>, vector<16xf32>,
        %get3A_825 = arith.constant 2 : i32
        %get3A_826 = arith.index_cast %get3A_825 : i32 to index
        %get3A_827 = arith.index_cast %add3A_819 : i32 to index
        %get3A_828 = arith.constant 16 : index
        %get3A_829 = tpu.vector_load %arg8[%get3A_826, %get3A_827, %get3A_828] {strides = array<i32>} : memref<4x204x64xf32, #tpu.memory_space<vmem>>, vector<16xf32>,
        %get3A_830 = arith.constant 2 : i32
        %get3A_831 = arith.index_cast %get3A_830 : i32 to index
        %get3A_832 = arith.index_cast %add3A_819 : i32 to index
        %get3A_833 = arith.constant 32 : index
        %get3A_834 = tpu.vector_load %arg8[%get3A_831, %get3A_832, %get3A_833] {strides = array<i32>} : memref<4x204x64xf32, #tpu.memory_space<vmem>>, vector<16xf32>,
        %get3A_835 = arith.constant 2 : i32
        %get3A_836 = arith.index_cast %get3A_835 : i32 to index
        %get3A_837 = arith.index_cast %add3A_819 : i32 to index
        %get3A_838 = arith.constant 48 : index
        %get3A_839 = tpu.vector_load %arg8[%get3A_836, %get3A_837, %get3A_838] {strides = array<i32>} : memref<4x204x64xf32, #tpu.memory_space<vmem>>, vector<16xf32>,
        %mul3A_840 = arith.constant 4 : i32
        %mul3A_841 = arith.muli %mul3A_840, %while3A_763 : i32
        %add3A_842 = arith.constant 3 : i32
        %add3A_843 = arith.addi %mul3A_841, %add3A_842 : i32
        %get3A_844 = arith.constant 2 : i32
        %get3A_845 = arith.index_cast %get3A_844 : i32 to index
        %get3A_846 = arith.index_cast %add3A_843 : i32 to index
        %get3A_847 = arith.constant 0 : index
        %get3A_848 = tpu.vector_load %arg8[%get3A_845, %get3A_846, %get3A_847] {strides = array<i32>} : memref<4x204x64xf32, #tpu.memory_space<vmem>>, vector<16xf32>,
        %get3A_849 = arith.constant 2 : i32
        %get3A_850 = arith.index_cast %get3A_849 : i32 to index
        %get3A_851 = arith.index_cast %add3A_843 : i32 to index
        %get3A_852 = arith.constant 16 : index
        %get3A_853 = tpu.vector_load %arg8[%get3A_850, %get3A_851, %get3A_852] {strides = array<i32>} : memref<4x204x64xf32, #tpu.memory_space<vmem>>, vector<16xf32>,
        %get3A_854 = arith.constant 2 : i32
        %get3A_855 = arith.index_cast %get3A_854 : i32 to index
        %get3A_856 = arith.index_cast %add3A_843 : i32 to index
        %get3A_857 = arith.constant 32 : index
        %get3A_858 = tpu.vector_load %arg8[%get3A_855, %get3A_856, %get3A_857] {strides = array<i32>} : memref<4x204x64xf32, #tpu.memory_space<vmem>>, vector<16xf32>,
        %get3A_859 = arith.constant 2 : i32
        %get3A_860 = arith.index_cast %get3A_859 : i32 to index
        %get3A_861 = arith.index_cast %add3A_843 : i32 to index
        %get3A_862 = arith.constant 48 : index
        %get3A_863 = tpu.vector_load %arg8[%get3A_860, %get3A_861, %get3A_862] {strides = array<i32>} : memref<4x204x64xf32, #tpu.memory_space<vmem>>, vector<16xf32>,
        %add3A_864 = arith.addf %get3A_776, %get3A_800 : vector<16xf32>
        %add3A_865 = arith.addf %get3A_824, %get3A_848 : vector<16xf32>
        %add3A_866 = arith.addf %add3A_864, %add3A_865 : vector<16xf32>
        %add3A_867 = arith.addf %while3A_764, %add3A_866 : vector<16xf32>
        %add3A_868 = arith.addf %get3A_781, %get3A_805 : vector<16xf32>
        %add3A_869 = arith.addf %get3A_829, %get3A_853 : vector<16xf32>
        %add3A_870 = arith.addf %add3A_868, %add3A_869 : vector<16xf32>
        %add3A_871 = arith.addf %while3A_765, %add3A_870 : vector<16xf32>
        %add3A_872 = arith.addf %get3A_786, %get3A_810 : vector<16xf32>
        %add3A_873 = arith.addf %get3A_834, %get3A_858 : vector<16xf32>
        %add3A_874 = arith.addf %add3A_872, %add3A_873 : vector<16xf32>
        %add3A_875 = arith.addf %while3A_766, %add3A_874 : vector<16xf32>
        %add3A_876 = arith.addf %get3A_791, %get3A_815 : vector<16xf32>
        %add3A_877 = arith.addf %get3A_839, %get3A_863 : vector<16xf32>
        %add3A_878 = arith.addf %add3A_876, %add3A_877 : vector<16xf32>
        %add3A_879 = arith.addf %while3A_767, %add3A_878 : vector<16xf32>
        scf.yield %add3A_867, %add3A_871, %add3A_875, %add3A_879 : vector<16xf32>, vector<16xf32>, vector<16xf32>, vector<16xf32>
      }
      %while3A_461 = arith.constant 1 : i32
      %while3A_462:4 = scf.for %while3A_763 = %while3A_458 to %while3A_454 step %while3A_461 iter_args(%while3A_764 = %while3A_460#0, %while3A_765 = %while3A_460#1, %while3A_766 = %while3A_460#2, %while3A_767 = %while3A_460#3) -> (vector<16xf32>, vector<16xf32>, vector<16xf32>, vector<16xf32>)  : i32 {
        %mul3A_768 = arith.constant 4 : i32
        %mul3A_769 = arith.muli %mul3A_768, %while3A_763 : i32
        %add3A_770 = arith.constant 0 : i32
        %add3A_771 = arith.addi %mul3A_769, %add3A_770 : i32
        %get3A_772 = arith.constant 2 : i32
        %get3A_773 = arith.index_cast %get3A_772 : i32 to index
        %get3A_774 = arith.index_cast %add3A_771 : i32 to index
        %get3A_775 = arith.constant 0 : index
        %get3A_776 = tpu.vector_load %arg8[%get3A_773, %get3A_774, %get3A_775] {strides = array<i32>} : memref<4x204x64xf32, #tpu.memory_space<vmem>>, vector<16xf32>,
        %get3A_777 = arith.constant 2 : i32
        %get3A_778 = arith.index_cast %get3A_777 : i32 to index
        %get3A_779 = arith.index_cast %add3A_771 : i32 to index
        %get3A_780 = arith.constant 16 : index
        %get3A_781 = tpu.vector_load %arg8[%get3A_778, %get3A_779, %get3A_780] {strides = array<i32>} : memref<4x204x64xf32, #tpu.memory_space<vmem>>, vector<16xf32>,
        %get3A_782 = arith.constant 2 : i32
        %get3A_783 = arith.index_cast %get3A_782 : i32 to index
        %get3A_784 = arith.index_cast %add3A_771 : i32 to index
        %get3A_785 = arith.constant 32 : index
        %get3A_786 = tpu.vector_load %arg8[%get3A_783, %get3A_784, %get3A_785] {strides = array<i32>} : memref<4x204x64xf32, #tpu.memory_space<vmem>>, vector<16xf32>,
        %get3A_787 = arith.constant 2 : i32
        %get3A_788 = arith.index_cast %get3A_787 : i32 to index
        %get3A_789 = arith.index_cast %add3A_771 : i32 to index
        %get3A_790 = arith.constant 48 : index
        %get3A_791 = tpu.vector_load %arg8[%get3A_788, %get3A_789, %get3A_790] {strides = array<i32>} : memref<4x204x64xf32, #tpu.memory_space<vmem>>, vector<16xf32>,
        %mul3A_792 = arith.constant 4 : i32
        %mul3A_793 = arith.muli %mul3A_792, %while3A_763 : i32
        %add3A_794 = arith.constant 1 : i32
        %add3A_795 = arith.addi %mul3A_793, %add3A_794 : i32
        %get3A_796 = arith.constant 2 : i32
        %get3A_797 = arith.index_cast %get3A_796 : i32 to index
        %get3A_798 = arith.index_cast %add3A_795 : i32 to index
        %get3A_799 = arith.constant 0 : index
        %get3A_800 = tpu.vector_load %arg8[%get3A_797, %get3A_798, %get3A_799] {strides = array<i32>} : memref<4x204x64xf32, #tpu.memory_space<vmem>>, vector<16xf32>,
        %get3A_801 = arith.constant 2 : i32
        %get3A_802 = arith.index_cast %get3A_801 : i32 to index
        %get3A_803 = arith.index_cast %add3A_795 : i32 to index
        %get3A_804 = arith.constant 16 : index
        %get3A_805 = tpu.vector_load %arg8[%get3A_802, %get3A_803, %get3A_804] {strides = array<i32>} : memref<4x204x64xf32, #tpu.memory_space<vmem>>, vector<16xf32>,
        %get3A_806 = arith.constant 2 : i32
        %get3A_807 = arith.index_cast %get3A_806 : i32 to index
        %get3A_808 = arith.index_cast %add3A_795 : i32 to index
        %get3A_809 = arith.constant 32 : index
        %get3A_810 = tpu.vector_load %arg8[%get3A_807, %get3A_808, %get3A_809] {strides = array<i32>} : memref<4x204x64xf32, #tpu.memory_space<vmem>>, vector<16xf32>,
        %get3A_811 = arith.constant 2 : i32
        %get3A_812 = arith.index_cast %get3A_811 : i32 to index
        %get3A_813 = arith.index_cast %add3A_795 : i32 to index
        %get3A_814 = arith.constant 48 : index
        %get3A_815 = tpu.vector_load %arg8[%get3A_812, %get3A_813, %get3A_814] {strides = array<i32>} : memref<4x204x64xf32, #tpu.memory_space<vmem>>, vector<16xf32>,
        %mul3A_816 = arith.constant 4 : i32
        %mul3A_817 = arith.muli %mul3A_816, %while3A_763 : i32
        %add3A_818 = arith.constant 2 : i32
        %add3A_819 = arith.addi %mul3A_817, %add3A_818 : i32
        %get3A_820 = arith.constant 2 : i32
        %get3A_821 = arith.index_cast %get3A_820 : i32 to index
        %get3A_822 = arith.index_cast %add3A_819 : i32 to index
        %get3A_823 = arith.constant 0 : index
        %get3A_824 = tpu.vector_load %arg8[%get3A_821, %get3A_822, %get3A_823] {strides = array<i32>} : memref<4x204x64xf32, #tpu.memory_space<vmem>>, vector<16xf32>,
        %get3A_825 = arith.constant 2 : i32
        %get3A_826 = arith.index_cast %get3A_825 : i32 to index
        %get3A_827 = arith.index_cast %add3A_819 : i32 to index
        %get3A_828 = arith.constant 16 : index
        %get3A_829 = tpu.vector_load %arg8[%get3A_826, %get3A_827, %get3A_828] {strides = array<i32>} : memref<4x204x64xf32, #tpu.memory_space<vmem>>, vector<16xf32>,
        %get3A_830 = arith.constant 2 : i32
        %get3A_831 = arith.index_cast %get3A_830 : i32 to index
        %get3A_832 = arith.index_cast %add3A_819 : i32 to index
        %get3A_833 = arith.constant 32 : index
        %get3A_834 = tpu.vector_load %arg8[%get3A_831, %get3A_832, %get3A_833] {strides = array<i32>} : memref<4x204x64xf32, #tpu.memory_space<vmem>>, vector<16xf32>,
        %get3A_835 = arith.constant 2 : i32
        %get3A_836 = arith.index_cast %get3A_835 : i32 to index
        %get3A_837 = arith.index_cast %add3A_819 : i32 to index
        %get3A_838 = arith.constant 48 : index
        %get3A_839 = tpu.vector_load %arg8[%get3A_836, %get3A_837, %get3A_838] {strides = array<i32>} : memref<4x204x64xf32, #tpu.memory_space<vmem>>, vector<16xf32>,
        %mul3A_840 = arith.constant 4 : i32
        %mul3A_841 = arith.muli %mul3A_840, %while3A_763 : i32
        %add3A_842 = arith.constant 3 : i32
        %add3A_843 = arith.addi %mul3A_841, %add3A_842 : i32
        %get3A_844 = arith.constant 2 : i32
        %get3A_845 = arith.index_cast %get3A_844 : i32 to index
        %get3A_846 = arith.index_cast %add3A_843 : i32 to index
        %get3A_847 = arith.constant 0 : index
        %get3A_848 = tpu.vector_load %arg8[%get3A_845, %get3A_846, %get3A_847] {strides = array<i32>} : memref<4x204x64xf32, #tpu.memory_space<vmem>>, vector<16xf32>,
        %get3A_849 = arith.constant 2 : i32
        %get3A_850 = arith.index_cast %get3A_849 : i32 to index
        %get3A_851 = arith.index_cast %add3A_843 : i32 to index
        %get3A_852 = arith.constant 16 : index
        %get3A_853 = tpu.vector_load %arg8[%get3A_850, %get3A_851, %get3A_852] {strides = array<i32>} : memref<4x204x64xf32, #tpu.memory_space<vmem>>, vector<16xf32>,
        %get3A_854 = arith.constant 2 : i32
        %get3A_855 = arith.index_cast %get3A_854 : i32 to index
        %get3A_856 = arith.index_cast %add3A_843 : i32 to index
        %get3A_857 = arith.constant 32 : index
        %get3A_858 = tpu.vector_load %arg8[%get3A_855, %get3A_856, %get3A_857] {strides = array<i32>} : memref<4x204x64xf32, #tpu.memory_space<vmem>>, vector<16xf32>,
        %get3A_859 = arith.constant 2 : i32
        %get3A_860 = arith.index_cast %get3A_859 : i32 to index
        %get3A_861 = arith.index_cast %add3A_843 : i32 to index
        %get3A_862 = arith.constant 48 : index
        %get3A_863 = tpu.vector_load %arg8[%get3A_860, %get3A_861, %get3A_862] {strides = array<i32>} : memref<4x204x64xf32, #tpu.memory_space<vmem>>, vector<16xf32>,
        %add3A_864 = arith.addf %get3A_776, %get3A_800 : vector<16xf32>
        %add3A_865 = arith.addf %get3A_824, %get3A_848 : vector<16xf32>
        %add3A_866 = arith.addf %add3A_864, %add3A_865 : vector<16xf32>
        %add3A_867 = arith.addf %while3A_764, %add3A_866 : vector<16xf32>
        %add3A_868 = arith.addf %get3A_781, %get3A_805 : vector<16xf32>
        %add3A_869 = arith.addf %get3A_829, %get3A_853 : vector<16xf32>
        %add3A_870 = arith.addf %add3A_868, %add3A_869 : vector<16xf32>
        %add3A_871 = arith.addf %while3A_765, %add3A_870 : vector<16xf32>
        %add3A_872 = arith.addf %get3A_786, %get3A_810 : vector<16xf32>
        %add3A_873 = arith.addf %get3A_834, %get3A_858 : vector<16xf32>
        %add3A_874 = arith.addf %add3A_872, %add3A_873 : vector<16xf32>
        %add3A_875 = arith.addf %while3A_766, %add3A_874 : vector<16xf32>
        %add3A_876 = arith.addf %get3A_791, %get3A_815 : vector<16xf32>
        %add3A_877 = arith.addf %get3A_839, %get3A_863 : vector<16xf32>
        %add3A_878 = arith.addf %add3A_876, %add3A_877 : vector<16xf32>
        %add3A_879 = arith.addf %while3A_767, %add3A_878 : vector<16xf32>
        scf.yield %add3A_867, %add3A_871, %add3A_875, %add3A_879 : vector<16xf32>, vector<16xf32>, vector<16xf32>, vector<16xf32>
      }
      %mul3A_463 = arith.constant 4 : i32
      %mul3A_464 = arith.muli %div3A_451, %mul3A_463 : i32
      %add3A_465 = arith.constant 0 : i32
      %add3A_466 = arith.addi %mul3A_464, %add3A_465 : i32
      %lt3A_467 = arith.cmpi slt, %add3A_466, %squeeze3A_431 : i32
      %broadcast_in_dim3A_468 = vector.broadcast %lt3A_467 : i1 to vector<16xi1>
      %add3A_469 = arith.constant 0 : i32
      %add3A_470 = arith.addi %mul3A_464, %add3A_469 : i32
      %get3A_471 = arith.constant 2 : i32
      %get3A_472 = arith.index_cast %get3A_471 : i32 to index
      %get3A_473 = arith.index_cast %add3A_470 : i32 to index
      %get3A_474 = arith.constant 0 : index
      %get3A_475 = tpu.vector_load %arg8[%get3A_472, %get3A_473, %get3A_474] {strides = array<i32>} : memref<4x204x64xf32, #tpu.memory_space<vmem>>, vector<16xf32>,
      %get3A_476 = arith.constant 2 : i32
      %get3A_477 = arith.index_cast %get3A_476 : i32 to index
      %get3A_478 = arith.index_cast %add3A_470 : i32 to index
      %get3A_479 = arith.constant 16 : index
      %get3A_480 = tpu.vector_load %arg8[%get3A_477, %get3A_478, %get3A_479] {strides = array<i32>} : memref<4x204x64xf32, #tpu.memory_space<vmem>>, vector<16xf32>,
      %get3A_481 = arith.constant 2 : i32
      %get3A_482 = arith.index_cast %get3A_481 : i32 to index
      %get3A_483 = arith.index_cast %add3A_470 : i32 to index
      %get3A_484 = arith.constant 32 : index
      %get3A_485 = tpu.vector_load %arg8[%get3A_482, %get3A_483, %get3A_484] {strides = array<i32>} : memref<4x204x64xf32, #tpu.memory_space<vmem>>, vector<16xf32>,
      %get3A_486 = arith.constant 2 : i32
      %get3A_487 = arith.index_cast %get3A_486 : i32 to index
      %get3A_488 = arith.index_cast %add3A_470 : i32 to index
      %get3A_489 = arith.constant 48 : index
      %get3A_490 = tpu.vector_load %arg8[%get3A_487, %get3A_488, %get3A_489] {strides = array<i32>} : memref<4x204x64xf32, #tpu.memory_space<vmem>>, vector<16xf32>,
      %select_n3A_491 = arith.select %broadcast_in_dim3A_468, %get3A_475, %broadcast_in_dim3A_449 : vector<16xi1>, vector<16xf32>
      %add3A_492 = arith.addf %while3A_462#0, %select_n3A_491 : vector<16xf32>
      %select_n3A_493 = arith.select %broadcast_in_dim3A_468, %get3A_480, %broadcast_in_dim3A_449 : vector<16xi1>, vector<16xf32>
      %add3A_494 = arith.addf %while3A_462#1, %select_n3A_493 : vector<16xf32>
      %select_n3A_495 = arith.select %broadcast_in_dim3A_468, %get3A_485, %broadcast_in_dim3A_449 : vector<16xi1>, vector<16xf32>
      %add3A_496 = arith.addf %while3A_462#2, %select_n3A_495 : vector<16xf32>
      %select_n3A_497 = arith.select %broadcast_in_dim3A_468, %get3A_490, %broadcast_in_dim3A_449 : vector<16xi1>, vector<16xf32>
      %add3A_498 = arith.addf %while3A_462#3, %select_n3A_497 : vector<16xf32>
      %add3A_499 = arith.constant 1 : i32
      %add3A_500 = arith.addi %mul3A_464, %add3A_499 : i32
      %lt3A_501 = arith.cmpi slt, %add3A_500, %squeeze3A_431 : i32
      %broadcast_in_dim3A_502 = vector.broadcast %lt3A_501 : i1 to vector<16xi1>
      %add3A_503 = arith.constant 1 : i32
      %add3A_504 = arith.addi %mul3A_464, %add3A_503 : i32
      %get3A_505 = arith.constant 2 : i32
      %get3A_506 = arith.index_cast %get3A_505 : i32 to index
      %get3A_507 = arith.index_cast %add3A_504 : i32 to index
      %get3A_508 = arith.constant 0 : index
      %get3A_509 = tpu.vector_load %arg8[%get3A_506, %get3A_507, %get3A_508] {strides = array<i32>} : memref<4x204x64xf32, #tpu.memory_space<vmem>>, vector<16xf32>,
      %get3A_510 = arith.constant 2 : i32
      %get3A_511 = arith.index_cast %get3A_510 : i32 to index
      %get3A_512 = arith.index_cast %add3A_504 : i32 to index
      %get3A_513 = arith.constant 16 : index
      %get3A_514 = tpu.vector_load %arg8[%get3A_511, %get3A_512, %get3A_513] {strides = array<i32>} : memref<4x204x64xf32, #tpu.memory_space<vmem>>, vector<16xf32>,
      %get3A_515 = arith.constant 2 : i32
      %get3A_516 = arith.index_cast %get3A_515 : i32 to index
      %get3A_517 = arith.index_cast %add3A_504 : i32 to index
      %get3A_518 = arith.constant 32 : index
      %get3A_519 = tpu.vector_load %arg8[%get3A_516, %get3A_517, %get3A_518] {strides = array<i32>} : memref<4x204x64xf32, #tpu.memory_space<vmem>>, vector<16xf32>,
      %get3A_520 = arith.constant 2 : i32
      %get3A_521 = arith.index_cast %get3A_520 : i32 to index
      %get3A_522 = arith.index_cast %add3A_504 : i32 to index
      %get3A_523 = arith.constant 48 : index
      %get3A_524 = tpu.vector_load %arg8[%get3A_521, %get3A_522, %get3A_523] {strides = array<i32>} : memref<4x204x64xf32, #tpu.memory_space<vmem>>, vector<16xf32>,
      %select_n3A_525 = arith.select %broadcast_in_dim3A_502, %get3A_509, %broadcast_in_dim3A_449 : vector<16xi1>, vector<16xf32>
      %add3A_526 = arith.addf %add3A_492, %select_n3A_525 : vector<16xf32>
      %select_n3A_527 = arith.select %broadcast_in_dim3A_502, %get3A_514, %broadcast_in_dim3A_449 : vector<16xi1>, vector<16xf32>
      %add3A_528 = arith.addf %add3A_494, %select_n3A_527 : vector<16xf32>
      %select_n3A_529 = arith.select %broadcast_in_dim3A_502, %get3A_519, %broadcast_in_dim3A_449 : vector<16xi1>, vector<16xf32>
      %add3A_530 = arith.addf %add3A_496, %select_n3A_529 : vector<16xf32>
      %select_n3A_531 = arith.select %broadcast_in_dim3A_502, %get3A_524, %broadcast_in_dim3A_449 : vector<16xi1>, vector<16xf32>
      %add3A_532 = arith.addf %add3A_498, %select_n3A_531 : vector<16xf32>
      %add3A_533 = arith.constant 2 : i32
      %add3A_534 = arith.addi %mul3A_464, %add3A_533 : i32
      %lt3A_535 = arith.cmpi slt, %add3A_534, %squeeze3A_431 : i32
      %broadcast_in_dim3A_536 = vector.broadcast %lt3A_535 : i1 to vector<16xi1>
      %add3A_537 = arith.constant 2 : i32
      %add3A_538 = arith.addi %mul3A_464, %add3A_537 : i32
      %get3A_539 = arith.constant 2 : i32
      %get3A_540 = arith.index_cast %get3A_539 : i32 to index
      %get3A_541 = arith.index_cast %add3A_538 : i32 to index
      %get3A_542 = arith.constant 0 : index
      %get3A_543 = tpu.vector_load %arg8[%get3A_540, %get3A_541, %get3A_542] {strides = array<i32>} : memref<4x204x64xf32, #tpu.memory_space<vmem>>, vector<16xf32>,
      %get3A_544 = arith.constant 2 : i32
      %get3A_545 = arith.index_cast %get3A_544 : i32 to index
      %get3A_546 = arith.index_cast %add3A_538 : i32 to index
      %get3A_547 = arith.constant 16 : index
      %get3A_548 = tpu.vector_load %arg8[%get3A_545, %get3A_546, %get3A_547] {strides = array<i32>} : memref<4x204x64xf32, #tpu.memory_space<vmem>>, vector<16xf32>,
      %get3A_549 = arith.constant 2 : i32
      %get3A_550 = arith.index_cast %get3A_549 : i32 to index
      %get3A_551 = arith.index_cast %add3A_538 : i32 to index
      %get3A_552 = arith.constant 32 : index
      %get3A_553 = tpu.vector_load %arg8[%get3A_550, %get3A_551, %get3A_552] {strides = array<i32>} : memref<4x204x64xf32, #tpu.memory_space<vmem>>, vector<16xf32>,
      %get3A_554 = arith.constant 2 : i32
      %get3A_555 = arith.index_cast %get3A_554 : i32 to index
      %get3A_556 = arith.index_cast %add3A_538 : i32 to index
      %get3A_557 = arith.constant 48 : index
      %get3A_558 = tpu.vector_load %arg8[%get3A_555, %get3A_556, %get3A_557] {strides = array<i32>} : memref<4x204x64xf32, #tpu.memory_space<vmem>>, vector<16xf32>,
      %select_n3A_559 = arith.select %broadcast_in_dim3A_536, %get3A_543, %broadcast_in_dim3A_449 : vector<16xi1>, vector<16xf32>
      %add3A_560 = arith.addf %add3A_526, %select_n3A_559 : vector<16xf32>
      %select_n3A_561 = arith.select %broadcast_in_dim3A_536, %get3A_548, %broadcast_in_dim3A_449 : vector<16xi1>, vector<16xf32>
      %add3A_562 = arith.addf %add3A_528, %select_n3A_561 : vector<16xf32>
      %select_n3A_563 = arith.select %broadcast_in_dim3A_536, %get3A_553, %broadcast_in_dim3A_449 : vector<16xi1>, vector<16xf32>
      %add3A_564 = arith.addf %add3A_530, %select_n3A_563 : vector<16xf32>
      %select_n3A_565 = arith.select %broadcast_in_dim3A_536, %get3A_558, %broadcast_in_dim3A_449 : vector<16xi1>, vector<16xf32>
      %add3A_566 = arith.addf %add3A_532, %select_n3A_565 : vector<16xf32>
      %max3A_567 = arith.constant 1 : i32
      %max3A_568 = arith.maxsi %squeeze3A_431, %max3A_567 : i32
      %broadcast_in_dim3A_569 = vector.broadcast %max3A_568 : i32 to vector<16xi32>
      %convert_element_type3A_570 = arith.sitofp %broadcast_in_dim3A_569 : vector<16xi32> to vector<16xf32>
      %div3A_571 = arith.divf %add3A_560, %convert_element_type3A_570 : vector<16xf32>
      %swap3A_572 = arith.index_cast %add3A_427 : i32 to index
      %swap3A_573 = arith.constant 0 : index
      %swap3A_574 = tpu.vector_load %arg9[%swap3A_572, %swap3A_573] {strides = array<i32>} : memref<128x64xf32, #tpu.memory_space<vmem>>, vector<16xf32>,
      tpu.vector_store %arg9[%swap3A_572, %swap3A_573], %div3A_571 {strides = array<i32>} : memref<128x64xf32, #tpu.memory_space<vmem>>, vector<16xf32>,
      %div3A_575 = arith.divf %add3A_562, %convert_element_type3A_570 : vector<16xf32>
      %swap3A_576 = arith.index_cast %add3A_427 : i32 to index
      %swap3A_577 = arith.constant 16 : index
      %swap3A_578 = tpu.vector_load %arg9[%swap3A_576, %swap3A_577] {strides = array<i32>} : memref<128x64xf32, #tpu.memory_space<vmem>>, vector<16xf32>,
      tpu.vector_store %arg9[%swap3A_576, %swap3A_577], %div3A_575 {strides = array<i32>} : memref<128x64xf32, #tpu.memory_space<vmem>>, vector<16xf32>,
      %div3A_579 = arith.divf %add3A_564, %convert_element_type3A_570 : vector<16xf32>
      %swap3A_580 = arith.index_cast %add3A_427 : i32 to index
      %swap3A_581 = arith.constant 32 : index
      %swap3A_582 = tpu.vector_load %arg9[%swap3A_580, %swap3A_581] {strides = array<i32>} : memref<128x64xf32, #tpu.memory_space<vmem>>, vector<16xf32>,
      tpu.vector_store %arg9[%swap3A_580, %swap3A_581], %div3A_579 {strides = array<i32>} : memref<128x64xf32, #tpu.memory_space<vmem>>, vector<16xf32>,
      %div3A_583 = arith.divf %add3A_566, %convert_element_type3A_570 : vector<16xf32>
      %swap3A_584 = arith.index_cast %add3A_427 : i32 to index
      %swap3A_585 = arith.constant 48 : index
      %swap3A_586 = tpu.vector_load %arg9[%swap3A_584, %swap3A_585] {strides = array<i32>} : memref<128x64xf32, #tpu.memory_space<vmem>>, vector<16xf32>,
      tpu.vector_store %arg9[%swap3A_584, %swap3A_585], %div3A_583 {strides = array<i32>} : memref<128x64xf32, #tpu.memory_space<vmem>>, vector<16xf32>,
      %add3A_587 = arith.constant 4 : i32
      %add3A_588 = arith.addi %add3A_427, %add3A_587 : i32
      %lt3A_589 = arith.constant 128 : i32
      %lt3A_590 = arith.cmpi slt, %add3A_588, %lt3A_589 : i32
      %convert_element_type3A_591 = arith.extui %lt3A_590 : i1 to i32
      %cond3A_592 = arith.constant 0 : i32
      %cond3A_593 = arith.cmpi ne, %convert_element_type3A_591, %cond3A_592 : i32
      scf.if %cond3A_593 {
        %add3A_763 = arith.constant 4 : i32
        %add3A_764 = arith.addi %add3A_427, %add3A_763 : i32
        %get3A_765 = arith.index_cast %add3A_764 : i32 to index
        %get3A_766 = tpu.vector_load %arg7[%get3A_765] {strides = array<i32>} : memref<144xi32, #tpu.memory_space<vmem>>, vector<16xi32>,
        %slice3A_767 = vector.extract_strided_slice %get3A_766 {offsets = [0], sizes = [1], strides = [1]} : vector<16xi32> to vector<1xi32>
        %squeeze3A_768 = vector.extract %slice3A_767[0] : i32 from vector<1xi32>
        %add3A_769 = arith.constant 31 : i32
        %add3A_770 = arith.addi %squeeze3A_768, %add3A_769 : i32
        %div3A_771 = arith.constant 32 : i32
        %div3A_772 = arith.divsi %add3A_770, %div3A_771 : i32
        %while3A_773 = arith.constant 0 : i32
        %while3A_774 = arith.constant 0 : i32
        %while3A_775 = arith.subi %div3A_772, %while3A_773 : i32
        %while3A_776 = arith.addi %while3A_773, %while3A_775 : i32
        %while3A_777 = arith.constant 1 : i32
        %while3A_778 = arith.divsi %while3A_775, %while3A_777 : i32
        %while3A_779 = arith.muli %while3A_778, %while3A_777 : i32
        %while3A_780 = arith.addi %while3A_773, %while3A_779 : i32
        %while3A_781 = arith.constant 1 : i32
        %while3A_782 = scf.for %while3A_785 = %while3A_773 to %while3A_780 step %while3A_781 iter_args(%while3A_786 = %while3A_774) -> (i32)  : i32 {
          %mul3A_787 = arith.constant 32 : i32
          %mul3A_788 = arith.muli %while3A_785, %mul3A_787 : i32
          %min3A = arith.constant 168 : i32
          %min3A_789 = arith.minsi %mul3A_788, %min3A : i32
          %mul3A_790 = arith.constant 200 : i32
          %mul3A_791 = arith.muli %add3A_764, %mul3A_790 : i32
          %add3A_792 = arith.addi %mul3A_791, %min3A_789 : i32
          %dma_start3A = arith.constant 2 : i32
          %dma_start3A_793 = arith.constant 0 : i32
          %dma_start3A_794 = tpu.memref_slice %arg8[%dma_start3A, %min3A_789, %dma_start3A_793] : memref<4x204x64xf32, #tpu.memory_space<vmem>> -> memref<1x32x64xf32, #tpu.memory_space<vmem>>
          %dma_start3A_795 = tpu.memref_squeeze %dma_start3A_794 : memref<1x32x64xf32, #tpu.memory_space<vmem>> -> memref<32x64xf32, #tpu.memory_space<vmem>>
          %dma_start3A_796 = tpu.memref_slice %arg6[%add3A_792] : memref<25600xi32, #tpu.memory_space<vmem>> -> memref<32xi32, #tpu.memory_space<vmem>>
          %dma_start3A_797 = arith.constant 0 : i32
          %dma_start3A_798 = arith.constant 0 : i32
          %dma_start3A_799 = tpu.memref_slice %arg4[%dma_start3A_797, %dma_start3A_798] : memref<2000000x64xf32, #tpu.memory_space<hbm>> -> memref<2000000x64xf32, #tpu.memory_space<hbm>>
          tpu.enqueue_indirect_dma source(%dma_start3A_799 : memref<2000000x64xf32, #tpu.memory_space<hbm>>) target(%dma_start3A_795 : memref<32x64xf32, #tpu.memory_space<vmem>>) offsets(%dma_start3A_796 : memref<32xi32, #tpu.memory_space<vmem>>) semaphore(%arg12 : memref<!tpu.dma_semaphore, #tpu.memory_space<semaphore_mem>>)
          %while3A_800 = arith.constant 0 : i32
          scf.yield %while3A_800 : i32
        }
        %while3A_783 = arith.constant 1 : i32
        %while3A_784 = scf.for %while3A_785 = %while3A_780 to %while3A_776 step %while3A_783 iter_args(%while3A_786 = %while3A_782) -> (i32)  : i32 {
          %mul3A_787 = arith.constant 32 : i32
          %mul3A_788 = arith.muli %while3A_785, %mul3A_787 : i32
          %min3A = arith.constant 168 : i32
          %min3A_789 = arith.minsi %mul3A_788, %min3A : i32
          %mul3A_790 = arith.constant 200 : i32
          %mul3A_791 = arith.muli %add3A_764, %mul3A_790 : i32
          %add3A_792 = arith.addi %mul3A_791, %min3A_789 : i32
          %dma_start3A = arith.constant 2 : i32
          %dma_start3A_793 = arith.constant 0 : i32
          %dma_start3A_794 = tpu.memref_slice %arg8[%dma_start3A, %min3A_789, %dma_start3A_793] : memref<4x204x64xf32, #tpu.memory_space<vmem>> -> memref<1x32x64xf32, #tpu.memory_space<vmem>>
          %dma_start3A_795 = tpu.memref_squeeze %dma_start3A_794 : memref<1x32x64xf32, #tpu.memory_space<vmem>> -> memref<32x64xf32, #tpu.memory_space<vmem>>
          %dma_start3A_796 = tpu.memref_slice %arg6[%add3A_792] : memref<25600xi32, #tpu.memory_space<vmem>> -> memref<32xi32, #tpu.memory_space<vmem>>
          %dma_start3A_797 = arith.constant 0 : i32
          %dma_start3A_798 = arith.constant 0 : i32
          %dma_start3A_799 = tpu.memref_slice %arg4[%dma_start3A_797, %dma_start3A_798] : memref<2000000x64xf32, #tpu.memory_space<hbm>> -> memref<2000000x64xf32, #tpu.memory_space<hbm>>
          tpu.enqueue_indirect_dma source(%dma_start3A_799 : memref<2000000x64xf32, #tpu.memory_space<hbm>>) target(%dma_start3A_795 : memref<32x64xf32, #tpu.memory_space<vmem>>) offsets(%dma_start3A_796 : memref<32xi32, #tpu.memory_space<vmem>>) semaphore(%arg12 : memref<!tpu.dma_semaphore, #tpu.memory_space<semaphore_mem>>)
          %while3A_800 = arith.constant 0 : i32
          scf.yield %while3A_800 : i32
        }
      } else {
      }
      %add3A_594 = arith.constant 3 : i32
      %add3A_595 = arith.addi %mul3A_96, %add3A_594 : i32
      %get3A_596 = arith.index_cast %add3A_595 : i32 to index
      %get3A_597 = tpu.vector_load %arg7[%get3A_596] {strides = array<i32>} : memref<144xi32, #tpu.memory_space<vmem>>, vector<16xi32>,
      %slice3A_598 = vector.extract_strided_slice %get3A_597 {offsets = [0], sizes = [1], strides = [1]} : vector<16xi32> to vector<1xi32>
      %squeeze3A_599 = vector.extract %slice3A_598[0] : i32 from vector<1xi32>
      %add3A_600 = arith.constant 31 : i32
      %add3A_601 = arith.addi %squeeze3A_599, %add3A_600 : i32
      %div3A_602 = arith.constant 32 : i32
      %div3A_603 = arith.divsi %add3A_601, %div3A_602 : i32
      %while3A_604 = arith.constant 0 : i32
      %while3A_605 = arith.constant 0 : i32
      %while3A_606 = arith.subi %div3A_603, %while3A_604 : i32
      %while3A_607 = arith.addi %while3A_604, %while3A_606 : i32
      %while3A_608 = arith.constant 1 : i32
      %while3A_609 = arith.divsi %while3A_606, %while3A_608 : i32
      %while3A_610 = arith.muli %while3A_609, %while3A_608 : i32
      %while3A_611 = arith.addi %while3A_604, %while3A_610 : i32
      %while3A_612 = arith.constant 1 : i32
      %while3A_613 = scf.for %while3A_763 = %while3A_604 to %while3A_611 step %while3A_612 iter_args(%while3A_764 = %while3A_605) -> (i32)  : i32 {
        %mul3A_765 = arith.constant 32 : i32
        %mul3A_766 = arith.muli %while3A_763, %mul3A_765 : i32
        %min3A = arith.constant 168 : i32
        %min3A_767 = arith.minsi %mul3A_766, %min3A : i32
        %mul3A_768 = arith.constant 200 : i32
        %mul3A_769 = arith.muli %add3A_595, %mul3A_768 : i32
        %add3A_770 = arith.addi %mul3A_769, %min3A_767 : i32
        %dma_wait3A = arith.constant 3 : i32
        %dma_wait3A_771 = arith.constant 0 : i32
        %dma_wait3A_772 = tpu.memref_slice %arg8[%dma_wait3A, %min3A_767, %dma_wait3A_771] : memref<4x204x64xf32, #tpu.memory_space<vmem>> -> memref<1x32x64xf32, #tpu.memory_space<vmem>>
        %dma_wait3A_773 = tpu.memref_squeeze %dma_wait3A_772 : memref<1x32x64xf32, #tpu.memory_space<vmem>> -> memref<32x64xf32, #tpu.memory_space<vmem>>
        %dma_wait3A_774 = tpu.memref_slice %arg6[%add3A_770] : memref<25600xi32, #tpu.memory_space<vmem>> -> memref<32xi32, #tpu.memory_space<vmem>>
        %dma_wait3A_775 = arith.constant 0 : i32
        %dma_wait3A_776 = arith.constant 0 : i32
        %dma_wait3A_777 = tpu.memref_slice %arg4[%dma_wait3A_775, %dma_wait3A_776] : memref<2000000x64xf32, #tpu.memory_space<hbm>> -> memref<2000000x64xf32, #tpu.memory_space<hbm>>
        tpu.wait_indirect_dma semaphore(%arg13 : memref<!tpu.dma_semaphore, #tpu.memory_space<semaphore_mem>>) src(%dma_wait3A_777 : memref<2000000x64xf32, #tpu.memory_space<hbm>>) dst(%dma_wait3A_773 : memref<32x64xf32, #tpu.memory_space<vmem>>)
        %while3A_778 = arith.constant 0 : i32
        scf.yield %while3A_778 : i32
      }
      %while3A_614 = arith.constant 1 : i32
      %while3A_615 = scf.for %while3A_763 = %while3A_611 to %while3A_607 step %while3A_614 iter_args(%while3A_764 = %while3A_613) -> (i32)  : i32 {
        %mul3A_765 = arith.constant 32 : i32
        %mul3A_766 = arith.muli %while3A_763, %mul3A_765 : i32
        %min3A = arith.constant 168 : i32
        %min3A_767 = arith.minsi %mul3A_766, %min3A : i32
        %mul3A_768 = arith.constant 200 : i32
        %mul3A_769 = arith.muli %add3A_595, %mul3A_768 : i32
        %add3A_770 = arith.addi %mul3A_769, %min3A_767 : i32
        %dma_wait3A = arith.constant 3 : i32
        %dma_wait3A_771 = arith.constant 0 : i32
        %dma_wait3A_772 = tpu.memref_slice %arg8[%dma_wait3A, %min3A_767, %dma_wait3A_771] : memref<4x204x64xf32, #tpu.memory_space<vmem>> -> memref<1x32x64xf32, #tpu.memory_space<vmem>>
        %dma_wait3A_773 = tpu.memref_squeeze %dma_wait3A_772 : memref<1x32x64xf32, #tpu.memory_space<vmem>> -> memref<32x64xf32, #tpu.memory_space<vmem>>
        %dma_wait3A_774 = tpu.memref_slice %arg6[%add3A_770] : memref<25600xi32, #tpu.memory_space<vmem>> -> memref<32xi32, #tpu.memory_space<vmem>>
        %dma_wait3A_775 = arith.constant 0 : i32
        %dma_wait3A_776 = arith.constant 0 : i32
        %dma_wait3A_777 = tpu.memref_slice %arg4[%dma_wait3A_775, %dma_wait3A_776] : memref<2000000x64xf32, #tpu.memory_space<hbm>> -> memref<2000000x64xf32, #tpu.memory_space<hbm>>
        tpu.wait_indirect_dma semaphore(%arg13 : memref<!tpu.dma_semaphore, #tpu.memory_space<semaphore_mem>>) src(%dma_wait3A_777 : memref<2000000x64xf32, #tpu.memory_space<hbm>>) dst(%dma_wait3A_773 : memref<32x64xf32, #tpu.memory_space<vmem>>)
        %while3A_778 = arith.constant 0 : i32
        scf.yield %while3A_778 : i32
      }
      %broadcast_in_dim3A_616 = arith.constant 0.000000e+00 : f32
      %broadcast_in_dim3A_617 = vector.broadcast %broadcast_in_dim3A_616 : f32 to vector<16xf32>
      %div3A_618 = arith.constant 4 : i32
      %div3A_619 = arith.divsi %squeeze3A_599, %div3A_618 : i32
      %while3A_620 = arith.constant 0 : i32
      %while3A_621 = arith.subi %div3A_619, %while3A_620 : i32
      %while3A_622 = arith.addi %while3A_620, %while3A_621 : i32
      %while3A_623 = arith.constant 1 : i32
      %while3A_624 = arith.divsi %while3A_621, %while3A_623 : i32
      %while3A_625 = arith.muli %while3A_624, %while3A_623 : i32
      %while3A_626 = arith.addi %while3A_620, %while3A_625 : i32
      %while3A_627 = arith.constant 1 : i32
      %while3A_628:4 = scf.for %while3A_763 = %while3A_620 to %while3A_626 step %while3A_627 iter_args(%while3A_764 = %broadcast_in_dim3A_617, %while3A_765 = %broadcast_in_dim3A_617, %while3A_766 = %broadcast_in_dim3A_617, %while3A_767 = %broadcast_in_dim3A_617) -> (vector<16xf32>, vector<16xf32>, vector<16xf32>, vector<16xf32>)  : i32 {
        %mul3A_768 = arith.constant 4 : i32
        %mul3A_769 = arith.muli %mul3A_768, %while3A_763 : i32
        %add3A_770 = arith.constant 0 : i32
        %add3A_771 = arith.addi %mul3A_769, %add3A_770 : i32
        %get3A_772 = arith.constant 3 : i32
        %get3A_773 = arith.index_cast %get3A_772 : i32 to index
        %get3A_774 = arith.index_cast %add3A_771 : i32 to index
        %get3A_775 = arith.constant 0 : index
        %get3A_776 = tpu.vector_load %arg8[%get3A_773, %get3A_774, %get3A_775] {strides = array<i32>} : memref<4x204x64xf32, #tpu.memory_space<vmem>>, vector<16xf32>,
        %get3A_777 = arith.constant 3 : i32
        %get3A_778 = arith.index_cast %get3A_777 : i32 to index
        %get3A_779 = arith.index_cast %add3A_771 : i32 to index
        %get3A_780 = arith.constant 16 : index
        %get3A_781 = tpu.vector_load %arg8[%get3A_778, %get3A_779, %get3A_780] {strides = array<i32>} : memref<4x204x64xf32, #tpu.memory_space<vmem>>, vector<16xf32>,
        %get3A_782 = arith.constant 3 : i32
        %get3A_783 = arith.index_cast %get3A_782 : i32 to index
        %get3A_784 = arith.index_cast %add3A_771 : i32 to index
        %get3A_785 = arith.constant 32 : index
        %get3A_786 = tpu.vector_load %arg8[%get3A_783, %get3A_784, %get3A_785] {strides = array<i32>} : memref<4x204x64xf32, #tpu.memory_space<vmem>>, vector<16xf32>,
        %get3A_787 = arith.constant 3 : i32
        %get3A_788 = arith.index_cast %get3A_787 : i32 to index
        %get3A_789 = arith.index_cast %add3A_771 : i32 to index
        %get3A_790 = arith.constant 48 : index
        %get3A_791 = tpu.vector_load %arg8[%get3A_788, %get3A_789, %get3A_790] {strides = array<i32>} : memref<4x204x64xf32, #tpu.memory_space<vmem>>, vector<16xf32>,
        %mul3A_792 = arith.constant 4 : i32
        %mul3A_793 = arith.muli %mul3A_792, %while3A_763 : i32
        %add3A_794 = arith.constant 1 : i32
        %add3A_795 = arith.addi %mul3A_793, %add3A_794 : i32
        %get3A_796 = arith.constant 3 : i32
        %get3A_797 = arith.index_cast %get3A_796 : i32 to index
        %get3A_798 = arith.index_cast %add3A_795 : i32 to index
        %get3A_799 = arith.constant 0 : index
        %get3A_800 = tpu.vector_load %arg8[%get3A_797, %get3A_798, %get3A_799] {strides = array<i32>} : memref<4x204x64xf32, #tpu.memory_space<vmem>>, vector<16xf32>,
        %get3A_801 = arith.constant 3 : i32
        %get3A_802 = arith.index_cast %get3A_801 : i32 to index
        %get3A_803 = arith.index_cast %add3A_795 : i32 to index
        %get3A_804 = arith.constant 16 : index
        %get3A_805 = tpu.vector_load %arg8[%get3A_802, %get3A_803, %get3A_804] {strides = array<i32>} : memref<4x204x64xf32, #tpu.memory_space<vmem>>, vector<16xf32>,
        %get3A_806 = arith.constant 3 : i32
        %get3A_807 = arith.index_cast %get3A_806 : i32 to index
        %get3A_808 = arith.index_cast %add3A_795 : i32 to index
        %get3A_809 = arith.constant 32 : index
        %get3A_810 = tpu.vector_load %arg8[%get3A_807, %get3A_808, %get3A_809] {strides = array<i32>} : memref<4x204x64xf32, #tpu.memory_space<vmem>>, vector<16xf32>,
        %get3A_811 = arith.constant 3 : i32
        %get3A_812 = arith.index_cast %get3A_811 : i32 to index
        %get3A_813 = arith.index_cast %add3A_795 : i32 to index
        %get3A_814 = arith.constant 48 : index
        %get3A_815 = tpu.vector_load %arg8[%get3A_812, %get3A_813, %get3A_814] {strides = array<i32>} : memref<4x204x64xf32, #tpu.memory_space<vmem>>, vector<16xf32>,
        %mul3A_816 = arith.constant 4 : i32
        %mul3A_817 = arith.muli %mul3A_816, %while3A_763 : i32
        %add3A_818 = arith.constant 2 : i32
        %add3A_819 = arith.addi %mul3A_817, %add3A_818 : i32
        %get3A_820 = arith.constant 3 : i32
        %get3A_821 = arith.index_cast %get3A_820 : i32 to index
        %get3A_822 = arith.index_cast %add3A_819 : i32 to index
        %get3A_823 = arith.constant 0 : index
        %get3A_824 = tpu.vector_load %arg8[%get3A_821, %get3A_822, %get3A_823] {strides = array<i32>} : memref<4x204x64xf32, #tpu.memory_space<vmem>>, vector<16xf32>,
        %get3A_825 = arith.constant 3 : i32
        %get3A_826 = arith.index_cast %get3A_825 : i32 to index
        %get3A_827 = arith.index_cast %add3A_819 : i32 to index
        %get3A_828 = arith.constant 16 : index
        %get3A_829 = tpu.vector_load %arg8[%get3A_826, %get3A_827, %get3A_828] {strides = array<i32>} : memref<4x204x64xf32, #tpu.memory_space<vmem>>, vector<16xf32>,
        %get3A_830 = arith.constant 3 : i32
        %get3A_831 = arith.index_cast %get3A_830 : i32 to index
        %get3A_832 = arith.index_cast %add3A_819 : i32 to index
        %get3A_833 = arith.constant 32 : index
        %get3A_834 = tpu.vector_load %arg8[%get3A_831, %get3A_832, %get3A_833] {strides = array<i32>} : memref<4x204x64xf32, #tpu.memory_space<vmem>>, vector<16xf32>,
        %get3A_835 = arith.constant 3 : i32
        %get3A_836 = arith.index_cast %get3A_835 : i32 to index
        %get3A_837 = arith.index_cast %add3A_819 : i32 to index
        %get3A_838 = arith.constant 48 : index
        %get3A_839 = tpu.vector_load %arg8[%get3A_836, %get3A_837, %get3A_838] {strides = array<i32>} : memref<4x204x64xf32, #tpu.memory_space<vmem>>, vector<16xf32>,
        %mul3A_840 = arith.constant 4 : i32
        %mul3A_841 = arith.muli %mul3A_840, %while3A_763 : i32
        %add3A_842 = arith.constant 3 : i32
        %add3A_843 = arith.addi %mul3A_841, %add3A_842 : i32
        %get3A_844 = arith.constant 3 : i32
        %get3A_845 = arith.index_cast %get3A_844 : i32 to index
        %get3A_846 = arith.index_cast %add3A_843 : i32 to index
        %get3A_847 = arith.constant 0 : index
        %get3A_848 = tpu.vector_load %arg8[%get3A_845, %get3A_846, %get3A_847] {strides = array<i32>} : memref<4x204x64xf32, #tpu.memory_space<vmem>>, vector<16xf32>,
        %get3A_849 = arith.constant 3 : i32
        %get3A_850 = arith.index_cast %get3A_849 : i32 to index
        %get3A_851 = arith.index_cast %add3A_843 : i32 to index
        %get3A_852 = arith.constant 16 : index
        %get3A_853 = tpu.vector_load %arg8[%get3A_850, %get3A_851, %get3A_852] {strides = array<i32>} : memref<4x204x64xf32, #tpu.memory_space<vmem>>, vector<16xf32>,
        %get3A_854 = arith.constant 3 : i32
        %get3A_855 = arith.index_cast %get3A_854 : i32 to index
        %get3A_856 = arith.index_cast %add3A_843 : i32 to index
        %get3A_857 = arith.constant 32 : index
        %get3A_858 = tpu.vector_load %arg8[%get3A_855, %get3A_856, %get3A_857] {strides = array<i32>} : memref<4x204x64xf32, #tpu.memory_space<vmem>>, vector<16xf32>,
        %get3A_859 = arith.constant 3 : i32
        %get3A_860 = arith.index_cast %get3A_859 : i32 to index
        %get3A_861 = arith.index_cast %add3A_843 : i32 to index
        %get3A_862 = arith.constant 48 : index
        %get3A_863 = tpu.vector_load %arg8[%get3A_860, %get3A_861, %get3A_862] {strides = array<i32>} : memref<4x204x64xf32, #tpu.memory_space<vmem>>, vector<16xf32>,
        %add3A_864 = arith.addf %get3A_776, %get3A_800 : vector<16xf32>
        %add3A_865 = arith.addf %get3A_824, %get3A_848 : vector<16xf32>
        %add3A_866 = arith.addf %add3A_864, %add3A_865 : vector<16xf32>
        %add3A_867 = arith.addf %while3A_764, %add3A_866 : vector<16xf32>
        %add3A_868 = arith.addf %get3A_781, %get3A_805 : vector<16xf32>
        %add3A_869 = arith.addf %get3A_829, %get3A_853 : vector<16xf32>
        %add3A_870 = arith.addf %add3A_868, %add3A_869 : vector<16xf32>
        %add3A_871 = arith.addf %while3A_765, %add3A_870 : vector<16xf32>
        %add3A_872 = arith.addf %get3A_786, %get3A_810 : vector<16xf32>
        %add3A_873 = arith.addf %get3A_834, %get3A_858 : vector<16xf32>
        %add3A_874 = arith.addf %add3A_872, %add3A_873 : vector<16xf32>
        %add3A_875 = arith.addf %while3A_766, %add3A_874 : vector<16xf32>
        %add3A_876 = arith.addf %get3A_791, %get3A_815 : vector<16xf32>
        %add3A_877 = arith.addf %get3A_839, %get3A_863 : vector<16xf32>
        %add3A_878 = arith.addf %add3A_876, %add3A_877 : vector<16xf32>
        %add3A_879 = arith.addf %while3A_767, %add3A_878 : vector<16xf32>
        scf.yield %add3A_867, %add3A_871, %add3A_875, %add3A_879 : vector<16xf32>, vector<16xf32>, vector<16xf32>, vector<16xf32>
      }
      %while3A_629 = arith.constant 1 : i32
      %while3A_630:4 = scf.for %while3A_763 = %while3A_626 to %while3A_622 step %while3A_629 iter_args(%while3A_764 = %while3A_628#0, %while3A_765 = %while3A_628#1, %while3A_766 = %while3A_628#2, %while3A_767 = %while3A_628#3) -> (vector<16xf32>, vector<16xf32>, vector<16xf32>, vector<16xf32>)  : i32 {
        %mul3A_768 = arith.constant 4 : i32
        %mul3A_769 = arith.muli %mul3A_768, %while3A_763 : i32
        %add3A_770 = arith.constant 0 : i32
        %add3A_771 = arith.addi %mul3A_769, %add3A_770 : i32
        %get3A_772 = arith.constant 3 : i32
        %get3A_773 = arith.index_cast %get3A_772 : i32 to index
        %get3A_774 = arith.index_cast %add3A_771 : i32 to index
        %get3A_775 = arith.constant 0 : index
        %get3A_776 = tpu.vector_load %arg8[%get3A_773, %get3A_774, %get3A_775] {strides = array<i32>} : memref<4x204x64xf32, #tpu.memory_space<vmem>>, vector<16xf32>,
        %get3A_777 = arith.constant 3 : i32
        %get3A_778 = arith.index_cast %get3A_777 : i32 to index
        %get3A_779 = arith.index_cast %add3A_771 : i32 to index
        %get3A_780 = arith.constant 16 : index
        %get3A_781 = tpu.vector_load %arg8[%get3A_778, %get3A_779, %get3A_780] {strides = array<i32>} : memref<4x204x64xf32, #tpu.memory_space<vmem>>, vector<16xf32>,
        %get3A_782 = arith.constant 3 : i32
        %get3A_783 = arith.index_cast %get3A_782 : i32 to index
        %get3A_784 = arith.index_cast %add3A_771 : i32 to index
        %get3A_785 = arith.constant 32 : index
        %get3A_786 = tpu.vector_load %arg8[%get3A_783, %get3A_784, %get3A_785] {strides = array<i32>} : memref<4x204x64xf32, #tpu.memory_space<vmem>>, vector<16xf32>,
        %get3A_787 = arith.constant 3 : i32
        %get3A_788 = arith.index_cast %get3A_787 : i32 to index
        %get3A_789 = arith.index_cast %add3A_771 : i32 to index
        %get3A_790 = arith.constant 48 : index
        %get3A_791 = tpu.vector_load %arg8[%get3A_788, %get3A_789, %get3A_790] {strides = array<i32>} : memref<4x204x64xf32, #tpu.memory_space<vmem>>, vector<16xf32>,
        %mul3A_792 = arith.constant 4 : i32
        %mul3A_793 = arith.muli %mul3A_792, %while3A_763 : i32
        %add3A_794 = arith.constant 1 : i32
        %add3A_795 = arith.addi %mul3A_793, %add3A_794 : i32
        %get3A_796 = arith.constant 3 : i32
        %get3A_797 = arith.index_cast %get3A_796 : i32 to index
        %get3A_798 = arith.index_cast %add3A_795 : i32 to index
        %get3A_799 = arith.constant 0 : index
        %get3A_800 = tpu.vector_load %arg8[%get3A_797, %get3A_798, %get3A_799] {strides = array<i32>} : memref<4x204x64xf32, #tpu.memory_space<vmem>>, vector<16xf32>,
        %get3A_801 = arith.constant 3 : i32
        %get3A_802 = arith.index_cast %get3A_801 : i32 to index
        %get3A_803 = arith.index_cast %add3A_795 : i32 to index
        %get3A_804 = arith.constant 16 : index
        %get3A_805 = tpu.vector_load %arg8[%get3A_802, %get3A_803, %get3A_804] {strides = array<i32>} : memref<4x204x64xf32, #tpu.memory_space<vmem>>, vector<16xf32>,
        %get3A_806 = arith.constant 3 : i32
        %get3A_807 = arith.index_cast %get3A_806 : i32 to index
        %get3A_808 = arith.index_cast %add3A_795 : i32 to index
        %get3A_809 = arith.constant 32 : index
        %get3A_810 = tpu.vector_load %arg8[%get3A_807, %get3A_808, %get3A_809] {strides = array<i32>} : memref<4x204x64xf32, #tpu.memory_space<vmem>>, vector<16xf32>,
        %get3A_811 = arith.constant 3 : i32
        %get3A_812 = arith.index_cast %get3A_811 : i32 to index
        %get3A_813 = arith.index_cast %add3A_795 : i32 to index
        %get3A_814 = arith.constant 48 : index
        %get3A_815 = tpu.vector_load %arg8[%get3A_812, %get3A_813, %get3A_814] {strides = array<i32>} : memref<4x204x64xf32, #tpu.memory_space<vmem>>, vector<16xf32>,
        %mul3A_816 = arith.constant 4 : i32
        %mul3A_817 = arith.muli %mul3A_816, %while3A_763 : i32
        %add3A_818 = arith.constant 2 : i32
        %add3A_819 = arith.addi %mul3A_817, %add3A_818 : i32
        %get3A_820 = arith.constant 3 : i32
        %get3A_821 = arith.index_cast %get3A_820 : i32 to index
        %get3A_822 = arith.index_cast %add3A_819 : i32 to index
        %get3A_823 = arith.constant 0 : index
        %get3A_824 = tpu.vector_load %arg8[%get3A_821, %get3A_822, %get3A_823] {strides = array<i32>} : memref<4x204x64xf32, #tpu.memory_space<vmem>>, vector<16xf32>,
        %get3A_825 = arith.constant 3 : i32
        %get3A_826 = arith.index_cast %get3A_825 : i32 to index
        %get3A_827 = arith.index_cast %add3A_819 : i32 to index
        %get3A_828 = arith.constant 16 : index
        %get3A_829 = tpu.vector_load %arg8[%get3A_826, %get3A_827, %get3A_828] {strides = array<i32>} : memref<4x204x64xf32, #tpu.memory_space<vmem>>, vector<16xf32>,
        %get3A_830 = arith.constant 3 : i32
        %get3A_831 = arith.index_cast %get3A_830 : i32 to index
        %get3A_832 = arith.index_cast %add3A_819 : i32 to index
        %get3A_833 = arith.constant 32 : index
        %get3A_834 = tpu.vector_load %arg8[%get3A_831, %get3A_832, %get3A_833] {strides = array<i32>} : memref<4x204x64xf32, #tpu.memory_space<vmem>>, vector<16xf32>,
        %get3A_835 = arith.constant 3 : i32
        %get3A_836 = arith.index_cast %get3A_835 : i32 to index
        %get3A_837 = arith.index_cast %add3A_819 : i32 to index
        %get3A_838 = arith.constant 48 : index
        %get3A_839 = tpu.vector_load %arg8[%get3A_836, %get3A_837, %get3A_838] {strides = array<i32>} : memref<4x204x64xf32, #tpu.memory_space<vmem>>, vector<16xf32>,
        %mul3A_840 = arith.constant 4 : i32
        %mul3A_841 = arith.muli %mul3A_840, %while3A_763 : i32
        %add3A_842 = arith.constant 3 : i32
        %add3A_843 = arith.addi %mul3A_841, %add3A_842 : i32
        %get3A_844 = arith.constant 3 : i32
        %get3A_845 = arith.index_cast %get3A_844 : i32 to index
        %get3A_846 = arith.index_cast %add3A_843 : i32 to index
        %get3A_847 = arith.constant 0 : index
        %get3A_848 = tpu.vector_load %arg8[%get3A_845, %get3A_846, %get3A_847] {strides = array<i32>} : memref<4x204x64xf32, #tpu.memory_space<vmem>>, vector<16xf32>,
        %get3A_849 = arith.constant 3 : i32
        %get3A_850 = arith.index_cast %get3A_849 : i32 to index
        %get3A_851 = arith.index_cast %add3A_843 : i32 to index
        %get3A_852 = arith.constant 16 : index
        %get3A_853 = tpu.vector_load %arg8[%get3A_850, %get3A_851, %get3A_852] {strides = array<i32>} : memref<4x204x64xf32, #tpu.memory_space<vmem>>, vector<16xf32>,
        %get3A_854 = arith.constant 3 : i32
        %get3A_855 = arith.index_cast %get3A_854 : i32 to index
        %get3A_856 = arith.index_cast %add3A_843 : i32 to index
        %get3A_857 = arith.constant 32 : index
        %get3A_858 = tpu.vector_load %arg8[%get3A_855, %get3A_856, %get3A_857] {strides = array<i32>} : memref<4x204x64xf32, #tpu.memory_space<vmem>>, vector<16xf32>,
        %get3A_859 = arith.constant 3 : i32
        %get3A_860 = arith.index_cast %get3A_859 : i32 to index
        %get3A_861 = arith.index_cast %add3A_843 : i32 to index
        %get3A_862 = arith.constant 48 : index
        %get3A_863 = tpu.vector_load %arg8[%get3A_860, %get3A_861, %get3A_862] {strides = array<i32>} : memref<4x204x64xf32, #tpu.memory_space<vmem>>, vector<16xf32>,
        %add3A_864 = arith.addf %get3A_776, %get3A_800 : vector<16xf32>
        %add3A_865 = arith.addf %get3A_824, %get3A_848 : vector<16xf32>
        %add3A_866 = arith.addf %add3A_864, %add3A_865 : vector<16xf32>
        %add3A_867 = arith.addf %while3A_764, %add3A_866 : vector<16xf32>
        %add3A_868 = arith.addf %get3A_781, %get3A_805 : vector<16xf32>
        %add3A_869 = arith.addf %get3A_829, %get3A_853 : vector<16xf32>
        %add3A_870 = arith.addf %add3A_868, %add3A_869 : vector<16xf32>
        %add3A_871 = arith.addf %while3A_765, %add3A_870 : vector<16xf32>
        %add3A_872 = arith.addf %get3A_786, %get3A_810 : vector<16xf32>
        %add3A_873 = arith.addf %get3A_834, %get3A_858 : vector<16xf32>
        %add3A_874 = arith.addf %add3A_872, %add3A_873 : vector<16xf32>
        %add3A_875 = arith.addf %while3A_766, %add3A_874 : vector<16xf32>
        %add3A_876 = arith.addf %get3A_791, %get3A_815 : vector<16xf32>
        %add3A_877 = arith.addf %get3A_839, %get3A_863 : vector<16xf32>
        %add3A_878 = arith.addf %add3A_876, %add3A_877 : vector<16xf32>
        %add3A_879 = arith.addf %while3A_767, %add3A_878 : vector<16xf32>
        scf.yield %add3A_867, %add3A_871, %add3A_875, %add3A_879 : vector<16xf32>, vector<16xf32>, vector<16xf32>, vector<16xf32>
      }
      %mul3A_631 = arith.constant 4 : i32
      %mul3A_632 = arith.muli %div3A_619, %mul3A_631 : i32
      %add3A_633 = arith.constant 0 : i32
      %add3A_634 = arith.addi %mul3A_632, %add3A_633 : i32
      %lt3A_635 = arith.cmpi slt, %add3A_634, %squeeze3A_599 : i32
      %broadcast_in_dim3A_636 = vector.broadcast %lt3A_635 : i1 to vector<16xi1>
      %add3A_637 = arith.constant 0 : i32
      %add3A_638 = arith.addi %mul3A_632, %add3A_637 : i32
      %get3A_639 = arith.constant 3 : i32
      %get3A_640 = arith.index_cast %get3A_639 : i32 to index
      %get3A_641 = arith.index_cast %add3A_638 : i32 to index
      %get3A_642 = arith.constant 0 : index
      %get3A_643 = tpu.vector_load %arg8[%get3A_640, %get3A_641, %get3A_642] {strides = array<i32>} : memref<4x204x64xf32, #tpu.memory_space<vmem>>, vector<16xf32>,
      %get3A_644 = arith.constant 3 : i32
      %get3A_645 = arith.index_cast %get3A_644 : i32 to index
      %get3A_646 = arith.index_cast %add3A_638 : i32 to index
      %get3A_647 = arith.constant 16 : index
      %get3A_648 = tpu.vector_load %arg8[%get3A_645, %get3A_646, %get3A_647] {strides = array<i32>} : memref<4x204x64xf32, #tpu.memory_space<vmem>>, vector<16xf32>,
      %get3A_649 = arith.constant 3 : i32
      %get3A_650 = arith.index_cast %get3A_649 : i32 to index
      %get3A_651 = arith.index_cast %add3A_638 : i32 to index
      %get3A_652 = arith.constant 32 : index
      %get3A_653 = tpu.vector_load %arg8[%get3A_650, %get3A_651, %get3A_652] {strides = array<i32>} : memref<4x204x64xf32, #tpu.memory_space<vmem>>, vector<16xf32>,
      %get3A_654 = arith.constant 3 : i32
      %get3A_655 = arith.index_cast %get3A_654 : i32 to index
      %get3A_656 = arith.index_cast %add3A_638 : i32 to index
      %get3A_657 = arith.constant 48 : index
      %get3A_658 = tpu.vector_load %arg8[%get3A_655, %get3A_656, %get3A_657] {strides = array<i32>} : memref<4x204x64xf32, #tpu.memory_space<vmem>>, vector<16xf32>,
      %select_n3A_659 = arith.select %broadcast_in_dim3A_636, %get3A_643, %broadcast_in_dim3A_617 : vector<16xi1>, vector<16xf32>
      %add3A_660 = arith.addf %while3A_630#0, %select_n3A_659 : vector<16xf32>
      %select_n3A_661 = arith.select %broadcast_in_dim3A_636, %get3A_648, %broadcast_in_dim3A_617 : vector<16xi1>, vector<16xf32>
      %add3A_662 = arith.addf %while3A_630#1, %select_n3A_661 : vector<16xf32>
      %select_n3A_663 = arith.select %broadcast_in_dim3A_636, %get3A_653, %broadcast_in_dim3A_617 : vector<16xi1>, vector<16xf32>
      %add3A_664 = arith.addf %while3A_630#2, %select_n3A_663 : vector<16xf32>
      %select_n3A_665 = arith.select %broadcast_in_dim3A_636, %get3A_658, %broadcast_in_dim3A_617 : vector<16xi1>, vector<16xf32>
      %add3A_666 = arith.addf %while3A_630#3, %select_n3A_665 : vector<16xf32>
      %add3A_667 = arith.constant 1 : i32
      %add3A_668 = arith.addi %mul3A_632, %add3A_667 : i32
      %lt3A_669 = arith.cmpi slt, %add3A_668, %squeeze3A_599 : i32
      %broadcast_in_dim3A_670 = vector.broadcast %lt3A_669 : i1 to vector<16xi1>
      %add3A_671 = arith.constant 1 : i32
      %add3A_672 = arith.addi %mul3A_632, %add3A_671 : i32
      %get3A_673 = arith.constant 3 : i32
      %get3A_674 = arith.index_cast %get3A_673 : i32 to index
      %get3A_675 = arith.index_cast %add3A_672 : i32 to index
      %get3A_676 = arith.constant 0 : index
      %get3A_677 = tpu.vector_load %arg8[%get3A_674, %get3A_675, %get3A_676] {strides = array<i32>} : memref<4x204x64xf32, #tpu.memory_space<vmem>>, vector<16xf32>,
      %get3A_678 = arith.constant 3 : i32
      %get3A_679 = arith.index_cast %get3A_678 : i32 to index
      %get3A_680 = arith.index_cast %add3A_672 : i32 to index
      %get3A_681 = arith.constant 16 : index
      %get3A_682 = tpu.vector_load %arg8[%get3A_679, %get3A_680, %get3A_681] {strides = array<i32>} : memref<4x204x64xf32, #tpu.memory_space<vmem>>, vector<16xf32>,
      %get3A_683 = arith.constant 3 : i32
      %get3A_684 = arith.index_cast %get3A_683 : i32 to index
      %get3A_685 = arith.index_cast %add3A_672 : i32 to index
      %get3A_686 = arith.constant 32 : index
      %get3A_687 = tpu.vector_load %arg8[%get3A_684, %get3A_685, %get3A_686] {strides = array<i32>} : memref<4x204x64xf32, #tpu.memory_space<vmem>>, vector<16xf32>,
      %get3A_688 = arith.constant 3 : i32
      %get3A_689 = arith.index_cast %get3A_688 : i32 to index
      %get3A_690 = arith.index_cast %add3A_672 : i32 to index
      %get3A_691 = arith.constant 48 : index
      %get3A_692 = tpu.vector_load %arg8[%get3A_689, %get3A_690, %get3A_691] {strides = array<i32>} : memref<4x204x64xf32, #tpu.memory_space<vmem>>, vector<16xf32>,
      %select_n3A_693 = arith.select %broadcast_in_dim3A_670, %get3A_677, %broadcast_in_dim3A_617 : vector<16xi1>, vector<16xf32>
      %add3A_694 = arith.addf %add3A_660, %select_n3A_693 : vector<16xf32>
      %select_n3A_695 = arith.select %broadcast_in_dim3A_670, %get3A_682, %broadcast_in_dim3A_617 : vector<16xi1>, vector<16xf32>
      %add3A_696 = arith.addf %add3A_662, %select_n3A_695 : vector<16xf32>
      %select_n3A_697 = arith.select %broadcast_in_dim3A_670, %get3A_687, %broadcast_in_dim3A_617 : vector<16xi1>, vector<16xf32>
      %add3A_698 = arith.addf %add3A_664, %select_n3A_697 : vector<16xf32>
      %select_n3A_699 = arith.select %broadcast_in_dim3A_670, %get3A_692, %broadcast_in_dim3A_617 : vector<16xi1>, vector<16xf32>
      %add3A_700 = arith.addf %add3A_666, %select_n3A_699 : vector<16xf32>
      %add3A_701 = arith.constant 2 : i32
      %add3A_702 = arith.addi %mul3A_632, %add3A_701 : i32
      %lt3A_703 = arith.cmpi slt, %add3A_702, %squeeze3A_599 : i32
      %broadcast_in_dim3A_704 = vector.broadcast %lt3A_703 : i1 to vector<16xi1>
      %add3A_705 = arith.constant 2 : i32
      %add3A_706 = arith.addi %mul3A_632, %add3A_705 : i32
      %get3A_707 = arith.constant 3 : i32
      %get3A_708 = arith.index_cast %get3A_707 : i32 to index
      %get3A_709 = arith.index_cast %add3A_706 : i32 to index
      %get3A_710 = arith.constant 0 : index
      %get3A_711 = tpu.vector_load %arg8[%get3A_708, %get3A_709, %get3A_710] {strides = array<i32>} : memref<4x204x64xf32, #tpu.memory_space<vmem>>, vector<16xf32>,
      %get3A_712 = arith.constant 3 : i32
      %get3A_713 = arith.index_cast %get3A_712 : i32 to index
      %get3A_714 = arith.index_cast %add3A_706 : i32 to index
      %get3A_715 = arith.constant 16 : index
      %get3A_716 = tpu.vector_load %arg8[%get3A_713, %get3A_714, %get3A_715] {strides = array<i32>} : memref<4x204x64xf32, #tpu.memory_space<vmem>>, vector<16xf32>,
      %get3A_717 = arith.constant 3 : i32
      %get3A_718 = arith.index_cast %get3A_717 : i32 to index
      %get3A_719 = arith.index_cast %add3A_706 : i32 to index
      %get3A_720 = arith.constant 32 : index
      %get3A_721 = tpu.vector_load %arg8[%get3A_718, %get3A_719, %get3A_720] {strides = array<i32>} : memref<4x204x64xf32, #tpu.memory_space<vmem>>, vector<16xf32>,
      %get3A_722 = arith.constant 3 : i32
      %get3A_723 = arith.index_cast %get3A_722 : i32 to index
      %get3A_724 = arith.index_cast %add3A_706 : i32 to index
      %get3A_725 = arith.constant 48 : index
      %get3A_726 = tpu.vector_load %arg8[%get3A_723, %get3A_724, %get3A_725] {strides = array<i32>} : memref<4x204x64xf32, #tpu.memory_space<vmem>>, vector<16xf32>,
      %select_n3A_727 = arith.select %broadcast_in_dim3A_704, %get3A_711, %broadcast_in_dim3A_617 : vector<16xi1>, vector<16xf32>
      %add3A_728 = arith.addf %add3A_694, %select_n3A_727 : vector<16xf32>
      %select_n3A_729 = arith.select %broadcast_in_dim3A_704, %get3A_716, %broadcast_in_dim3A_617 : vector<16xi1>, vector<16xf32>
      %add3A_730 = arith.addf %add3A_696, %select_n3A_729 : vector<16xf32>
      %select_n3A_731 = arith.select %broadcast_in_dim3A_704, %get3A_721, %broadcast_in_dim3A_617 : vector<16xi1>, vector<16xf32>
      %add3A_732 = arith.addf %add3A_698, %select_n3A_731 : vector<16xf32>
      %select_n3A_733 = arith.select %broadcast_in_dim3A_704, %get3A_726, %broadcast_in_dim3A_617 : vector<16xi1>, vector<16xf32>
      %add3A_734 = arith.addf %add3A_700, %select_n3A_733 : vector<16xf32>
      %max3A_735 = arith.constant 1 : i32
      %max3A_736 = arith.maxsi %squeeze3A_599, %max3A_735 : i32
      %broadcast_in_dim3A_737 = vector.broadcast %max3A_736 : i32 to vector<16xi32>
      %convert_element_type3A_738 = arith.sitofp %broadcast_in_dim3A_737 : vector<16xi32> to vector<16xf32>
      %div3A_739 = arith.divf %add3A_728, %convert_element_type3A_738 : vector<16xf32>
      %swap3A_740 = arith.index_cast %add3A_595 : i32 to index
      %swap3A_741 = arith.constant 0 : index
      %swap3A_742 = tpu.vector_load %arg9[%swap3A_740, %swap3A_741] {strides = array<i32>} : memref<128x64xf32, #tpu.memory_space<vmem>>, vector<16xf32>,
      tpu.vector_store %arg9[%swap3A_740, %swap3A_741], %div3A_739 {strides = array<i32>} : memref<128x64xf32, #tpu.memory_space<vmem>>, vector<16xf32>,
      %div3A_743 = arith.divf %add3A_730, %convert_element_type3A_738 : vector<16xf32>
      %swap3A_744 = arith.index_cast %add3A_595 : i32 to index
      %swap3A_745 = arith.constant 16 : index
      %swap3A_746 = tpu.vector_load %arg9[%swap3A_744, %swap3A_745] {strides = array<i32>} : memref<128x64xf32, #tpu.memory_space<vmem>>, vector<16xf32>,
      tpu.vector_store %arg9[%swap3A_744, %swap3A_745], %div3A_743 {strides = array<i32>} : memref<128x64xf32, #tpu.memory_space<vmem>>, vector<16xf32>,
      %div3A_747 = arith.divf %add3A_732, %convert_element_type3A_738 : vector<16xf32>
      %swap3A_748 = arith.index_cast %add3A_595 : i32 to index
      %swap3A_749 = arith.constant 32 : index
      %swap3A_750 = tpu.vector_load %arg9[%swap3A_748, %swap3A_749] {strides = array<i32>} : memref<128x64xf32, #tpu.memory_space<vmem>>, vector<16xf32>,
      tpu.vector_store %arg9[%swap3A_748, %swap3A_749], %div3A_747 {strides = array<i32>} : memref<128x64xf32, #tpu.memory_space<vmem>>, vector<16xf32>,
      %div3A_751 = arith.divf %add3A_734, %convert_element_type3A_738 : vector<16xf32>
      %swap3A_752 = arith.index_cast %add3A_595 : i32 to index
      %swap3A_753 = arith.constant 48 : index
      %swap3A_754 = tpu.vector_load %arg9[%swap3A_752, %swap3A_753] {strides = array<i32>} : memref<128x64xf32, #tpu.memory_space<vmem>>, vector<16xf32>,
      tpu.vector_store %arg9[%swap3A_752, %swap3A_753], %div3A_751 {strides = array<i32>} : memref<128x64xf32, #tpu.memory_space<vmem>>, vector<16xf32>,
      %add3A_755 = arith.constant 4 : i32
      %add3A_756 = arith.addi %add3A_595, %add3A_755 : i32
      %lt3A_757 = arith.constant 128 : i32
      %lt3A_758 = arith.cmpi slt, %add3A_756, %lt3A_757 : i32
      %convert_element_type3A_759 = arith.extui %lt3A_758 : i1 to i32
      %cond3A_760 = arith.constant 0 : i32
      %cond3A_761 = arith.cmpi ne, %convert_element_type3A_759, %cond3A_760 : i32
      scf.if %cond3A_761 {
        %add3A_763 = arith.constant 4 : i32
        %add3A_764 = arith.addi %add3A_595, %add3A_763 : i32
        %get3A_765 = arith.index_cast %add3A_764 : i32 to index
        %get3A_766 = tpu.vector_load %arg7[%get3A_765] {strides = array<i32>} : memref<144xi32, #tpu.memory_space<vmem>>, vector<16xi32>,
        %slice3A_767 = vector.extract_strided_slice %get3A_766 {offsets = [0], sizes = [1], strides = [1]} : vector<16xi32> to vector<1xi32>
        %squeeze3A_768 = vector.extract %slice3A_767[0] : i32 from vector<1xi32>
        %add3A_769 = arith.constant 31 : i32
        %add3A_770 = arith.addi %squeeze3A_768, %add3A_769 : i32
        %div3A_771 = arith.constant 32 : i32
        %div3A_772 = arith.divsi %add3A_770, %div3A_771 : i32
        %while3A_773 = arith.constant 0 : i32
        %while3A_774 = arith.constant 0 : i32
        %while3A_775 = arith.subi %div3A_772, %while3A_773 : i32
        %while3A_776 = arith.addi %while3A_773, %while3A_775 : i32
        %while3A_777 = arith.constant 1 : i32
        %while3A_778 = arith.divsi %while3A_775, %while3A_777 : i32
        %while3A_779 = arith.muli %while3A_778, %while3A_777 : i32
        %while3A_780 = arith.addi %while3A_773, %while3A_779 : i32
        %while3A_781 = arith.constant 1 : i32
        %while3A_782 = scf.for %while3A_785 = %while3A_773 to %while3A_780 step %while3A_781 iter_args(%while3A_786 = %while3A_774) -> (i32)  : i32 {
          %mul3A_787 = arith.constant 32 : i32
          %mul3A_788 = arith.muli %while3A_785, %mul3A_787 : i32
          %min3A = arith.constant 168 : i32
          %min3A_789 = arith.minsi %mul3A_788, %min3A : i32
          %mul3A_790 = arith.constant 200 : i32
          %mul3A_791 = arith.muli %add3A_764, %mul3A_790 : i32
          %add3A_792 = arith.addi %mul3A_791, %min3A_789 : i32
          %dma_start3A = arith.constant 3 : i32
          %dma_start3A_793 = arith.constant 0 : i32
          %dma_start3A_794 = tpu.memref_slice %arg8[%dma_start3A, %min3A_789, %dma_start3A_793] : memref<4x204x64xf32, #tpu.memory_space<vmem>> -> memref<1x32x64xf32, #tpu.memory_space<vmem>>
          %dma_start3A_795 = tpu.memref_squeeze %dma_start3A_794 : memref<1x32x64xf32, #tpu.memory_space<vmem>> -> memref<32x64xf32, #tpu.memory_space<vmem>>
          %dma_start3A_796 = tpu.memref_slice %arg6[%add3A_792] : memref<25600xi32, #tpu.memory_space<vmem>> -> memref<32xi32, #tpu.memory_space<vmem>>
          %dma_start3A_797 = arith.constant 0 : i32
          %dma_start3A_798 = arith.constant 0 : i32
          %dma_start3A_799 = tpu.memref_slice %arg4[%dma_start3A_797, %dma_start3A_798] : memref<2000000x64xf32, #tpu.memory_space<hbm>> -> memref<2000000x64xf32, #tpu.memory_space<hbm>>
          tpu.enqueue_indirect_dma source(%dma_start3A_799 : memref<2000000x64xf32, #tpu.memory_space<hbm>>) target(%dma_start3A_795 : memref<32x64xf32, #tpu.memory_space<vmem>>) offsets(%dma_start3A_796 : memref<32xi32, #tpu.memory_space<vmem>>) semaphore(%arg13 : memref<!tpu.dma_semaphore, #tpu.memory_space<semaphore_mem>>)
          %while3A_800 = arith.constant 0 : i32
          scf.yield %while3A_800 : i32
        }
        %while3A_783 = arith.constant 1 : i32
        %while3A_784 = scf.for %while3A_785 = %while3A_780 to %while3A_776 step %while3A_783 iter_args(%while3A_786 = %while3A_782) -> (i32)  : i32 {
          %mul3A_787 = arith.constant 32 : i32
          %mul3A_788 = arith.muli %while3A_785, %mul3A_787 : i32
          %min3A = arith.constant 168 : i32
          %min3A_789 = arith.minsi %mul3A_788, %min3A : i32
          %mul3A_790 = arith.constant 200 : i32
          %mul3A_791 = arith.muli %add3A_764, %mul3A_790 : i32
          %add3A_792 = arith.addi %mul3A_791, %min3A_789 : i32
          %dma_start3A = arith.constant 3 : i32
          %dma_start3A_793 = arith.constant 0 : i32
          %dma_start3A_794 = tpu.memref_slice %arg8[%dma_start3A, %min3A_789, %dma_start3A_793] : memref<4x204x64xf32, #tpu.memory_space<vmem>> -> memref<1x32x64xf32, #tpu.memory_space<vmem>>
          %dma_start3A_795 = tpu.memref_squeeze %dma_start3A_794 : memref<1x32x64xf32, #tpu.memory_space<vmem>> -> memref<32x64xf32, #tpu.memory_space<vmem>>
          %dma_start3A_796 = tpu.memref_slice %arg6[%add3A_792] : memref<25600xi32, #tpu.memory_space<vmem>> -> memref<32xi32, #tpu.memory_space<vmem>>
          %dma_start3A_797 = arith.constant 0 : i32
          %dma_start3A_798 = arith.constant 0 : i32
          %dma_start3A_799 = tpu.memref_slice %arg4[%dma_start3A_797, %dma_start3A_798] : memref<2000000x64xf32, #tpu.memory_space<hbm>> -> memref<2000000x64xf32, #tpu.memory_space<hbm>>
          tpu.enqueue_indirect_dma source(%dma_start3A_799 : memref<2000000x64xf32, #tpu.memory_space<hbm>>) target(%dma_start3A_795 : memref<32x64xf32, #tpu.memory_space<vmem>>) offsets(%dma_start3A_796 : memref<32xi32, #tpu.memory_space<vmem>>) semaphore(%arg13 : memref<!tpu.dma_semaphore, #tpu.memory_space<semaphore_mem>>)
          %while3A_800 = arith.constant 0 : i32
          scf.yield %while3A_800 : i32
        }
      } else {
      }
      %scan3A_762 = arith.constant 0 : i32
      scf.yield %scan3A_762 : i32
    }
    %scan3A_92 = arith.constant 32 : i32
    "tpu.region"() ({
      %run_scoped3A = tpu.sem_alloc : memref<!tpu.dma_semaphore, #tpu.memory_space<semaphore_mem>>
      %dma_start3A = arith.constant 0 : i32
      %dma_start3A_93 = tpu.memref_slice %arg5[%mul3A_2, %dma_start3A] : memref<4096x64xf32, #tpu.memory_space<hbm>> -> memref<128x64xf32, #tpu.memory_space<hbm>>
      %dma_start3A_94 = arith.constant 0 : i32
      %dma_start3A_95 = tpu.memref_slice %arg5[%mul3A_2, %dma_start3A_94] : memref<4096x64xf32, #tpu.memory_space<hbm>> -> memref<128x64xf32, #tpu.memory_space<hbm>>
      tpu.enqueue_dma source(%arg9 : memref<128x64xf32, #tpu.memory_space<vmem>>) target(%dma_start3A_95 : memref<128x64xf32, #tpu.memory_space<hbm>>) target_semaphore(%run_scoped3A : memref<!tpu.dma_semaphore, #tpu.memory_space<semaphore_mem>>)
      %dma_wait3A = arith.constant 0 : i32
      %dma_wait3A_96 = tpu.memref_slice %arg5[%mul3A_2, %dma_wait3A] : memref<4096x64xf32, #tpu.memory_space<hbm>> -> memref<128x64xf32, #tpu.memory_space<hbm>>
      %dma_wait3A_97 = arith.constant 0 : i32
      %dma_wait3A_98 = tpu.memref_slice %arg5[%mul3A_2, %dma_wait3A_97] : memref<4096x64xf32, #tpu.memory_space<hbm>> -> memref<128x64xf32, #tpu.memory_space<hbm>>
      tpu.wait_dma2 semaphore(%run_scoped3A : memref<!tpu.dma_semaphore, #tpu.memory_space<semaphore_mem>>) src(%arg9 : memref<128x64xf32, #tpu.memory_space<vmem>>) dst(%dma_wait3A_98 : memref<128x64xf32, #tpu.memory_space<hbm>>)
      tpu.yield
    }) : () -> ()
    return
  }
}

</mosaic_0001>

<sc_bundles>
// kernel: _pooled.3.cloned.1.call-start
scs
__scs_entry_jumppad:
0x0: {  	(pc) =	sbr.rel $0x88, $3  }
0x1: {  	(tag) =	ssettag $0x0;
	lr =	simm.s32 $0x1  }
0x2: {  	[smem:$0x3F9E] =	sst lr;
	_ =	strace $0xD0000000  }
0x3: {  	_ = 	snop  }
0x4: {  	_ = 	snop  }
0x5: {  	_ = 	snop  }
0x6: {  	_ = 	snop  }
0x7: {  	_ = 	snop  }
__scs_overlays_trampoline_lowered:
0x8: {  	[smem:$0x3FAD] =	sst s0  }
0x9: {  	[smem:$0x3FAE] =	sst s1  }
0xa: {  	[smem:$0x3FAF] =	sst s2  }
0xb: {  	[smem:$0x3FB0] =	sst s3  }
0xc: {  	[smem:$0x3FB1] =	sst s4  }
0xd: {  	[smem:$0x3FB2] =	sst s5  }
0xe: {  	[smem:$0x3FB3] =	sst s6  }
0xf: {  	[smem:$0x3FB4] =	sst s7  }
0x10: {  	[smem:$0x3FB5] =	sst s8  }
0x11: {  	[smem:$0x3FB6] =	sst s9;
	s0 =	simm.s32 @!p0 $0x0  }
0x12: {  	s1 =	sld [smem:$0x3F9C];
	s0 =	simm.s32 @p0 $0x1  }
0x13: {  	[smem:$0x3FB7] =	sst s0;
	s0 =	simm.s32 @!p1 $0x0  }
0x14: {  	s2 =	sld [smem:$0x3F9B];
	s0 =	simm.s32 @p1 $0x1  }
0x15: {  	[smem:$0x3FB8] =	sst s0;
	s0 =	simm.s32 @!p2 $0x0  }
0x16: {  	s3 =	sld [smem:$0x3FDB];
	s0 =	simm.s32 @p2 $0x1  }
0x17: {  	s4 =	simm.s32 $0x1BF5;
	[smem:$0x3FBA] =	sst s0  }
0x18: {  	s0 =	sld [smem:$0x3F9D];
	_ =	swait.ge [sflag:s4], $0x0  }
0x19: {  	s7 =	sld [smem:$0x3F9E]  }
0x1a: {  	s8 =	sadd.s32 $0xFFFFE003, lr  }
0x1b: {  	s9 =	sadd.s32 $0xFFFFFEF7, lr;
	s5 =	simm.s32 $0xFFFFFFFF;
	p2 =	slt.u32 s8, $0xFFFFF086  }
0x1c: {  	p1 =	slt.u32 s9, $0xF7A;
	s5 =	simm.s32 @!p2 $0x0  }
0x1d: {  	s5 =	simm.s32 @p1 $0x1;
	p0 =	seq.s32 s7, s2  }
0x1e: {  	s7 =	smul.u32 @!p0 $0xF7A, s2;
	p2 =	seq.s32 @!p0 s5, $0x0  }
0x1f: {  	s9 =	smul.u32 $0xF7A, s1;
	s8 =	simm.s32 @!p0 $0x1BF5;
	p2 =	por !p2, p0  }
0x20: {  	[sflag:s8] =	ssyncset.s32 @!p0 $0xFFFFF086;
	s6 =	sadd.s32 @!p0 s3, s7;
	s7 =	simm.s32 @!p0 $0x108  }
0x21: {  	s3 =	sadd.s32 s3, s9;
	s6 =	sadd.s32 @!p0 $0x88, s6;
	s7 =	simm.s32 @p2 $0x1082  }
0x22: {  	[simem:s7], [sflag:s8] =	dma.local @!p0 [hbm:s6], $0xF7A  }
0x23: {  	s9 =	sor.u32 $0xD0000000, s2;
	s6 =	simm.s32 $0x108;
	_ =	swait.ge @!p0 [sflag:s8], $0x0  }
0x24: {  	s3 =	sadd.s32 $0x88, s3;
	s6 =	simm.s32 @!p1 $0x1082;
	[sflag:s4] =	ssyncset.s32 $0xFFFFF086  }
0x25: {  	[simem:s6], [sflag:s4] =	dma.local [hbm:s3], $0xF7A  }
0x26: {  	[smem:$0x3F9E] =	sst s1;
	(tag) =	ssettag s2;
	_ =	strace s9  }
0x27: {  	s1 =	sld [smem:$0x3FAE]  }
0x28: {  	s2 =	sld [smem:$0x3FAF]  }
0x29: {  	s4 =	sld [smem:$0x3FB1]  }
0x2a: {  	p0 =	seq.s32 s5, $0x0;
	s5 =	sld [smem:$0x3FB2]  }
0x2b: {  	s6 =	sld [smem:$0x3FB3]  }
0x2c: {  	s7 =	sld [smem:$0x3FB4]  }
0x2d: {  	s3 =	simm.s32 $0x108;
	s8 =	sld [smem:$0x3FB5]  }
0x2e: {  	s3 =	simm.s32 @!p0 $0x1082;
	s9 =	sld [smem:$0x3FB6]  }
0x2f: {  	lr =	sadd.s32 s0, s3;
	s0 =	sld [smem:$0x3FAD]  }
0x30: {  	s3 =	sld [smem:$0x3FB0]  }
0x31: {  	[smem:$0x3FB9] =	sst s10  }
0x32: {  	s10 =	sld [smem:$0x3FB7];
	_ =	sdelay $0x3  }
0x33: {  	p0 =	seq.s32 s10, $0x1;
	s10 =	sld [smem:$0x3FB9];
	_ =	sdelay $0x3  }
0x34: {  	[smem:$0x3FB9] =	sst s10  }
0x35: {  	s10 =	sld [smem:$0x3FB8];
	_ =	sdelay $0x3  }
0x36: {  	p1 =	seq.s32 s10, $0x1;
	s10 =	sld [smem:$0x3FB9];
	_ =	sdelay $0x3  }
0x37: {  	[smem:$0x3FB9] =	sst s10  }
0x38: {  	s10 =	sld [smem:$0x3FBA]  }
0x39: {  	_ = 	snop;
	(pc) =	sbr.ind lr, $3  }
0x3a: {  	_ = 	snop  }
0x3b: {  	_ = 	snop  }
0x3c: {  	p2 =	seq.s32 s10, $0x1;
	s10 =	sld [smem:$0x3FB9]  }
0x3d: {  	_ =	shalt  }
0x3e: {  	_ =	shalt  }
0x3f: {  	_ =	shalt  }
0x40: {  	_ =	shalt  }
0x41: {  	_ =	shalt  }
0x42: {  	_ =	shalt  }
0x43: {  	_ =	shalt  }
0x44: {  	_ =	shalt  }
0x45: {  	_ =	shalt  }
0x46: {  	_ =	shalt  }
0x47: {  	_ =	shalt  }
0x48: {  	_ =	shalt  }
0x49: {  	_ =	shalt  }
0x4a: {  	_ =	shalt  }
0x4b: {  	_ =	shalt  }
0x4c: {  	_ =	shalt  }
0x4d: {  	_ =	shalt  }
0x4e: {  	_ =	shalt  }
0x4f: {  	_ =	shalt  }
0x50: {  	_ =	shalt  }
0x51: {  	_ =	shalt  }
0x52: {  	_ =	shalt  }
0x53: {  	_ =	shalt  }
0x54: {  	_ =	shalt  }
0x55: {  	_ =	shalt  }
0x56: {  	_ =	shalt  }
0x57: {  	_ =	shalt  }
0x58: {  	_ =	shalt  }
0x59: {  	_ =	shalt  }
0x5a: {  	_ =	shalt  }
0x5b: {  	_ =	shalt  }
0x5c: {  	_ =	shalt  }
0x5d: {  	_ =	shalt  }
0x5e: {  	_ =	shalt  }
0x5f: {  	_ =	shalt  }
0x60: {  	_ =	shalt  }
0x61: {  	_ =	shalt  }
0x62: {  	_ =	shalt  }
0x63: {  	_ =	shalt  }
0x64: {  	_ =	shalt  }
0x65: {  	_ =	shalt  }
0x66: {  	_ =	shalt  }
0x67: {  	_ =	shalt  }
0x68: {  	_ =	shalt  }
0x69: {  	_ =	shalt  }
0x6a: {  	_ =	shalt  }
0x6b: {  	_ =	shalt  }
0x6c: {  	_ =	shalt  }
0x6d: {  	_ =	shalt  }
0x6e: {  	_ =	shalt  }
0x6f: {  	_ =	shalt  }
0x70: {  	_ =	shalt  }
0x71: {  	_ =	shalt  }
0x72: {  	_ =	shalt  }
0x73: {  	_ =	shalt  }
0x74: {  	_ =	shalt  }
0x75: {  	_ =	shalt  }
0x76: {  	_ =	shalt  }
0x77: {  	_ =	shalt  }
0x78: {  	_ =	shalt  }
0x79: {  	_ =	shalt  }
0x7a: {  	_ =	shalt  }
0x7b: {  	_ =	shalt  }
0x7c: {  	_ =	shalt  }
0x7d: {  	_ =	shalt  }
0x7e: {  	_ =	shalt  }
0x7f: {  	_ =	shalt  }
0x80: {  	_ =	shalt  }
0x81: {  	_ =	shalt  }
0x82: {  	_ =	shalt  }
0x83: {  	_ =	shalt  }
0x84: {  	_ =	shalt  }
0x85: {  	_ =	shalt  }
0x86: {  	_ =	shalt  }
0x87: {  	_ =	shalt  }
.Lfunc_end0:
.L_simem_size_0:
called_computation.1_lowered:
.L_overlay_start_0:
0x88: {  	s2 =	sld [smem:$0x3FD9]  }
0x89: {  	s3 =	sld [smem:$0x3FFE];
	_ =	sdelay $0x1  }
0x8a: {  	s1 =	srdreg.scid  }
0x8b: {  	s0 =	sand.u32 $0x1, s1  }
0x8c: {  	s17 =	sshll.u32 s0, $0xA;
	s2 =	sadd.s32 s3, s2  }
0x8d: {  	s2 =	sadd.s32 s2, s17  }
0x8e: {  	[smem:$0x3FC5] =	sst s2  }
0x8f: {  	_ = 	snop  }
0x90: {  	s2 =	sld [smem:$0x3FC8]  }
0x91: {  	s18 =	sld [smem:$0x3FD0];
	(tm) =	ssettm $0x1  }
0x92: {  	s4 =	sld [smem:$0x3FFB];
	_ =	sdelay $0x3  }
0x93: {  	_ =	strace s4  }
0x94: {  	s4 =	sld [smem:$0x3FFC];
	_ =	sdelay $0x3  }
0x95: {  	_ =	strace s4  }
0x96: {  	s4 =	sld [smem:$0x3FFD];
	_ =	sdelay $0x3  }
0x97: {  	_ =	strace s4  }
0x98: {  	_ =	strace $0x8FFFFFFF  }
0x99: {  	s19 =	sld [smem:$0x3FDB];
	_ =	sdelay $0x1  }
0x9a: {  	s5 =	simm.s32 $_scs_section_size  }
0x9b: {  	s6 =	simm.s32 $_size__tile_overlayer_lowered;
	s7 =	simm.s32 $_tile_overlayer_lowered  }
0x9c: {  	s22 =	simm.s32 $0x1BFF;
	s21 =	sshll.u32 s7, $0x1;
	s4 =	sadd.s32 s5, s19  }
0x9d: {  	s8 =	simm.s32 $0x0;
	s20 =	sshll.u32 s6, $0x1;
	s6 =	sadd.s32 s21, s4  }
0x9e: {  	[timem:s8], [sflag:s22] =	dma.local [hbm:s6], s20  }
0x9f: {  	_ =	swait.ge [sflag:s22], s20  }
0xa0: {  	s5 =	ssub.s32 $0x0, s20;
	[sflag:s22] =	ssyncset.done $0x0  }
0xa1: {  	[sflag:s22] =	ssyncadd.s32 s5;
	_ =	sdelay $0x1  }
0xa2: {  	s23 =	simm.s32 $0x1B8B  }
0xa3: {  	_ =	swait.ge [sflag:s23], $0x1  }
0xa4: {  	[sflag:s23] =	ssyncset.done $0x0  }
0xa5: {  	s25 =	simm.s32 $0x1B8E;
	s24 =	sld [smem:$0x3FFE];
	[sflag:s23] =	ssyncadd.s32 $0xFFFFFFFF  }
0xa6: {  	s26 =	simm.s32 $execute0_lowered;
	[smem:$0x3FD2] =	sst s25  }
0xa7: {  	s6 =	sshll.u32 s26, $0x1;
	_ =	strace $0x80000049;
	[dreg:$0x1] =	wrdreg $0xFFFFFFFF  }
0xa8: {  	s28 =	simm.s32 $_size_execute0_lowered;
	s4 =	sadd.s32 s4, s6;
	[dreg:$0x0] =	wrdreg $0x0  }
0xa9: {  	s6 =	sshll.u32 s28, $0x1;
	[dreg:$0x2] =	wrdreg s4  }
0xaa: {  	[dreg:$0x3] =	wrdreg s6  }
0xab: {  	[dreg:$0x4] =	wrdreg $0xC0  }
0xac: {  	_ =	task [dreg:s8], $0x5FFFF  }
0xad: {  	[dreg:$0x1] =	wrdreg $0xFFFFFFFF  }
0xae: {  	[dreg:$0x0] =	wrdreg $0x60  }
0xaf: {  	[dreg:$0x2] =	wrdreg s24  }
0xb0: {  	[dreg:$0x3] =	wrdreg s2  }
0xb1: {  	[dreg:$0x4] =	wrdreg s18  }
0xb2: {  	[dreg:$0x5] =	wrdreg $0x9  }
0xb3: {  	_ =	task.clear_ibuf [dreg:s8], $0x6FFFF;
	_ =	strace $0x90000049  }
0xb4: {  	s29 =	simm.s32 $0x9;
	_ =	strace $0x8000004B  }
0xb5: {  	_ =	swait.ge [sflag:s29], $0x1  }
0xb6: {  	[sflag:s29] =	ssyncadd.s32 $0xFFFFFFFF  }
0xb7: {  	_ =	strace $0x9000004B  }
0xb8: {  	_ =	sfence  }
0xb9: {  	s30 =	sld [smem:$0x0];
	_ =	sdelay $0x2  }
0xba: {  	s31 =	sshll.u32 s1, $0xD;
	s1 =	sshrl.u32 s1, $0x2  }
0xbb: {  	s3 =	sand.u32 $0x4000, s31;
	s1 =	sadd.s32 s1, s30  }
0xbc: {  	s0 =	sor.u32 s3, s0;
	s1 =	sshll.u32 s1, $0x11  }
0xbd: {  	s0 =	sor.u32 s1, s0  }
0xbe: {  	s0 =	sadd.s32 $0x8F2B, s0  }
0xbf: {  	[sflag:s0] =	ssyncadd.remote.s32 $0x1  }
0xc0: {  	_ =	sfence.sel $0xFFFF  }
0xc1: {  	[dreg:$0x0] =	wrdreg $0xFFFFFFFF;
	(pc) =	sbr.abs _section_cstart, $3  }
0xc2: {  	[dreg:$0x1] =	wrdreg $0xFFFFFFFF  }
0xc3: {  	_ =	task.clear_ibuf [dreg:s8], $0x2FFFF;
	_ =	strace $0x9FFFFFFF  }
0xc4: {  	(tm) =	ssettm $0x7FFFFFFF  }
0xc5: {  	_ =	shalt  }
tec
execute0_lowered:
.L_overlay_start_1:
0x0: {  	(tag) =	ssettag $0x1  }
0x1: {  	s3 =	rddreg [dreg:$0x0]  }
0x2: {  	s5 =	rddreg [dreg:$0x1]  }
0x3: {  	s1 =	srdreg.scid;
	s0 =	stileid.u32  }
0x4: {  	s6 =	rddreg [dreg:$0x2];
	s2 =	simm.s32 $0x0;
	s10 =	simm.s32 $0x1  }
0x5: {  	s11 =	simm.s32 $0x2;
	s12 =	simm.s32 $0x3;
	s13 =	simm.s32 $0x4  }
0x6: {  	s14 =	simm.s32 $0x13090;
	s4 =	sand.u32 $0x1, s1;
	s7 =	sshll.u32 s0, $0x1  }
0x7: {  	s15 =	simm.s32 $0x20;
	s1 =	rddreg [dreg:$0x3];
	s7 =	sor.u32 s4, s7  }
0x8: {  	s16 =	simm.s32 $0x0;
	[smem:$0x7FF] =	sst s2;
	s8 =	smul.u32 $0xC80, s7  }
.Ltmp0:
0x9: {  	s4 =	ssub.s32 $0x2, s4;
	_ =	strace $0x8000004A;
	(pc) =	sbr.rel .LBB2_1-.Ltmp0, $4  }
0xa: {  	s9 =	sshrl.u32 s4, $0x1;
	s31 =	sshll.u32 s7, $0x4;
	s7 =	sshll.u32 s7, $0xA  }
0xb: {  	s9 =	ssub.s32 s4, s9;
	s5 =	sadd.s32 s5, s31;
	s6 =	sadd.s32 s6, s7  }
0xc: {  	s8 =	sadd.s32 s8, s3;
	s3 =	sadd.s32 $0xF5BE00, s3;
	s7 =	smax.u32 s9, $0x1  }
0xd: {  	s9 =	simm.s32 $0x6400;
	s4 =	sadd.s32 $0xF42E00, s8;
	s8 =	simm.s32 $0x5  }
.LBB2_86:
0xe: {  	s16 =	sadd.s32 $0x1, s16  }
0xf: {  	p0 =	sne.s32 s16, s7  }
.Ltmp1:
0x10: {  	_ = 	snop;
	(pc) =	sbr.rel @!p0 .LBB2_87-.Ltmp1, $4  }
0x11: {  	[hbm4b:s6+s2] =	stream.linear.scatter [tilespmem:s14], [sflag:$0x5], $0x2000, $0x38;
	[tilespmem:$0x15090] =	vst v63  }
0x12: {  	_ =	swait.ge [sflag:s8], $0x2000  }
0x13: {  	[sflag:s8] =	ssyncset.done $0x0  }
0x14: {  	[sflag:s8] =	ssyncadd.s32 $0xFFFFE000  }
.LBB2_1:
0x15: {  	[tilespmem:s2], [sflag:$0x5] =	stream.linear.gather [hbm4b:s4+s2], $0x6400, $0x38;
	[tilespmem:$0x15090] =	vst v63  }
0x16: {  	_ =	swait.ge [sflag:s8], $0x6400  }
0x17: {  	[sflag:s8] =	ssyncset.done $0x0  }
0x18: {  	[sflag:s8] =	ssyncadd.s32 $0xFFFF9C00  }
0x19: {  	[tilespmem:s9], [sflag:$0x5] =	stream.linear.gather [hbm4b:s5+s2], $0x80, $0x38;
	[tilespmem:$0x15090] =	vst v63  }
0x1a: {  	_ =	swait.ge [sflag:s8], $0x80  }
0x1b: {  	[sflag:s8] =	ssyncset.done $0x0  }
0x1c: {  	s17 =	simm.s32 $0x0;
	[sflag:s8] =	ssyncadd.s32 $0xFFFFFF80  }
0x1d: {  	v2 =	vld [tilespmem:s17+$0x0]  }
0x1e: {  	v1 =	vld [tilespmem:s17+$0x10]  }
0x1f: {  	s18 =	simm.s32 $0x100;
	v0 =	vld [tilespmem:s17+$0x20]  }
.LBB2_2:
0x20: {  	p0 =	sne.s32 s18, $0x18F00;
	v3 =	vld [tilespmem:s17+$0x30];
	_ =	sdelay $0x1  }
.Ltmp2:
0x21: {  	v2 =	vshll.u32 v2, $0x1;
	(pc) =	sbr.rel @p0 .LBB2_2-.Ltmp2, $4  }
0x22: {  	s19 =	sshra.s32 s18, $0x2;
	[tilespmem:s17+$0x0] =	vst v2;
	v1 =	vshll.u32 v1, $0x1  }
0x23: {  	v2 =	vld [tilespmem:s19+$0x0];
	[tilespmem:s17+$0x10] =	vst v1;
	v0 =	vshll.u32 v0, $0x1  }
0x24: {  	v1 =	vld [tilespmem:s19+$0x10];
	[tilespmem:s17+$0x20] =	vst v0;
	v3 =	vshll.u32 v3, $0x1  }
0x25: {  	s18 =	sadd.s32 $0x100, s18;
	v0 =	vld [tilespmem:s19+$0x20];
	[tilespmem:s17+$0x30] =	vst v3;
	s17 =	smov.u32 s19  }
0x26: {  	v3 =	vld [tilespmem:s17+$0x30];
	_ =	sdelay $0x1  }
0x27: {  	v2 =	vshll.u32 v2, $0x1  }
0x28: {  	[tilespmem:s17+$0x0] =	vst v2;
	v1 =	vshll.u32 v1, $0x1  }
0x29: {  	[tilespmem:s17+$0x10] =	vst v1;
	v0 =	vshll.u32 v0, $0x1  }
0x2a: {  	[tilespmem:s17+$0x20] =	vst v0;
	v63 =	vshll.u32 v3, $0x1  }
0x2b: {  	[tilespmem:s17+$0x30] =	vst v63  }
0x2c: {  	v0 =	vld [tilespmem:$0x6400];
	_ =	sdelay $0x4  }
0x2d: {  	(v2sf) =	vpush v0, $0x0;
	_ =	sdelay $0xe  }
0x2e: {  	s18 =	spop (v2sf)  }
0x2f: {  	s17 =	sadd.s32 $0x1F, s18  }
0x30: {  	p0 =	slt.s32 s17, $0x20  }
0x31: {  	s19 =	simm.s32 @!p0 $0x20  }
0x32: {  	s20 =	simm.s32 @!p0 $0x0;
	s21 =	simm.s32 @!p0 $0x6490;
	p1 =	slt.s32 @!p0 s18, $0x21  }
0x33: {  	[tilespmem:s21], [sflag:$0x1] =	stream.indirect.gather @!p0 [hbm4b:s3+s19], $0x40, s20, s19, $0xb8;
	[tilespmem:$0x15090] =	vst v63  }
0x34: {  	p0 =	por p0, p1  }
0x35: {  	s19 =	simm.s32 @!p0 $0x20;
	s20 =	simm.s32 @!p0 $0x6C90;
	p1 =	slt.s32 @!p0 s18, $0x41  }
0x36: {  	[tilespmem:s20], [sflag:$0x1] =	stream.indirect.gather @!p0 [hbm4b:s3+s19], $0x40, s19, s19, $0xb8;
	[tilespmem:$0x15090] =	vst v63  }
0x37: {  	p0 =	por p0, p1  }
0x38: {  	s19 =	simm.s32 @!p0 $0x20  }
0x39: {  	s20 =	simm.s32 @!p0 $0x40;
	s21 =	simm.s32 @!p0 $0x7490;
	p1 =	slt.s32 @!p0 s18, $0x61  }
0x3a: {  	[tilespmem:s21], [sflag:$0x1] =	stream.indirect.gather @!p0 [hbm4b:s3+s19], $0x40, s20, s19, $0xb8;
	[tilespmem:$0x15090] =	vst v63  }
0x3b: {  	p0 =	por p0, p1  }
0x3c: {  	s19 =	simm.s32 @!p0 $0x20  }
0x3d: {  	s20 =	simm.s32 @!p0 $0x60;
	s21 =	simm.s32 @!p0 $0x7C90;
	p1 =	slt.s32 @!p0 s18, $0x81  }
0x3e: {  	[tilespmem:s21], [sflag:$0x1] =	stream.indirect.gather @!p0 [hbm4b:s3+s19], $0x40, s20, s19, $0xb8;
	[tilespmem:$0x15090] =	vst v63  }
0x3f: {  	p0 =	por p0, p1  }
0x40: {  	s19 =	simm.s32 @!p0 $0x20  }
0x41: {  	s20 =	simm.s32 @!p0 $0x80;
	s21 =	simm.s32 @!p0 $0x8490;
	p1 =	slt.s32 @!p0 s18, $0xA1  }
0x42: {  	[tilespmem:s21], [sflag:$0x1] =	stream.indirect.gather @!p0 [hbm4b:s3+s19], $0x40, s20, s19, $0xb8;
	[tilespmem:$0x15090] =	vst v63  }
0x43: {  	p0 =	por p0, p1  }
0x44: {  	s19 =	simm.s32 @!p0 $0x20  }
0x45: {  	s20 =	simm.s32 @!p0 $0xA0;
	s21 =	simm.s32 @!p0 $0x8C90;
	p1 =	slt.s32 @!p0 s18, $0xC1  }
0x46: {  	[tilespmem:s21], [sflag:$0x1] =	stream.indirect.gather @!p0 [hbm4b:s3+s19], $0x40, s20, s19, $0xb8;
	[tilespmem:$0x15090] =	vst v63  }
0x47: {  	p0 =	por p0, p1  }
.Ltmp3:
0x48: {  	_ = 	snop;
	(pc) =	sbr.rel @p0 .LBB2_7-.Ltmp3, $1  }
0x49: {  	_ =	sdelay $0x3  }
0x4a: {  	s18 =	sshra.s32 s17, $0x1F  }
0x4b: {  	s18 =	sshrl.u32 s18, $0x1B  }
0x4c: {  	s18 =	sadd.s32 s18, s17  }
0x4d: {  	s18 =	sshra.s32 s18, $0x5  }
0x4e: {  	p0 =	por $0x0, $0x0;
	s17 =	simm.s32 $0xC0;
	s18 =	sadd.s32 $0xFFFFFFFA, s18  }
0x4f: {  	s17 =	simm.s32 @!p0 $0xA8;
	p0 =	sne.s32 s18, $0x1  }
.Ltmp4:
0x50: {  	_ = 	snop;
	(pc) =	sbr.rel @!p0 .LBB2_6-.Ltmp4, $4  }
0x51: {  	_ = 	snop  }
0x52: {  	s19 =	sshll.u32 s17, $0x8  }
0x53: {  	s19 =	sshra.s32 s19, $0x2  }
0x54: {  	s18 =	sadd.s32 $0xFFFFFFFF, s18;
	s20 =	sadd.s32 $0x6490, s19;
	s19 =	simm.s32 $0xE0  }
.LBB2_5:
0x55: {  	[tilespmem:s20], [sflag:$0x1] =	stream.indirect.gather [hbm4b:s3+s15], $0x40, s17, s15, $0xb8;
	[tilespmem:$0x15090] =	vst v63  }
0x56: {  	p1 =	sne.s32 s18, $0x1  }
.Ltmp5:
0x57: {  	p0 =	slt.s32 s19, $0xA8;
	s17 =	smov.u32 s19;
	(pc) =	sbr.rel @p1 .LBB2_5-.Ltmp5, $4  }
0x58: {  	s18 =	sadd.s32 $0xFFFFFFFF, s18;
	s17 =	simm.s32 @!p0 $0xA8  }
0x59: {  	s20 =	sshll.u32 s17, $0x8  }
0x5a: {  	s20 =	sshra.s32 s20, $0x2  }
0x5b: {  	s19 =	sadd.s32 $0x20, s19;
	s20 =	sadd.s32 $0x6490, s20  }
.LBB2_6:
0x5c: {  	[tilespmem:s20], [sflag:$0x1] =	stream.indirect.gather [hbm4b:s3+s15], $0x40, s17, s15, $0xb8;
	[tilespmem:$0x15090] =	vst v63  }
.LBB2_7:
0x5d: {  	v0 =	vld [tilespmem:$0x6401];
	_ =	sdelay $0x4  }
0x5e: {  	(v2sf) =	vpush v0, $0x0;
	_ =	sdelay $0xe  }
0x5f: {  	s18 =	spop (v2sf)  }
0x60: {  	s17 =	sadd.s32 $0x1F, s18  }
0x61: {  	p0 =	slt.s32 s17, $0x20  }
0x62: {  	s19 =	simm.s32 @!p0 $0x20  }
0x63: {  	s20 =	simm.s32 @!p0 $0xC8;
	s21 =	simm.s32 @!p0 $0x9790;
	p1 =	slt.s32 @!p0 s18, $0x21  }
0x64: {  	[tilespmem:s21], [sflag:$0x2] =	stream.indirect.gather @!p0 [hbm4b:s3+s19], $0x40, s20, s19, $0xb8;
	[tilespmem:$0x15090] =	vst v63  }
0x65: {  	p0 =	por p0, p1  }
0x66: {  	s19 =	simm.s32 @!p0 $0x20  }
0x67: {  	s20 =	simm.s32 @!p0 $0xE8;
	s21 =	simm.s32 @!p0 $0x9F90;
	p1 =	slt.s32 @!p0 s18, $0x41  }
0x68: {  	[tilespmem:s21], [sflag:$0x2] =	stream.indirect.gather @!p0 [hbm4b:s3+s19], $0x40, s20, s19, $0xb8;
	[tilespmem:$0x15090] =	vst v63  }
0x69: {  	p0 =	por p0, p1  }
0x6a: {  	s19 =	simm.s32 @!p0 $0x20  }
0x6b: {  	s20 =	simm.s32 @!p0 $0x108;
	s21 =	simm.s32 @!p0 $0xA790;
	p1 =	slt.s32 @!p0 s18, $0x61  }
0x6c: {  	[tilespmem:s21], [sflag:$0x2] =	stream.indirect.gather @!p0 [hbm4b:s3+s19], $0x40, s20, s19, $0xb8;
	[tilespmem:$0x15090] =	vst v63  }
0x6d: {  	p0 =	por p0, p1  }
0x6e: {  	s19 =	simm.s32 @!p0 $0x20  }
0x6f: {  	s20 =	simm.s32 @!p0 $0x128;
	s21 =	simm.s32 @!p0 $0xAF90;
	p1 =	slt.s32 @!p0 s18, $0x81  }
0x70: {  	[tilespmem:s21], [sflag:$0x2] =	stream.indirect.gather @!p0 [hbm4b:s3+s19], $0x40, s20, s19, $0xb8;
	[tilespmem:$0x15090] =	vst v63  }
0x71: {  	p0 =	por p0, p1  }
0x72: {  	s19 =	simm.s32 @!p0 $0x20  }
0x73: {  	s20 =	simm.s32 @!p0 $0x148;
	s21 =	simm.s32 @!p0 $0xB790;
	p1 =	slt.s32 @!p0 s18, $0xA1  }
0x74: {  	[tilespmem:s21], [sflag:$0x2] =	stream.indirect.gather @!p0 [hbm4b:s3+s19], $0x40, s20, s19, $0xb8;
	[tilespmem:$0x15090] =	vst v63  }
0x75: {  	p0 =	por p0, p1  }
0x76: {  	s19 =	simm.s32 @!p0 $0x20  }
0x77: {  	s20 =	simm.s32 @!p0 $0x168;
	s21 =	simm.s32 @!p0 $0xBF90;
	p1 =	slt.s32 @!p0 s18, $0xC1  }
0x78: {  	[tilespmem:s21], [sflag:$0x2] =	stream.indirect.gather @!p0 [hbm4b:s3+s19], $0x40, s20, s19, $0xb8;
	[tilespmem:$0x15090] =	vst v63  }
0x79: {  	p0 =	por p0, p1  }
.Ltmp6:
0x7a: {  	_ = 	snop;
	(pc) =	sbr.rel @p0 .LBB2_11-.Ltmp6, $1  }
0x7b: {  	_ =	sdelay $0x3  }
0x7c: {  	s18 =	sshra.s32 s17, $0x1F  }
0x7d: {  	s18 =	sshrl.u32 s18, $0x1B  }
0x7e: {  	s31 =	sadd.s32 s18, s17  }
0x7f: {  	s17 =	sshra.s32 s31, $0x5  }
0x80: {  	p0 =	por $0x0, $0x0;
	s18 =	simm.s32 $0xC0;
	s17 =	sadd.s32 $0xFFFFFFFA, s17  }
0x81: {  	s18 =	simm.s32 @!p0 $0xA8;
	p0 =	sne.s32 s17, $0x1  }
.Ltmp7:
0x82: {  	_ = 	snop;
	(pc) =	sbr.rel @!p0 .LBB2_10-.Ltmp7, $4  }
0x83: {  	_ = 	snop  }
0x84: {  	s19 =	sshll.u32 s18, $0x8  }
0x85: {  	s20 =	sadd.s32 $0xC8, s18;
	s19 =	sshra.s32 s19, $0x2  }
0x86: {  	s18 =	simm.s32 $0xE0;
	s17 =	sadd.s32 $0xFFFFFFFF, s17;
	s19 =	sadd.s32 $0x9790, s19  }
.LBB2_9:
0x87: {  	[tilespmem:s19], [sflag:$0x2] =	stream.indirect.gather [hbm4b:s3+s15], $0x40, s20, s15, $0xb8;
	[tilespmem:$0x15090] =	vst v63  }
0x88: {  	p1 =	sne.s32 s17, $0x1  }
.Ltmp8:
0x89: {  	p0 =	slt.s32 s18, $0xA8;
	s20 =	smov.u32 s18;
	(pc) =	sbr.rel @p1 .LBB2_9-.Ltmp8, $4  }
0x8a: {  	s17 =	sadd.s32 $0xFFFFFFFF, s17;
	s20 =	simm.s32 @!p0 $0xA8  }
0x8b: {  	s19 =	sshll.u32 s20, $0x8  }
0x8c: {  	s19 =	sshra.s32 s19, $0x2  }
0x8d: {  	s18 =	sadd.s32 $0x20, s18;
	s20 =	sadd.s32 $0xC8, s20;
	s19 =	sadd.s32 $0x9790, s19  }
.LBB2_10:
0x8e: {  	[tilespmem:s19], [sflag:$0x2] =	stream.indirect.gather [hbm4b:s3+s15], $0x40, s20, s15, $0xb8;
	[tilespmem:$0x15090] =	vst v63  }
.LBB2_11:
0x8f: {  	v0 =	vld [tilespmem:$0x6402];
	_ =	sdelay $0x4  }
0x90: {  	(v2sf) =	vpush v0, $0x0;
	_ =	sdelay $0xe  }
0x91: {  	s18 =	spop (v2sf)  }
0x92: {  	s17 =	sadd.s32 $0x1F, s18  }
0x93: {  	p0 =	slt.s32 s17, $0x20  }
0x94: {  	s19 =	simm.s32 @!p0 $0x20  }
0x95: {  	s20 =	simm.s32 @!p0 $0x190;
	s21 =	simm.s32 @!p0 $0xCA90;
	p1 =	slt.s32 @!p0 s18, $0x21  }
0x96: {  	[tilespmem:s21], [sflag:$0x3] =	stream.indirect.gather @!p0 [hbm4b:s3+s19], $0x40, s20, s19, $0xb8;
	[tilespmem:$0x15090] =	vst v63  }
0x97: {  	p0 =	por p0, p1  }
0x98: {  	s19 =	simm.s32 @!p0 $0x20  }
0x99: {  	s20 =	simm.s32 @!p0 $0x1B0;
	s21 =	simm.s32 @!p0 $0xD290;
	p1 =	slt.s32 @!p0 s18, $0x41  }
0x9a: {  	[tilespmem:s21], [sflag:$0x3] =	stream.indirect.gather @!p0 [hbm4b:s3+s19], $0x40, s20, s19, $0xb8;
	[tilespmem:$0x15090] =	vst v63  }
0x9b: {  	p0 =	por p0, p1  }
0x9c: {  	s19 =	simm.s32 @!p0 $0x20  }
0x9d: {  	s20 =	simm.s32 @!p0 $0x1D0;
	s21 =	simm.s32 @!p0 $0xDA90;
	p1 =	slt.s32 @!p0 s18, $0x61  }
0x9e: {  	[tilespmem:s21], [sflag:$0x3] =	stream.indirect.gather @!p0 [hbm4b:s3+s19], $0x40, s20, s19, $0xb8;
	[tilespmem:$0x15090] =	vst v63  }
0x9f: {  	p0 =	por p0, p1  }
0xa0: {  	s19 =	simm.s32 @!p0 $0x20  }
0xa1: {  	s20 =	simm.s32 @!p0 $0x1F0;
	s21 =	simm.s32 @!p0 $0xE290;
	p1 =	slt.s32 @!p0 s18, $0x81  }
0xa2: {  	[tilespmem:s21], [sflag:$0x3] =	stream.indirect.gather @!p0 [hbm4b:s3+s19], $0x40, s20, s19, $0xb8;
	[tilespmem:$0x15090] =	vst v63  }
0xa3: {  	p0 =	por p0, p1  }
0xa4: {  	s19 =	simm.s32 @!p0 $0x20  }
0xa5: {  	s20 =	simm.s32 @!p0 $0x210;
	s21 =	simm.s32 @!p0 $0xEA90;
	p1 =	slt.s32 @!p0 s18, $0xA1  }
0xa6: {  	[tilespmem:s21], [sflag:$0x3] =	stream.indirect.gather @!p0 [hbm4b:s3+s19], $0x40, s20, s19, $0xb8;
	[tilespmem:$0x15090] =	vst v63  }
0xa7: {  	p0 =	por p0, p1  }
0xa8: {  	s19 =	simm.s32 @!p0 $0x20  }
0xa9: {  	s20 =	simm.s32 @!p0 $0x230;
	s21 =	simm.s32 @!p0 $0xF290;
	p1 =	slt.s32 @!p0 s18, $0xC1  }
0xaa: {  	[tilespmem:s21], [sflag:$0x3] =	stream.indirect.gather @!p0 [hbm4b:s3+s19], $0x40, s20, s19, $0xb8;
	[tilespmem:$0x15090] =	vst v63  }
0xab: {  	p0 =	por p0, p1  }
.Ltmp9:
0xac: {  	_ = 	snop;
	(pc) =	sbr.rel @p0 .LBB2_15-.Ltmp9, $1  }
0xad: {  	_ =	sdelay $0x3  }
0xae: {  	s18 =	sshra.s32 s17, $0x1F  }
0xaf: {  	s18 =	sshrl.u32 s18, $0x1B  }
0xb0: {  	s31 =	sadd.s32 s18, s17  }
0xb1: {  	s17 =	sshra.s32 s31, $0x5  }
0xb2: {  	p0 =	por $0x0, $0x0;
	s18 =	simm.s32 $0xC0;
	s17 =	sadd.s32 $0xFFFFFFFA, s17  }
0xb3: {  	s18 =	simm.s32 @!p0 $0xA8;
	p0 =	sne.s32 s17, $0x1  }
.Ltmp10:
0xb4: {  	_ = 	snop;
	(pc) =	sbr.rel @!p0 .LBB2_14-.Ltmp10, $4  }
0xb5: {  	_ = 	snop  }
0xb6: {  	s19 =	sshll.u32 s18, $0x8  }
0xb7: {  	s20 =	sadd.s32 $0x190, s18;
	s19 =	sshra.s32 s19, $0x2  }
0xb8: {  	s18 =	simm.s32 $0xE0;
	s17 =	sadd.s32 $0xFFFFFFFF, s17;
	s19 =	sadd.s32 $0xCA90, s19  }
.LBB2_13:
0xb9: {  	[tilespmem:s19], [sflag:$0x3] =	stream.indirect.gather [hbm4b:s3+s15], $0x40, s20, s15, $0xb8;
	[tilespmem:$0x15090] =	vst v63  }
0xba: {  	p1 =	sne.s32 s17, $0x1  }
.Ltmp11:
0xbb: {  	p0 =	slt.s32 s18, $0xA8;
	s20 =	smov.u32 s18;
	(pc) =	sbr.rel @p1 .LBB2_13-.Ltmp11, $4  }
0xbc: {  	s17 =	sadd.s32 $0xFFFFFFFF, s17;
	s20 =	simm.s32 @!p0 $0xA8  }
0xbd: {  	s19 =	sshll.u32 s20, $0x8  }
0xbe: {  	s19 =	sshra.s32 s19, $0x2  }
0xbf: {  	s18 =	sadd.s32 $0x20, s18;
	s20 =	sadd.s32 $0x190, s20;
	s19 =	sadd.s32 $0xCA90, s19  }
.LBB2_14:
0xc0: {  	[tilespmem:s19], [sflag:$0x3] =	stream.indirect.gather [hbm4b:s3+s15], $0x40, s20, s15, $0xb8;
	[tilespmem:$0x15090] =	vst v63  }
.LBB2_15:
0xc1: {  	v0 =	vld [tilespmem:$0x6403];
	_ =	sdelay $0x4  }
0xc2: {  	(v2sf) =	vpush v0, $0x0;
	_ =	sdelay $0xe  }
0xc3: {  	s18 =	spop (v2sf)  }
0xc4: {  	s17 =	sadd.s32 $0x1F, s18  }
0xc5: {  	p0 =	slt.s32 s17, $0x20  }
0xc6: {  	s19 =	simm.s32 @!p0 $0x20  }
0xc7: {  	s20 =	simm.s32 @!p0 $0x258;
	s21 =	simm.s32 @!p0 $0xFD90;
	p1 =	slt.s32 @!p0 s18, $0x21  }
0xc8: {  	[tilespmem:s21], [sflag:$0x4] =	stream.indirect.gather @!p0 [hbm4b:s3+s19], $0x40, s20, s19, $0xb8;
	[tilespmem:$0x15090] =	vst v63  }
0xc9: {  	p0 =	por p0, p1  }
0xca: {  	s19 =	simm.s32 @!p0 $0x20  }
0xcb: {  	s20 =	simm.s32 @!p0 $0x278;
	s21 =	simm.s32 @!p0 $0x10590;
	p1 =	slt.s32 @!p0 s18, $0x41  }
0xcc: {  	[tilespmem:s21], [sflag:$0x4] =	stream.indirect.gather @!p0 [hbm4b:s3+s19], $0x40, s20, s19, $0xb8;
	[tilespmem:$0x15090] =	vst v63  }
0xcd: {  	p0 =	por p0, p1  }
0xce: {  	s19 =	simm.s32 @!p0 $0x20  }
0xcf: {  	s20 =	simm.s32 @!p0 $0x298;
	s21 =	simm.s32 @!p0 $0x10D90;
	p1 =	slt.s32 @!p0 s18, $0x61  }
0xd0: {  	[tilespmem:s21], [sflag:$0x4] =	stream.indirect.gather @!p0 [hbm4b:s3+s19], $0x40, s20, s19, $0xb8;
	[tilespmem:$0x15090] =	vst v63  }
0xd1: {  	p0 =	por p0, p1  }
0xd2: {  	s19 =	simm.s32 @!p0 $0x20  }
0xd3: {  	s20 =	simm.s32 @!p0 $0x2B8;
	s21 =	simm.s32 @!p0 $0x11590;
	p1 =	slt.s32 @!p0 s18, $0x81  }
0xd4: {  	[tilespmem:s21], [sflag:$0x4] =	stream.indirect.gather @!p0 [hbm4b:s3+s19], $0x40, s20, s19, $0xb8;
	[tilespmem:$0x15090] =	vst v63  }
0xd5: {  	p0 =	por p0, p1  }
0xd6: {  	s19 =	simm.s32 @!p0 $0x20  }
0xd7: {  	s20 =	simm.s32 @!p0 $0x2D8;
	s21 =	simm.s32 @!p0 $0x11D90;
	p1 =	slt.s32 @!p0 s18, $0xA1  }
0xd8: {  	[tilespmem:s21], [sflag:$0x4] =	stream.indirect.gather @!p0 [hbm4b:s3+s19], $0x40, s20, s19, $0xb8;
	[tilespmem:$0x15090] =	vst v63  }
0xd9: {  	p0 =	por p0, p1  }
0xda: {  	s19 =	simm.s32 @!p0 $0x20  }
0xdb: {  	s20 =	simm.s32 @!p0 $0x2F8;
	s21 =	simm.s32 @!p0 $0x12590;
	p1 =	slt.s32 @!p0 s18, $0xC1  }
0xdc: {  	[tilespmem:s21], [sflag:$0x4] =	stream.indirect.gather @!p0 [hbm4b:s3+s19], $0x40, s20, s19, $0xb8;
	[tilespmem:$0x15090] =	vst v63  }
0xdd: {  	p0 =	por p0, p1  }
.Ltmp12:
0xde: {  	_ = 	snop;
	(pc) =	sbr.rel @p0 .LBB2_19-.Ltmp12, $1  }
0xdf: {  	_ =	sdelay $0x3  }
0xe0: {  	s18 =	sshra.s32 s17, $0x1F  }
0xe1: {  	s18 =	sshrl.u32 s18, $0x1B  }
0xe2: {  	s31 =	sadd.s32 s18, s17  }
0xe3: {  	s17 =	sshra.s32 s31, $0x5  }
0xe4: {  	p0 =	por $0x0, $0x0;
	s18 =	simm.s32 $0xC0;
	s17 =	sadd.s32 $0xFFFFFFFA, s17  }
0xe5: {  	s18 =	simm.s32 @!p0 $0xA8;
	p0 =	sne.s32 s17, $0x1  }
.Ltmp13:
0xe6: {  	_ = 	snop;
	(pc) =	sbr.rel @!p0 .LBB2_18-.Ltmp13, $4  }
0xe7: {  	_ = 	snop  }
0xe8: {  	s19 =	sshll.u32 s18, $0x8  }
0xe9: {  	s20 =	sadd.s32 $0x258, s18;
	s19 =	sshra.s32 s19, $0x2  }
0xea: {  	s18 =	simm.s32 $0xE0;
	s17 =	sadd.s32 $0xFFFFFFFF, s17;
	s19 =	sadd.s32 $0xFD90, s19  }
.LBB2_17:
0xeb: {  	[tilespmem:s19], [sflag:$0x4] =	stream.indirect.gather [hbm4b:s3+s15], $0x40, s20, s15, $0xb8;
	[tilespmem:$0x15090] =	vst v63  }
0xec: {  	p1 =	sne.s32 s17, $0x1  }
.Ltmp14:
0xed: {  	p0 =	slt.s32 s18, $0xA8;
	s20 =	smov.u32 s18;
	(pc) =	sbr.rel @p1 .LBB2_17-.Ltmp14, $4  }
0xee: {  	s17 =	sadd.s32 $0xFFFFFFFF, s17;
	s20 =	simm.s32 @!p0 $0xA8  }
0xef: {  	s19 =	sshll.u32 s20, $0x8  }
0xf0: {  	s19 =	sshra.s32 s19, $0x2  }
0xf1: {  	s18 =	sadd.s32 $0x20, s18;
	s20 =	sadd.s32 $0x258, s20;
	s19 =	sadd.s32 $0xFD90, s19  }
.LBB2_18:
0xf2: {  	[tilespmem:s19], [sflag:$0x4] =	stream.indirect.gather [hbm4b:s3+s15], $0x40, s20, s15, $0xb8;
	[tilespmem:$0x15090] =	vst v63  }
.LBB2_19:
.Ltmp15:
0xf3: {  	(pc) =	sbr.rel .LBB2_20-.Ltmp15, $2  }
0xf4: {  	_ =	sdelay $0x2  }
0xf5: {  	s17 =	simm.s32 $0x0  }
.LBB2_84:
0xf6: {  	[tilespmem:s21], [sflag:$0x4] =	stream.indirect.gather [hbm4b:s3+s15], $0x40, s22, s15, $0xb8;
	[tilespmem:$0x15090] =	vst v63  }
.LBB2_85:
0xf7: {  	s17 =	sadd.s32 $0x1, s17  }
.LBB2_20:
0xf8: {  	s18 =	sshll.u32 s17, $0x2  }
0xf9: {  	v0 =	vld [tilespmem:s18+$0x6400];
	_ =	sdelay $0x4  }
0xfa: {  	(v2sf) =	vpush v0, $0x0;
	_ =	sdelay $0xe  }
0xfb: {  	s19 =	spop (v2sf)  }
0xfc: {  	s20 =	sadd.s32 $0x1F, s19  }
0xfd: {  	p0 =	slt.s32 s20, $0x20  }
.Ltmp16:
0xfe: {  	_ = 	snop;
	(pc) =	sbr.rel @p0 .LBB2_24-.Ltmp16, $1  }
0xff: {  	_ =	sdelay $0x3  }
0x100: {  	s21 =	sshra.s32 s20, $0x1F  }
0x101: {  	s21 =	sshrl.u32 s21, $0x1B  }
0x102: {  	s31 =	sadd.s32 s21, s20  }
0x103: {  	s20 =	sshra.s32 s31, $0x5  }
0x104: {  	p0 =	sne.s32 s20, $0x1  }
.Ltmp17:
0x105: {  	_ = 	snop;
	(pc) =	sbr.rel @!p0 .LBB2_23-.Ltmp17, $3  }
0x106: {  	_ =	sdelay $0x1  }
0x107: {  	_ =	swait.ge [sflag:s10], $0x800  }
0x108: {  	[sflag:s10] =	ssyncset.done $0x0;
	s20 =	sadd.s32 $0xFFFFFFFF, s20  }
.LBB2_22:
0x109: {  	p0 =	sne.s32 s20, $0x1;
	s20 =	sadd.s32 $0xFFFFFFFF, s20;
	[sflag:s10] =	ssyncadd.s32 $0xFFFFF800  }
.Ltmp18:
0x10a: {  	(pc) =	sbr.rel @p0 .LBB2_22-.Ltmp18, $3  }
0x10b: {  	_ =	sdelay $0x1  }
0x10c: {  	_ =	swait.ge [sflag:s10], $0x800  }
0x10d: {  	[sflag:s10] =	ssyncset.done $0x0  }
.LBB2_23:
0x10e: {  	[sflag:s10] =	ssyncadd.s32 $0xFFFFF800  }
.LBB2_24:
0x10f: {  	p0 =	slt.s32 s19, $0x4  }
.Ltmp19:
0x110: {  	_ = 	snop;
	(pc) =	sbr.rel @p0 .LBB2_25-.Ltmp19, $4  }
0x111: {  	s20 =	sshra.s32 s19, $0x1F  }
0x112: {  	s20 =	sshrl.u32 s20, $0x1E  }
0x113: {  	s20 =	sadd.s32 s20, s19  }
0x114: {  	v0 =	vimm.f32 $0.0e+00;
	s21 =	simm.s32 $0x6510;
	s20 =	sshra.s32 s20, $0x2  }
0x115: {  	p1 =	sne.s32 s20, $0x1  }
.Ltmp20:
0x116: {  	_ = 	snop;
	(pc) =	sbr.rel @!p1 .LBB2_27-.Ltmp20, $4  }
0x117: {  	v3 =	vld [tilespmem:s21+$0xFFFFFFB0]  }
0x118: {  	v4 =	vld [tilespmem:s21+$0xFFFFFFF0]  }
0x119: {  	v6 =	vld [tilespmem:s21+$0x30]  }
0x11a: {  	v9 =	vld [tilespmem:s21+$0x70];
	s22 =	sadd.s32 $0xFFFFFFFF, s20;
	p0 =	por $0x0, $0x0  }
0x11b: {  	v1 =	vld [tilespmem:s21+$0xFFFFFF90]  }
0x11c: {  	v5 =	vld [tilespmem:s21+$0xFFFFFFA0]  }
0x11d: {  	v7 =	vld [tilespmem:s21+$0xFFFFFFD0]  }
0x11e: {  	v8 =	vld [tilespmem:s21+$0xFFFFFFE0]  }
0x11f: {  	v13 =	vld [tilespmem:s21+$0x0]  }
0x120: {  	v14 =	vld [tilespmem:s21+$0x10]  }
0x121: {  	v15 =	vld [tilespmem:s21+$0x20]  }
0x122: {  	v16 =	vld [tilespmem:s21+$0x40]  }
0x123: {  	v17 =	vld [tilespmem:s21+$0x60]  }
0x124: {  	v3 =	vadd.f32 v4, v3;
	v4 =	vadd.f32 v9, v6;
	v9 =	vld [tilespmem:s21+$0x50]  }
0x125: {  	v2 =	vld [tilespmem:s21+$0xFFFFFFC0];
	p1 =	sne.s32 s22, $0x1  }
.Ltmp21:
0x126: {  	v12 =	vld [tilespmem:s21+$0xFFFFFF80];
	s21 =	sadd.s32 $0x100, s21;
	v10 =	vadd.f32 v7, v1;
	(pc) =	sbr.rel @!p1 .LBB2_29-.Ltmp21, $4  }
0x127: {  	v11 =	vadd.f32 v8, v5;
	v6 =	vld [tilespmem:s21+$0x30];
	v3 =	vadd.f32 v4, v3  }
0x128: {  	v13 =	vadd.f32 v16, v13;
	v15 =	vadd.f32 v17, v15;
	v4 =	vld [tilespmem:s21+$0xFFFFFFF0]  }
0x129: {  	v1 =	vadd.f32 v3, v0;
	v3 =	vld [tilespmem:s21+$0xFFFFFFB0];
	v14 =	vadd.f32 v9, v14  }
0x12a: {  	s22 =	sadd.s32 $0xFFFFFFFF, s22;
	p0 =	por $0x1, $0x1;
	v5 =	vimm.f32 $0.0e+00;
	v7 =	vimm.f32 $0.0e+00;
	v8 =	vimm.f32 $0.0e+00;
	v9 =	vld [tilespmem:s21+$0x70]  }
.LBB2_30:
0x12b: {  	p1 =	sne.s32 s22, $0x1;
	v16 =	vld [tilespmem:s21+$0xFFFFFF90];
	v12 =	vadd.f32 v2, v12;
	v10 =	vadd.f32 v14, v10  }
0x12c: {  	v14 =	vld [tilespmem:s21+$0xFFFFFFA0];
	v11 =	vadd.f32 v15, v11  }
0x12d: {  	v2 =	vld [tilespmem:s21+$0xFFFFFFC0];
	v12 =	vadd.f32 v13, v12;
	v5 =	vadd.f32 v10, v5  }
0x12e: {  	v10 =	vld [tilespmem:s21+$0xFFFFFFD0];
	v7 =	vadd.f32 v11, v7  }
0x12f: {  	v3 =	vadd.f32 v4, v3;
	v11 =	vld [tilespmem:s21+$0xFFFFFFE0];
	v4 =	vadd.f32 v9, v6  }
0x130: {  	v8 =	vadd.f32 v12, v8;
	v6 =	vld [tilespmem:s21+$0x0]  }
0x131: {  	v9 =	vld [tilespmem:s21+$0x10];
	v3 =	vadd.f32 v4, v3  }
0x132: {  	v15 =	vld [tilespmem:s21+$0x20]  }
0x133: {  	v13 =	vld [tilespmem:s21+$0x40];
	v10 =	vadd.f32 v10, v16;
	v1 =	vadd.f32 v3, v1  }
0x134: {  	v16 =	vld [tilespmem:s21+$0x50];
	v11 =	vadd.f32 v11, v14  }
0x135: {  	v17 =	vld [tilespmem:s21+$0x60]  }
.Ltmp22:
0x136: {  	v12 =	vld [tilespmem:s21+$0xFFFFFF80];
	s21 =	sadd.s32 $0x100, s21;
	(pc) =	sbr.rel @p1 .LBB2_30-.Ltmp22, $4  }
0x137: {  	v3 =	vld [tilespmem:s21+$0xFFFFFFB0]  }
0x138: {  	v4 =	vld [tilespmem:s21+$0xFFFFFFF0];
	v13 =	vadd.f32 v13, v6  }
0x139: {  	v6 =	vld [tilespmem:s21+$0x30];
	v14 =	vadd.f32 v16, v9  }
0x13a: {  	s22 =	sadd.s32 $0xFFFFFFFF, s22;
	v9 =	vld [tilespmem:s21+$0x70];
	v15 =	vadd.f32 v17, v15  }
.LBB2_31:
0x13b: {  	v16 =	vld [tilespmem:s21+$0xFFFFFF90]  }
0x13c: {  	v17 =	vld [tilespmem:s21+$0xFFFFFFA0]  }
0x13d: {  	v18 =	vld [tilespmem:s21+$0xFFFFFFC0]  }
0x13e: {  	v19 =	vld [tilespmem:s21+$0xFFFFFFD0]  }
0x13f: {  	v20 =	vld [tilespmem:s21+$0xFFFFFFE0]  }
0x140: {  	v21 =	vld [tilespmem:s21+$0x0]  }
0x141: {  	v22 =	vld [tilespmem:s21+$0x10]  }
0x142: {  	v56 =	vld [tilespmem:s21+$0x40]  }
0x143: {  	v2 =	vadd.f32 @p0 v2, v12;
	v57 =	vld [tilespmem:s21+$0x50]  }
0x144: {  	v10 =	vadd.f32 @p0 v14, v10;
	v59 =	vld [tilespmem:s21+$0xFFFFFF80];
	v11 =	vadd.f32 @p0 v15, v11  }
0x145: {  	v23 =	vld [tilespmem:s21+$0x20];
	v2 =	vadd.f32 @p0 v13, v2;
	v3 =	vadd.f32 v4, v3  }
0x146: {  	v58 =	vld [tilespmem:s21+$0x60];
	v5 =	vadd.f32 @p0 v10, v5;
	v7 =	vadd.f32 @p0 v11, v7  }
0x147: {  	v4 =	vadd.f32 v9, v6;
	v2 =	vadd.f32 @p0 v2, v8  }
0x148: {  	v60 =	vadd.f32 v20, v17;
	v61 =	vadd.f32 v56, v21  }
0x149: {  	v62 =	vadd.f32 v57, v22;
	v6 =	vadd.f32 v18, v59  }
0x14a: {  	v3 =	vadd.f32 v4, v3;
	v4 =	vadd.f32 v19, v16  }
.Ltmp23:
0x14b: {  	v63 =	vadd.f32 v58, v23;
	v6 =	vadd.f32 v61, v6;
	(pc) =	sbr.rel .LBB2_32-.Ltmp23, $4  }
0x14c: {  	v7 =	vpsel p0, v7, v0;
	v1 =	vadd.f32 v3, v1;
	v3 =	vadd.f32 v62, v4  }
0x14d: {  	v4 =	vpsel p0, v5, v0;
	v5 =	vadd.f32 v63, v60;
	v0 =	vpsel p0, v2, v0  }
0x14e: {  	v0 =	vadd.f32 v6, v0  }
0x14f: {  	v3 =	vadd.f32 v3, v4;
	v2 =	vadd.f32 v5, v7  }
.LBB2_25:
0x150: {  	v3 =	vimm.f32 $0.0e+00;
	v2 =	vimm.f32 $0.0e+00;
	v1 =	vimm.f32 $0.0e+00  }
.LBB2_32:
0x151: {  	s21 =	sshll.u32 s20, $0x2  }
0x152: {  	s26 =	sshll.u32 s20, $0xA;
	p3 =	sgt.s32 s19, $0x1;
	p2 =	slt.s32 s21, s19  }
0x153: {  	s20 =	sshra.s32 s26, $0x2;
	s22 =	sor.u32 $0x1, s21;
	s21 =	sor.u32 $0x2, s21  }
0x154: {  	p1 =	slt.s32 s22, s19;
	p0 =	slt.s32 s21, s19;
	s19 =	simm.s32 @!p3 $0x1;
	v4 =	vld [tilespmem:s20+$0x6490]  }
0x155: {  	v5 =	vld [tilespmem:s20+$0x64A0];
	v6 =	vmov s19  }
0x156: {  	v7 =	vld [tilespmem:s20+$0x64B0];
	s28 =	sshll.u32 s22, $0x8;
	v6 =	vcvt.s32.f32 v6  }
0x157: {  	v8 =	vld [tilespmem:s20+$0x64C0];
	s19 =	sshra.s32 s28, $0x2  }
0x158: {  	v9 =	vld [tilespmem:s19+$0x6490];
	v6 =	vbroadcast v6, $0x0  }
0x159: {  	v10 =	vld [tilespmem:s19+$0x64A0]  }
0x15a: {  	s29 =	sshll.u32 s21, $0x8;
	v11 =	vld [tilespmem:s19+$0x64B0];
	(erf) = vrcp.f32 v6  }
0x15b: {  	s30 =	sshra.s32 s29, $0x2;
	v48 =	vld [tilespmem:s19+$0x64C0]  }
0x15c: {  	v12 =	vld [tilespmem:s30+$0x6490]  }
0x15d: {  	v50 =	vld [tilespmem:s30+$0x64A0];
	v4 =	vpsel !p2, $0x0, v4;
	v49 =	vpsel !p2, $0x0, v5;
	v51 =	vpsel !p2, $0x0, v7  }
0x15e: {  	v53 =	vld [tilespmem:s30+$0x64B0];
	v52 =	vpsel !p2, $0x0, v8;
	v0 =	vadd.f32 v4, v0;
	v3 =	vadd.f32 v49, v3  }
0x15f: {  	v55 =	vld [tilespmem:s30+$0x64C0];
	v2 =	vadd.f32 v51, v2;
	v1 =	vadd.f32 v52, v1;
	v54 =	vpsel !p1, $0x0, v9  }
0x160: {  	v56 =	vpsel !p1, $0x0, v10;
	v57 =	vpsel !p1, $0x0, v11;
	v0 =	vadd.f32 v54, v0  }
0x161: {  	v58 =	vpsel !p0, $0x0, v12;
	v59 =	vpsel !p1, $0x0, v48;
	v3 =	vadd.f32 v56, v3  }
0x162: {  	v5 =	vpsel !p0, $0x0, v50;
	v2 =	vadd.f32 v57, v2;
	v0 =	vadd.f32 v58, v0  }
0x163: {  	v60 =	vpsel !p0, $0x0, v53;
	v1 =	vadd.f32 v59, v1;
	v3 =	vadd.f32 v5, v3;
	v61 =	vpop (erf)  }
0x164: {  	s31 =	sshll.u32 s17, $0x8;
	v62 =	vpsel !p0, $0x0, v55;
	v2 =	vadd.f32 v60, v2;
	v0 =	vmul.f32 v0, v61  }
0x165: {  	s19 =	sand.u32 $0x3FFFFF00, s31;
	v1 =	vadd.f32 v62, v1;
	v3 =	vmul.f32 v3, v61  }
0x166: {  	v63 =	vmul.f32 v2, v61;
	[tilespmem:s19+$0x13090] =	vst v0  }
0x167: {  	v1 =	vmul.f32 v1, v61;
	[tilespmem:s19+$0x130A0] =	vst v3  }
0x168: {  	[tilespmem:s19+$0x130B0] =	vst v63  }
0x169: {  	s20 =	sadd.s32 $0x4, s18;
	p0 =	seq.s32 s17, $0x1F;
	[tilespmem:s19+$0x130C0] =	vst v1  }
0x16a: {  	v0 =	vld @!p0 [tilespmem:s20+$0x6400];
	_ =	sdelay $0x4  }
0x16b: {  	(v2sf) =	vpush @!p0 v0, $0x0;
	_ =	sdelay $0xe  }
0x16c: {  	s22 =	spop @!p0 (v2sf)  }
0x16d: {  	s21 =	sadd.s32 @!p0 $0x1F, s22  }
0x16e: {  	p1 =	slt.s32 @!p0 s21, $0x20  }
0x16f: {  	p1 =	por p0, p1  }
0x170: {  	s20 =	smul.u32 @!p1 $0x320, s20  }
0x171: {  	s23 =	simm.s32 @!p1 $0x20  }
0x172: {  	s24 =	simm.s32 @!p1 $0x6490;
	p2 =	slt.s32 @!p1 s22, $0x21;
	s20 =	sshra.s32 @!p1 s20, $0x2  }
0x173: {  	[tilespmem:s24], [sflag:$0x1] =	stream.indirect.gather @!p1 [hbm4b:s3+s23], $0x40, s20, s23, $0xb8;
	[tilespmem:$0x15090] =	vst v63  }
0x174: {  	p1 =	por p1, p2  }
0x175: {  	s23 =	sadd.s32 @!p1 $0x20, s20  }
0x176: {  	s24 =	simm.s32 @!p1 $0x20;
	s25 =	simm.s32 @!p1 $0x6C90;
	p2 =	slt.s32 @!p1 s22, $0x41  }
0x177: {  	[tilespmem:s25], [sflag:$0x1] =	stream.indirect.gather @!p1 [hbm4b:s3+s24], $0x40, s23, s24, $0xb8;
	[tilespmem:$0x15090] =	vst v63  }
0x178: {  	p1 =	por p1, p2  }
0x179: {  	s23 =	sadd.s32 @!p1 $0x40, s20  }
0x17a: {  	s24 =	simm.s32 @!p1 $0x20;
	s25 =	simm.s32 @!p1 $0x7490;
	p2 =	slt.s32 @!p1 s22, $0x61  }
0x17b: {  	[tilespmem:s25], [sflag:$0x1] =	stream.indirect.gather @!p1 [hbm4b:s3+s24], $0x40, s23, s24, $0xb8;
	[tilespmem:$0x15090] =	vst v63  }
0x17c: {  	p1 =	por p1, p2  }
0x17d: {  	s23 =	sadd.s32 @!p1 $0x60, s20  }
0x17e: {  	s24 =	simm.s32 @!p1 $0x20;
	s25 =	simm.s32 @!p1 $0x7C90;
	p2 =	slt.s32 @!p1 s22, $0x81  }
0x17f: {  	[tilespmem:s25], [sflag:$0x1] =	stream.indirect.gather @!p1 [hbm4b:s3+s24], $0x40, s23, s24, $0xb8;
	[tilespmem:$0x15090] =	vst v63  }
0x180: {  	p1 =	por p1, p2  }
0x181: {  	s23 =	sadd.s32 @!p1 $0x80, s20  }
0x182: {  	s24 =	simm.s32 @!p1 $0x20;
	s25 =	simm.s32 @!p1 $0x8490;
	p2 =	slt.s32 @!p1 s22, $0xA1  }
0x183: {  	[tilespmem:s25], [sflag:$0x1] =	stream.indirect.gather @!p1 [hbm4b:s3+s24], $0x40, s23, s24, $0xb8;
	[tilespmem:$0x15090] =	vst v63  }
0x184: {  	p1 =	por p1, p2  }
0x185: {  	s23 =	sadd.s32 @!p1 $0xA0, s20  }
0x186: {  	s24 =	simm.s32 @!p1 $0x20;
	s25 =	simm.s32 @!p1 $0x8C90;
	p2 =	slt.s32 @!p1 s22, $0xC1  }
0x187: {  	[tilespmem:s25], [sflag:$0x1] =	stream.indirect.gather @!p1 [hbm4b:s3+s24], $0x40, s23, s24, $0xb8;
	[tilespmem:$0x15090] =	vst v63  }
0x188: {  	p1 =	por p1, p2  }
.Ltmp24:
0x189: {  	_ = 	snop;
	(pc) =	sbr.rel @p1 .LBB2_36-.Ltmp24, $1  }
0x18a: {  	_ =	sdelay $0x3  }
0x18b: {  	s22 =	sshra.s32 @!p0 s21, $0x1F  }
0x18c: {  	s22 =	sshrl.u32 @!p0 s22, $0x1B  }
0x18d: {  	s21 =	sadd.s32 @!p0 s22, s21  }
0x18e: {  	s21 =	sshra.s32 @!p0 s21, $0x5  }
0x18f: {  	p1 =	por $0x0, $0x0;
	s22 =	simm.s32 $0xC0;
	s21 =	sadd.s32 $0xFFFFFFFA, s21  }
0x190: {  	s22 =	simm.s32 @!p1 $0xA8;
	p1 =	sne.s32 s21, $0x1  }
.Ltmp25:
0x191: {  	_ = 	snop;
	(pc) =	sbr.rel @!p1 .LBB2_35-.Ltmp25, $4  }
0x192: {  	_ = 	snop  }
0x193: {  	s23 =	sshll.u32 s22, $0x8  }
0x194: {  	s24 =	sadd.s32 s22, s20;
	s23 =	sshra.s32 s23, $0x2  }
0x195: {  	s22 =	simm.s32 $0xE0;
	s21 =	sadd.s32 $0xFFFFFFFF, s21;
	s23 =	sadd.s32 $0x6490, s23  }
.LBB2_34:
0x196: {  	[tilespmem:s23], [sflag:$0x1] =	stream.indirect.gather [hbm4b:s3+s15], $0x40, s24, s15, $0xb8;
	[tilespmem:$0x15090] =	vst v63  }
0x197: {  	p2 =	sne.s32 s21, $0x1  }
.Ltmp26:
0x198: {  	p1 =	slt.s32 s22, $0xA8;
	s24 =	smov.u32 s22;
	(pc) =	sbr.rel @p2 .LBB2_34-.Ltmp26, $4  }
0x199: {  	s21 =	sadd.s32 $0xFFFFFFFF, s21;
	s24 =	simm.s32 @!p1 $0xA8  }
0x19a: {  	s23 =	sshll.u32 s24, $0x8  }
0x19b: {  	s23 =	sshra.s32 s23, $0x2  }
0x19c: {  	s22 =	sadd.s32 $0x20, s22;
	s24 =	sadd.s32 s24, s20;
	s23 =	sadd.s32 $0x6490, s23  }
.LBB2_35:
0x19d: {  	[tilespmem:s23], [sflag:$0x1] =	stream.indirect.gather [hbm4b:s3+s15], $0x40, s24, s15, $0xb8;
	[tilespmem:$0x15090] =	vst v63  }
.LBB2_36:
0x19e: {  	v0 =	vld [tilespmem:s18+$0x6401];
	_ =	sdelay $0x4  }
0x19f: {  	(v2sf) =	vpush v0, $0x0;
	_ =	sdelay $0xe  }
0x1a0: {  	s20 =	spop (v2sf)  }
0x1a1: {  	s21 =	sadd.s32 $0x1F, s20  }
0x1a2: {  	p1 =	slt.s32 s21, $0x20  }
.Ltmp27:
0x1a3: {  	_ = 	snop;
	(pc) =	sbr.rel @p1 .LBB2_40-.Ltmp27, $1  }
0x1a4: {  	_ =	sdelay $0x3  }
0x1a5: {  	s22 =	sshra.s32 s21, $0x1F  }
0x1a6: {  	s22 =	sshrl.u32 s22, $0x1B  }
0x1a7: {  	s31 =	sadd.s32 s22, s21  }
0x1a8: {  	s21 =	sshra.s32 s31, $0x5  }
0x1a9: {  	p1 =	sne.s32 s21, $0x1  }
.Ltmp28:
0x1aa: {  	_ = 	snop;
	(pc) =	sbr.rel @!p1 .LBB2_39-.Ltmp28, $3  }
0x1ab: {  	_ =	sdelay $0x1  }
0x1ac: {  	_ =	swait.ge [sflag:s11], $0x800  }
0x1ad: {  	[sflag:s11] =	ssyncset.done $0x0;
	s21 =	sadd.s32 $0xFFFFFFFF, s21  }
.LBB2_38:
0x1ae: {  	p1 =	sne.s32 s21, $0x1;
	s21 =	sadd.s32 $0xFFFFFFFF, s21;
	[sflag:s11] =	ssyncadd.s32 $0xFFFFF800  }
.Ltmp29:
0x1af: {  	(pc) =	sbr.rel @p1 .LBB2_38-.Ltmp29, $3  }
0x1b0: {  	_ =	sdelay $0x1  }
0x1b1: {  	_ =	swait.ge [sflag:s11], $0x800  }
0x1b2: {  	[sflag:s11] =	ssyncset.done $0x0  }
.LBB2_39:
0x1b3: {  	[sflag:s11] =	ssyncadd.s32 $0xFFFFF800  }
.LBB2_40:
0x1b4: {  	p1 =	slt.s32 s20, $0x4  }
.Ltmp30:
0x1b5: {  	_ = 	snop;
	(pc) =	sbr.rel @p1 .LBB2_41-.Ltmp30, $4  }
0x1b6: {  	s21 =	sshra.s32 s20, $0x1F  }
0x1b7: {  	s21 =	sshrl.u32 s21, $0x1E  }
0x1b8: {  	s21 =	sadd.s32 s21, s20  }
0x1b9: {  	v0 =	vimm.f32 $0.0e+00;
	s22 =	simm.s32 $0x9880;
	s21 =	sshra.s32 s21, $0x2  }
0x1ba: {  	p2 =	sne.s32 s21, $0x1  }
.Ltmp31:
0x1bb: {  	_ = 	snop;
	(pc) =	sbr.rel @!p2 .LBB2_43-.Ltmp31, $4  }
0x1bc: {  	v3 =	vld [tilespmem:s22+$0xFFFFFF40]  }
0x1bd: {  	v4 =	vld [tilespmem:s22+$0xFFFFFF80]  }
0x1be: {  	v6 =	vld [tilespmem:s22+$0xFFFFFFC0]  }
0x1bf: {  	v9 =	vld [tilespmem:s22+$0x0];
	s23 =	sadd.s32 $0xFFFFFFFF, s21;
	p1 =	por $0x0, $0x0  }
0x1c0: {  	v1 =	vld [tilespmem:s22+$0xFFFFFF20]  }
0x1c1: {  	v5 =	vld [tilespmem:s22+$0xFFFFFF30]  }
0x1c2: {  	v7 =	vld [tilespmem:s22+$0xFFFFFF60]  }
0x1c3: {  	v8 =	vld [tilespmem:s22+$0xFFFFFF70]  }
0x1c4: {  	v13 =	vld [tilespmem:s22+$0xFFFFFF90]  }
0x1c5: {  	v14 =	vld [tilespmem:s22+$0xFFFFFFA0]  }
0x1c6: {  	v15 =	vld [tilespmem:s22+$0xFFFFFFB0]  }
0x1c7: {  	v16 =	vld [tilespmem:s22+$0xFFFFFFD0]  }
0x1c8: {  	v17 =	vld [tilespmem:s22+$0xFFFFFFF0]  }
0x1c9: {  	v3 =	vadd.f32 v4, v3;
	v4 =	vadd.f32 v9, v6;
	v9 =	vld [tilespmem:s22+$0xFFFFFFE0]  }
0x1ca: {  	v2 =	vld [tilespmem:s22+$0xFFFFFF50];
	p2 =	sne.s32 s23, $0x1  }
.Ltmp32:
0x1cb: {  	v12 =	vld [tilespmem:s22+$0xFFFFFF10];
	s22 =	sadd.s32 $0x100, s22;
	v10 =	vadd.f32 v7, v1;
	(pc) =	sbr.rel @!p2 .LBB2_45-.Ltmp32, $4  }
0x1cc: {  	v11 =	vadd.f32 v8, v5;
	v6 =	vld [tilespmem:s22+$0xFFFFFFC0];
	v3 =	vadd.f32 v4, v3  }
0x1cd: {  	v13 =	vadd.f32 v16, v13;
	v15 =	vadd.f32 v17, v15;
	v4 =	vld [tilespmem:s22+$0xFFFFFF80]  }
0x1ce: {  	v1 =	vadd.f32 v3, v0;
	v3 =	vld [tilespmem:s22+$0xFFFFFF40];
	v14 =	vadd.f32 v9, v14  }
0x1cf: {  	s23 =	sadd.s32 $0xFFFFFFFF, s23;
	p1 =	por $0x1, $0x1;
	v5 =	vimm.f32 $0.0e+00;
	v7 =	vimm.f32 $0.0e+00;
	v8 =	vimm.f32 $0.0e+00;
	v9 =	vld [tilespmem:s22+$0x0]  }
.LBB2_46:
0x1d0: {  	p2 =	sne.s32 s23, $0x1;
	v16 =	vld [tilespmem:s22+$0xFFFFFF20];
	v12 =	vadd.f32 v2, v12;
	v10 =	vadd.f32 v14, v10  }
0x1d1: {  	v14 =	vld [tilespmem:s22+$0xFFFFFF30];
	v11 =	vadd.f32 v15, v11  }
0x1d2: {  	v2 =	vld [tilespmem:s22+$0xFFFFFF50];
	v12 =	vadd.f32 v13, v12;
	v5 =	vadd.f32 v10, v5  }
0x1d3: {  	v10 =	vld [tilespmem:s22+$0xFFFFFF60];
	v7 =	vadd.f32 v11, v7  }
0x1d4: {  	v3 =	vadd.f32 v4, v3;
	v11 =	vld [tilespmem:s22+$0xFFFFFF70];
	v4 =	vadd.f32 v9, v6  }
0x1d5: {  	v8 =	vadd.f32 v12, v8;
	v6 =	vld [tilespmem:s22+$0xFFFFFF90]  }
0x1d6: {  	v9 =	vld [tilespmem:s22+$0xFFFFFFA0];
	v3 =	vadd.f32 v4, v3  }
0x1d7: {  	v15 =	vld [tilespmem:s22+$0xFFFFFFB0]  }
0x1d8: {  	v13 =	vld [tilespmem:s22+$0xFFFFFFD0];
	v10 =	vadd.f32 v10, v16;
	v1 =	vadd.f32 v3, v1  }
0x1d9: {  	v16 =	vld [tilespmem:s22+$0xFFFFFFE0];
	v11 =	vadd.f32 v11, v14  }
0x1da: {  	v17 =	vld [tilespmem:s22+$0xFFFFFFF0]  }
.Ltmp33:
0x1db: {  	v12 =	vld [tilespmem:s22+$0xFFFFFF10];
	s22 =	sadd.s32 $0x100, s22;
	(pc) =	sbr.rel @p2 .LBB2_46-.Ltmp33, $4  }
0x1dc: {  	v3 =	vld [tilespmem:s22+$0xFFFFFF40]  }
0x1dd: {  	v4 =	vld [tilespmem:s22+$0xFFFFFF80];
	v13 =	vadd.f32 v13, v6  }
0x1de: {  	v6 =	vld [tilespmem:s22+$0xFFFFFFC0];
	v14 =	vadd.f32 v16, v9  }
0x1df: {  	s23 =	sadd.s32 $0xFFFFFFFF, s23;
	v9 =	vld [tilespmem:s22+$0x0];
	v15 =	vadd.f32 v17, v15  }
.LBB2_47:
0x1e0: {  	v16 =	vld [tilespmem:s22+$0xFFFFFF20]  }
0x1e1: {  	v17 =	vld [tilespmem:s22+$0xFFFFFF30]  }
0x1e2: {  	v18 =	vld [tilespmem:s22+$0xFFFFFF50]  }
0x1e3: {  	v19 =	vld [tilespmem:s22+$0xFFFFFF60]  }
0x1e4: {  	v20 =	vld [tilespmem:s22+$0xFFFFFF70]  }
0x1e5: {  	v21 =	vld [tilespmem:s22+$0xFFFFFF90]  }
0x1e6: {  	v22 =	vld [tilespmem:s22+$0xFFFFFFA0]  }
0x1e7: {  	v56 =	vld [tilespmem:s22+$0xFFFFFFD0]  }
0x1e8: {  	v2 =	vadd.f32 @p1 v2, v12;
	v57 =	vld [tilespmem:s22+$0xFFFFFFE0]  }
0x1e9: {  	v10 =	vadd.f32 @p1 v14, v10;
	v59 =	vld [tilespmem:s22+$0xFFFFFF10];
	v11 =	vadd.f32 @p1 v15, v11  }
0x1ea: {  	v23 =	vld [tilespmem:s22+$0xFFFFFFB0];
	v2 =	vadd.f32 @p1 v13, v2;
	v3 =	vadd.f32 v4, v3  }
0x1eb: {  	v58 =	vld [tilespmem:s22+$0xFFFFFFF0];
	v5 =	vadd.f32 @p1 v10, v5;
	v7 =	vadd.f32 @p1 v11, v7  }
0x1ec: {  	v4 =	vadd.f32 v9, v6;
	v2 =	vadd.f32 @p1 v2, v8  }
0x1ed: {  	v60 =	vadd.f32 v20, v17;
	v61 =	vadd.f32 v56, v21  }
0x1ee: {  	v62 =	vadd.f32 v57, v22;
	v6 =	vadd.f32 v18, v59  }
0x1ef: {  	v3 =	vadd.f32 v4, v3;
	v4 =	vadd.f32 v19, v16  }
.Ltmp34:
0x1f0: {  	v63 =	vadd.f32 v58, v23;
	v6 =	vadd.f32 v61, v6;
	(pc) =	sbr.rel .LBB2_48-.Ltmp34, $4  }
0x1f1: {  	v7 =	vpsel p1, v7, v0;
	v1 =	vadd.f32 v3, v1;
	v3 =	vadd.f32 v62, v4  }
0x1f2: {  	v4 =	vpsel p1, v5, v0;
	v5 =	vadd.f32 v63, v60;
	v0 =	vpsel p1, v2, v0  }
0x1f3: {  	v0 =	vadd.f32 v6, v0  }
0x1f4: {  	v2 =	vadd.f32 v3, v4;
	v3 =	vadd.f32 v5, v7  }
.LBB2_41:
0x1f5: {  	v2 =	vimm.f32 $0.0e+00;
	v3 =	vimm.f32 $0.0e+00;
	v1 =	vimm.f32 $0.0e+00  }
.LBB2_48:
0x1f6: {  	s22 =	sshll.u32 s21, $0x2  }
0x1f7: {  	s26 =	sshll.u32 s21, $0xA;
	p4 =	sgt.s32 s20, $0x1;
	p3 =	slt.s32 s22, s20  }
0x1f8: {  	s21 =	sshra.s32 s26, $0x2;
	s23 =	sor.u32 $0x1, s22;
	s22 =	sor.u32 $0x2, s22  }
0x1f9: {  	p2 =	slt.s32 s23, s20;
	p1 =	slt.s32 s22, s20;
	s20 =	simm.s32 @!p4 $0x1;
	v4 =	vld [tilespmem:s21+$0x9790]  }
0x1fa: {  	v5 =	vld [tilespmem:s21+$0x97A0];
	v6 =	vmov s20  }
0x1fb: {  	v7 =	vld [tilespmem:s21+$0x97B0];
	s28 =	sshll.u32 s23, $0x8;
	v6 =	vcvt.s32.f32 v6  }
0x1fc: {  	v8 =	vld [tilespmem:s21+$0x97C0];
	s20 =	sshra.s32 s28, $0x2  }
0x1fd: {  	v9 =	vld [tilespmem:s20+$0x9790];
	v6 =	vbroadcast v6, $0x0  }
0x1fe: {  	v10 =	vld [tilespmem:s20+$0x97A0]  }
0x1ff: {  	s29 =	sshll.u32 s22, $0x8;
	v11 =	vld [tilespmem:s20+$0x97B0];
	(erf) = vrcp.f32 v6  }
0x200: {  	s30 =	sshra.s32 s29, $0x2;
	v52 =	vld [tilespmem:s20+$0x97C0]  }
0x201: {  	v12 =	vld [tilespmem:s30+$0x9790]  }
0x202: {  	v13 =	vld [tilespmem:s30+$0x97A0];
	v4 =	vpsel !p3, $0x0, v4;
	v5 =	vpsel !p3, $0x0, v5;
	v7 =	vpsel !p3, $0x0, v7  }
0x203: {  	v53 =	vld [tilespmem:s30+$0x97B0];
	v8 =	vpsel !p3, $0x0, v8;
	v0 =	vadd.f32 v4, v0;
	v2 =	vadd.f32 v5, v2  }
0x204: {  	v55 =	vld [tilespmem:s30+$0x97C0];
	v3 =	vadd.f32 v7, v3;
	v1 =	vadd.f32 v8, v1;
	v54 =	vpsel !p2, $0x0, v9  }
0x205: {  	v56 =	vpsel !p2, $0x0, v10;
	v57 =	vpsel !p2, $0x0, v11;
	v0 =	vadd.f32 v54, v0  }
0x206: {  	v58 =	vpsel !p1, $0x0, v12;
	v59 =	vpsel !p2, $0x0, v52;
	v2 =	vadd.f32 v56, v2  }
0x207: {  	v60 =	vpsel !p1, $0x0, v13;
	v3 =	vadd.f32 v57, v3;
	v0 =	vadd.f32 v58, v0  }
0x208: {  	s31 =	sor.u32 $0x1, s18;
	v4 =	vpsel !p1, $0x0, v53;
	v1 =	vadd.f32 v59, v1;
	v2 =	vadd.f32 v60, v2;
	v61 =	vpop (erf)  }
0x209: {  	s20 =	sshll.u32 s31, $0x6;
	v62 =	vpsel !p1, $0x0, v55;
	v3 =	vadd.f32 v4, v3;
	v0 =	vmul.f32 v0, v61  }
0x20a: {  	s20 =	sand.u32 $0x3FFFFFC0, s20;
	v1 =	vadd.f32 v62, v1;
	v2 =	vmul.f32 v2, v61  }
0x20b: {  	v63 =	vmul.f32 v3, v61;
	[tilespmem:s20+$0x13090] =	vst v0  }
0x20c: {  	v1 =	vmul.f32 v1, v61;
	[tilespmem:s20+$0x130A0] =	vst v2  }
0x20d: {  	[tilespmem:s20+$0x130B0] =	vst v63  }
0x20e: {  	[tilespmem:s20+$0x130C0] =	vst v1;
	s20 =	sadd.s32 $0x5, s18  }
0x20f: {  	v0 =	vld @!p0 [tilespmem:s20+$0x6400];
	_ =	sdelay $0x4  }
0x210: {  	(v2sf) =	vpush @!p0 v0, $0x0;
	_ =	sdelay $0xe  }
0x211: {  	s22 =	spop @!p0 (v2sf)  }
0x212: {  	s21 =	sadd.s32 @!p0 $0x1F, s22  }
0x213: {  	p1 =	slt.s32 @!p0 s21, $0x20  }
0x214: {  	p1 =	por p0, p1  }
0x215: {  	s20 =	smul.u32 @!p1 $0x320, s20  }
0x216: {  	s23 =	simm.s32 @!p1 $0x20  }
0x217: {  	s24 =	simm.s32 @!p1 $0x9790;
	p2 =	slt.s32 @!p1 s22, $0x21;
	s20 =	sshra.s32 @!p1 s20, $0x2  }
0x218: {  	[tilespmem:s24], [sflag:$0x2] =	stream.indirect.gather @!p1 [hbm4b:s3+s23], $0x40, s20, s23, $0xb8;
	[tilespmem:$0x15090] =	vst v63  }
0x219: {  	p1 =	por p1, p2  }
0x21a: {  	s23 =	sadd.s32 @!p1 $0x20, s20  }
0x21b: {  	s24 =	simm.s32 @!p1 $0x20;
	s25 =	simm.s32 @!p1 $0x9F90;
	p2 =	slt.s32 @!p1 s22, $0x41  }
0x21c: {  	[tilespmem:s25], [sflag:$0x2] =	stream.indirect.gather @!p1 [hbm4b:s3+s24], $0x40, s23, s24, $0xb8;
	[tilespmem:$0x15090] =	vst v63  }
0x21d: {  	p1 =	por p1, p2  }
0x21e: {  	s23 =	sadd.s32 @!p1 $0x40, s20  }
0x21f: {  	s24 =	simm.s32 @!p1 $0x20;
	s25 =	simm.s32 @!p1 $0xA790;
	p2 =	slt.s32 @!p1 s22, $0x61  }
0x220: {  	[tilespmem:s25], [sflag:$0x2] =	stream.indirect.gather @!p1 [hbm4b:s3+s24], $0x40, s23, s24, $0xb8;
	[tilespmem:$0x15090] =	vst v63  }
0x221: {  	p1 =	por p1, p2  }
0x222: {  	s23 =	sadd.s32 @!p1 $0x60, s20  }
0x223: {  	s24 =	simm.s32 @!p1 $0x20;
	s25 =	simm.s32 @!p1 $0xAF90;
	p2 =	slt.s32 @!p1 s22, $0x81  }
0x224: {  	[tilespmem:s25], [sflag:$0x2] =	stream.indirect.gather @!p1 [hbm4b:s3+s24], $0x40, s23, s24, $0xb8;
	[tilespmem:$0x15090] =	vst v63  }
0x225: {  	p1 =	por p1, p2  }
0x226: {  	s23 =	sadd.s32 @!p1 $0x80, s20  }
0x227: {  	s24 =	simm.s32 @!p1 $0x20;
	s25 =	simm.s32 @!p1 $0xB790;
	p2 =	slt.s32 @!p1 s22, $0xA1  }
0x228: {  	[tilespmem:s25], [sflag:$0x2] =	stream.indirect.gather @!p1 [hbm4b:s3+s24], $0x40, s23, s24, $0xb8;
	[tilespmem:$0x15090] =	vst v63  }
0x229: {  	p1 =	por p1, p2  }
0x22a: {  	s23 =	sadd.s32 @!p1 $0xA0, s20  }
0x22b: {  	s24 =	simm.s32 @!p1 $0x20;
	s25 =	simm.s32 @!p1 $0xBF90;
	p2 =	slt.s32 @!p1 s22, $0xC1  }
0x22c: {  	[tilespmem:s25], [sflag:$0x2] =	stream.indirect.gather @!p1 [hbm4b:s3+s24], $0x40, s23, s24, $0xb8;
	[tilespmem:$0x15090] =	vst v63  }
0x22d: {  	p1 =	por p1, p2  }
.Ltmp35:
0x22e: {  	_ = 	snop;
	(pc) =	sbr.rel @p1 .LBB2_52-.Ltmp35, $1  }
0x22f: {  	_ =	sdelay $0x3  }
0x230: {  	s22 =	sshra.s32 @!p0 s21, $0x1F  }
0x231: {  	s22 =	sshrl.u32 @!p0 s22, $0x1B  }
0x232: {  	s21 =	sadd.s32 @!p0 s22, s21  }
0x233: {  	s21 =	sshra.s32 @!p0 s21, $0x5  }
0x234: {  	p1 =	por $0x0, $0x0;
	s22 =	simm.s32 $0xC0;
	s21 =	sadd.s32 $0xFFFFFFFA, s21  }
0x235: {  	s22 =	simm.s32 @!p1 $0xA8;
	p1 =	sne.s32 s21, $0x1  }
.Ltmp36:
0x236: {  	_ = 	snop;
	(pc) =	sbr.rel @!p1 .LBB2_51-.Ltmp36, $4  }
0x237: {  	_ = 	snop  }
0x238: {  	s23 =	sshll.u32 s22, $0x8  }
0x239: {  	s24 =	sadd.s32 s22, s20;
	s23 =	sshra.s32 s23, $0x2  }
0x23a: {  	s22 =	simm.s32 $0xE0;
	s21 =	sadd.s32 $0xFFFFFFFF, s21;
	s23 =	sadd.s32 $0x9790, s23  }
.LBB2_50:
0x23b: {  	[tilespmem:s23], [sflag:$0x2] =	stream.indirect.gather [hbm4b:s3+s15], $0x40, s24, s15, $0xb8;
	[tilespmem:$0x15090] =	vst v63  }
0x23c: {  	p2 =	sne.s32 s21, $0x1  }
.Ltmp37:
0x23d: {  	p1 =	slt.s32 s22, $0xA8;
	s24 =	smov.u32 s22;
	(pc) =	sbr.rel @p2 .LBB2_50-.Ltmp37, $4  }
0x23e: {  	s21 =	sadd.s32 $0xFFFFFFFF, s21;
	s24 =	simm.s32 @!p1 $0xA8  }
0x23f: {  	s23 =	sshll.u32 s24, $0x8  }
0x240: {  	s23 =	sshra.s32 s23, $0x2  }
0x241: {  	s22 =	sadd.s32 $0x20, s22;
	s24 =	sadd.s32 s24, s20;
	s23 =	sadd.s32 $0x9790, s23  }
.LBB2_51:
0x242: {  	[tilespmem:s23], [sflag:$0x2] =	stream.indirect.gather [hbm4b:s3+s15], $0x40, s24, s15, $0xb8;
	[tilespmem:$0x15090] =	vst v63  }
.LBB2_52:
0x243: {  	v0 =	vld [tilespmem:s18+$0x6402];
	_ =	sdelay $0x4  }
0x244: {  	(v2sf) =	vpush v0, $0x0;
	_ =	sdelay $0xe  }
0x245: {  	s20 =	spop (v2sf)  }
0x246: {  	s21 =	sadd.s32 $0x1F, s20  }
0x247: {  	p1 =	slt.s32 s21, $0x20  }
.Ltmp38:
0x248: {  	_ = 	snop;
	(pc) =	sbr.rel @p1 .LBB2_56-.Ltmp38, $1  }
0x249: {  	_ =	sdelay $0x3  }
0x24a: {  	s22 =	sshra.s32 s21, $0x1F  }
0x24b: {  	s22 =	sshrl.u32 s22, $0x1B  }
0x24c: {  	s31 =	sadd.s32 s22, s21  }
0x24d: {  	s21 =	sshra.s32 s31, $0x5  }
0x24e: {  	p1 =	sne.s32 s21, $0x1  }
.Ltmp39:
0x24f: {  	_ = 	snop;
	(pc) =	sbr.rel @!p1 .LBB2_55-.Ltmp39, $3  }
0x250: {  	_ =	sdelay $0x1  }
0x251: {  	_ =	swait.ge [sflag:s12], $0x800  }
0x252: {  	[sflag:s12] =	ssyncset.done $0x0;
	s21 =	sadd.s32 $0xFFFFFFFF, s21  }
.LBB2_54:
0x253: {  	p1 =	sne.s32 s21, $0x1;
	s21 =	sadd.s32 $0xFFFFFFFF, s21;
	[sflag:s12] =	ssyncadd.s32 $0xFFFFF800  }
.Ltmp40:
0x254: {  	(pc) =	sbr.rel @p1 .LBB2_54-.Ltmp40, $3  }
0x255: {  	_ =	sdelay $0x1  }
0x256: {  	_ =	swait.ge [sflag:s12], $0x800  }
0x257: {  	[sflag:s12] =	ssyncset.done $0x0  }
.LBB2_55:
0x258: {  	[sflag:s12] =	ssyncadd.s32 $0xFFFFF800  }
.LBB2_56:
0x259: {  	p1 =	slt.s32 s20, $0x4  }
.Ltmp41:
0x25a: {  	_ = 	snop;
	(pc) =	sbr.rel @p1 .LBB2_57-.Ltmp41, $4  }
0x25b: {  	s21 =	sshra.s32 s20, $0x1F  }
0x25c: {  	s21 =	sshrl.u32 s21, $0x1E  }
0x25d: {  	s21 =	sadd.s32 s21, s20  }
0x25e: {  	v0 =	vimm.f32 $0.0e+00;
	s22 =	simm.s32 $0xCA90;
	s21 =	sshra.s32 s21, $0x2  }
0x25f: {  	p2 =	sne.s32 s21, $0x1  }
.Ltmp42:
0x260: {  	_ = 	snop;
	(pc) =	sbr.rel @!p2 .LBB2_59-.Ltmp42, $4  }
0x261: {  	v3 =	vld [tilespmem:s22+$0x30]  }
0x262: {  	v4 =	vld [tilespmem:s22+$0x70]  }
0x263: {  	v6 =	vld [tilespmem:s22+$0xB0]  }
0x264: {  	v9 =	vld [tilespmem:s22+$0xF0];
	s23 =	sadd.s32 $0xFFFFFFFF, s21;
	p1 =	por $0x0, $0x0  }
0x265: {  	v1 =	vld [tilespmem:s22+$0x10]  }
0x266: {  	v5 =	vld [tilespmem:s22+$0x20]  }
0x267: {  	v7 =	vld [tilespmem:s22+$0x50]  }
0x268: {  	v8 =	vld [tilespmem:s22+$0x60]  }
0x269: {  	v13 =	vld [tilespmem:s22+$0x80]  }
0x26a: {  	v14 =	vld [tilespmem:s22+$0x90]  }
0x26b: {  	v15 =	vld [tilespmem:s22+$0xA0]  }
0x26c: {  	v16 =	vld [tilespmem:s22+$0xC0]  }
0x26d: {  	v17 =	vld [tilespmem:s22+$0xE0]  }
0x26e: {  	v3 =	vadd.f32 v4, v3;
	v4 =	vadd.f32 v9, v6;
	v9 =	vld [tilespmem:s22+$0xD0]  }
0x26f: {  	v2 =	vld [tilespmem:s22+$0x40];
	p2 =	sne.s32 s23, $0x1  }
.Ltmp43:
0x270: {  	v12 =	vld [tilespmem:s22+$0x0];
	s22 =	sadd.s32 $0x100, s22;
	v10 =	vadd.f32 v7, v1;
	(pc) =	sbr.rel @!p2 .LBB2_61-.Ltmp43, $4  }
0x271: {  	v11 =	vadd.f32 v8, v5;
	v6 =	vld [tilespmem:s22+$0xB0];
	v3 =	vadd.f32 v4, v3  }
0x272: {  	v13 =	vadd.f32 v16, v13;
	v15 =	vadd.f32 v17, v15;
	v4 =	vld [tilespmem:s22+$0x70]  }
0x273: {  	v1 =	vadd.f32 v3, v0;
	v3 =	vld [tilespmem:s22+$0x30];
	v14 =	vadd.f32 v9, v14  }
0x274: {  	s23 =	sadd.s32 $0xFFFFFFFF, s23;
	p1 =	por $0x1, $0x1;
	v5 =	vimm.f32 $0.0e+00;
	v7 =	vimm.f32 $0.0e+00;
	v8 =	vimm.f32 $0.0e+00;
	v9 =	vld [tilespmem:s22+$0xF0]  }
.LBB2_62:
0x275: {  	p2 =	sne.s32 s23, $0x1;
	v16 =	vld [tilespmem:s22+$0x10];
	v12 =	vadd.f32 v2, v12;
	v10 =	vadd.f32 v14, v10  }
0x276: {  	v14 =	vld [tilespmem:s22+$0x20];
	v11 =	vadd.f32 v15, v11  }
0x277: {  	v2 =	vld [tilespmem:s22+$0x40];
	v12 =	vadd.f32 v13, v12;
	v5 =	vadd.f32 v10, v5  }
0x278: {  	v10 =	vld [tilespmem:s22+$0x50];
	v7 =	vadd.f32 v11, v7  }
0x279: {  	v3 =	vadd.f32 v4, v3;
	v11 =	vld [tilespmem:s22+$0x60];
	v4 =	vadd.f32 v9, v6  }
0x27a: {  	v8 =	vadd.f32 v12, v8;
	v6 =	vld [tilespmem:s22+$0x80]  }
0x27b: {  	v9 =	vld [tilespmem:s22+$0x90];
	v3 =	vadd.f32 v4, v3  }
0x27c: {  	v15 =	vld [tilespmem:s22+$0xA0]  }
0x27d: {  	v13 =	vld [tilespmem:s22+$0xC0];
	v10 =	vadd.f32 v10, v16;
	v1 =	vadd.f32 v3, v1  }
0x27e: {  	v16 =	vld [tilespmem:s22+$0xD0];
	v11 =	vadd.f32 v11, v14  }
0x27f: {  	v17 =	vld [tilespmem:s22+$0xE0]  }
.Ltmp44:
0x280: {  	v12 =	vld [tilespmem:s22+$0x0];
	s22 =	sadd.s32 $0x100, s22;
	(pc) =	sbr.rel @p2 .LBB2_62-.Ltmp44, $4  }
0x281: {  	v3 =	vld [tilespmem:s22+$0x30]  }
0x282: {  	v4 =	vld [tilespmem:s22+$0x70];
	v13 =	vadd.f32 v13, v6  }
0x283: {  	v6 =	vld [tilespmem:s22+$0xB0];
	v14 =	vadd.f32 v16, v9  }
0x284: {  	s23 =	sadd.s32 $0xFFFFFFFF, s23;
	v9 =	vld [tilespmem:s22+$0xF0];
	v15 =	vadd.f32 v17, v15  }
.LBB2_63:
0x285: {  	v16 =	vld [tilespmem:s22+$0x10]  }
0x286: {  	v17 =	vld [tilespmem:s22+$0x20]  }
0x287: {  	v18 =	vld [tilespmem:s22+$0x40]  }
0x288: {  	v19 =	vld [tilespmem:s22+$0x50]  }
0x289: {  	v20 =	vld [tilespmem:s22+$0x60]  }
0x28a: {  	v21 =	vld [tilespmem:s22+$0x80]  }
0x28b: {  	v22 =	vld [tilespmem:s22+$0x90]  }
0x28c: {  	v56 =	vld [tilespmem:s22+$0xC0]  }
0x28d: {  	v2 =	vadd.f32 @p1 v2, v12;
	v57 =	vld [tilespmem:s22+$0xD0]  }
0x28e: {  	v10 =	vadd.f32 @p1 v14, v10;
	v59 =	vld [tilespmem:s22+$0x0];
	v11 =	vadd.f32 @p1 v15, v11  }
0x28f: {  	v23 =	vld [tilespmem:s22+$0xA0];
	v2 =	vadd.f32 @p1 v13, v2;
	v3 =	vadd.f32 v4, v3  }
0x290: {  	v58 =	vld [tilespmem:s22+$0xE0];
	v5 =	vadd.f32 @p1 v10, v5;
	v7 =	vadd.f32 @p1 v11, v7  }
0x291: {  	v4 =	vadd.f32 v9, v6;
	v2 =	vadd.f32 @p1 v2, v8  }
0x292: {  	v60 =	vadd.f32 v20, v17;
	v61 =	vadd.f32 v56, v21  }
0x293: {  	v62 =	vadd.f32 v57, v22;
	v6 =	vadd.f32 v18, v59  }
0x294: {  	v3 =	vadd.f32 v4, v3;
	v4 =	vadd.f32 v19, v16  }
.Ltmp45:
0x295: {  	v63 =	vadd.f32 v58, v23;
	v6 =	vadd.f32 v61, v6;
	(pc) =	sbr.rel .LBB2_64-.Ltmp45, $4  }
0x296: {  	v7 =	vpsel p1, v7, v0;
	v1 =	vadd.f32 v3, v1;
	v3 =	vadd.f32 v62, v4  }
0x297: {  	v4 =	vpsel p1, v5, v0;
	v5 =	vadd.f32 v63, v60;
	v0 =	vpsel p1, v2, v0  }
0x298: {  	v0 =	vadd.f32 v6, v0  }
0x299: {  	v2 =	vadd.f32 v3, v4;
	v3 =	vadd.f32 v5, v7  }
.LBB2_57:
0x29a: {  	v2 =	vimm.f32 $0.0e+00;
	v3 =	vimm.f32 $0.0e+00;
	v1 =	vimm.f32 $0.0e+00  }
.LBB2_64:
0x29b: {  	s22 =	sshll.u32 s21, $0x2  }
0x29c: {  	s26 =	sshll.u32 s21, $0xA;
	p4 =	sgt.s32 s20, $0x1;
	p3 =	slt.s32 s22, s20  }
0x29d: {  	s21 =	sshra.s32 s26, $0x2;
	s23 =	sor.u32 $0x1, s22;
	s22 =	sor.u32 $0x2, s22  }
0x29e: {  	p2 =	slt.s32 s23, s20;
	p1 =	slt.s32 s22, s20;
	s20 =	simm.s32 @!p4 $0x1;
	v4 =	vld [tilespmem:s21+$0xCA90]  }
0x29f: {  	v5 =	vld [tilespmem:s21+$0xCAA0];
	v6 =	vmov s20  }
0x2a0: {  	v7 =	vld [tilespmem:s21+$0xCAB0];
	s28 =	sshll.u32 s23, $0x8;
	v6 =	vcvt.s32.f32 v6  }
0x2a1: {  	v8 =	vld [tilespmem:s21+$0xCAC0];
	s20 =	sshra.s32 s28, $0x2  }
0x2a2: {  	v9 =	vld [tilespmem:s20+$0xCA90];
	v6 =	vbroadcast v6, $0x0  }
0x2a3: {  	v10 =	vld [tilespmem:s20+$0xCAA0]  }
0x2a4: {  	s29 =	sshll.u32 s22, $0x8;
	v11 =	vld [tilespmem:s20+$0xCAB0];
	(erf) = vrcp.f32 v6  }
0x2a5: {  	s30 =	sshra.s32 s29, $0x2;
	v52 =	vld [tilespmem:s20+$0xCAC0]  }
0x2a6: {  	v12 =	vld [tilespmem:s30+$0xCA90]  }
0x2a7: {  	v13 =	vld [tilespmem:s30+$0xCAA0];
	v4 =	vpsel !p3, $0x0, v4;
	v5 =	vpsel !p3, $0x0, v5;
	v7 =	vpsel !p3, $0x0, v7  }
0x2a8: {  	v53 =	vld [tilespmem:s30+$0xCAB0];
	v8 =	vpsel !p3, $0x0, v8;
	v0 =	vadd.f32 v4, v0;
	v2 =	vadd.f32 v5, v2  }
0x2a9: {  	v55 =	vld [tilespmem:s30+$0xCAC0];
	v3 =	vadd.f32 v7, v3;
	v1 =	vadd.f32 v8, v1;
	v54 =	vpsel !p2, $0x0, v9  }
0x2aa: {  	v56 =	vpsel !p2, $0x0, v10;
	v57 =	vpsel !p2, $0x0, v11;
	v0 =	vadd.f32 v54, v0  }
0x2ab: {  	v58 =	vpsel !p1, $0x0, v12;
	v59 =	vpsel !p2, $0x0, v52;
	v2 =	vadd.f32 v56, v2  }
0x2ac: {  	v60 =	vpsel !p1, $0x0, v13;
	v3 =	vadd.f32 v57, v3;
	v0 =	vadd.f32 v58, v0  }
0x2ad: {  	s31 =	sor.u32 $0x2, s18;
	v4 =	vpsel !p1, $0x0, v53;
	v1 =	vadd.f32 v59, v1;
	v2 =	vadd.f32 v60, v2;
	v61 =	vpop (erf)  }
0x2ae: {  	s20 =	sshll.u32 s31, $0x6;
	v62 =	vpsel !p1, $0x0, v55;
	v3 =	vadd.f32 v4, v3;
	v0 =	vmul.f32 v0, v61  }
0x2af: {  	s20 =	sand.u32 $0x3FFFFFC0, s20;
	v1 =	vadd.f32 v62, v1;
	v2 =	vmul.f32 v2, v61  }
0x2b0: {  	v63 =	vmul.f32 v3, v61;
	[tilespmem:s20+$0x13090] =	vst v0  }
0x2b1: {  	v1 =	vmul.f32 v1, v61;
	[tilespmem:s20+$0x130A0] =	vst v2  }
0x2b2: {  	[tilespmem:s20+$0x130B0] =	vst v63  }
0x2b3: {  	[tilespmem:s20+$0x130C0] =	vst v1;
	s20 =	sadd.s32 $0x6, s18  }
0x2b4: {  	v0 =	vld @!p0 [tilespmem:s20+$0x6400];
	_ =	sdelay $0x4  }
0x2b5: {  	(v2sf) =	vpush @!p0 v0, $0x0;
	_ =	sdelay $0xe  }
0x2b6: {  	s22 =	spop @!p0 (v2sf)  }
0x2b7: {  	s21 =	sadd.s32 @!p0 $0x1F, s22  }
0x2b8: {  	p1 =	slt.s32 @!p0 s21, $0x20  }
0x2b9: {  	p1 =	por p0, p1  }
0x2ba: {  	s20 =	smul.u32 @!p1 $0x320, s20  }
0x2bb: {  	s23 =	simm.s32 @!p1 $0x20  }
0x2bc: {  	s24 =	simm.s32 @!p1 $0xCA90;
	p2 =	slt.s32 @!p1 s22, $0x21;
	s20 =	sshra.s32 @!p1 s20, $0x2  }
0x2bd: {  	[tilespmem:s24], [sflag:$0x3] =	stream.indirect.gather @!p1 [hbm4b:s3+s23], $0x40, s20, s23, $0xb8;
	[tilespmem:$0x15090] =	vst v63  }
0x2be: {  	p1 =	por p1, p2  }
0x2bf: {  	s23 =	sadd.s32 @!p1 $0x20, s20  }
0x2c0: {  	s24 =	simm.s32 @!p1 $0x20;
	s25 =	simm.s32 @!p1 $0xD290;
	p2 =	slt.s32 @!p1 s22, $0x41  }
0x2c1: {  	[tilespmem:s25], [sflag:$0x3] =	stream.indirect.gather @!p1 [hbm4b:s3+s24], $0x40, s23, s24, $0xb8;
	[tilespmem:$0x15090] =	vst v63  }
0x2c2: {  	p1 =	por p1, p2  }
0x2c3: {  	s23 =	sadd.s32 @!p1 $0x40, s20  }
0x2c4: {  	s24 =	simm.s32 @!p1 $0x20;
	s25 =	simm.s32 @!p1 $0xDA90;
	p2 =	slt.s32 @!p1 s22, $0x61  }
0x2c5: {  	[tilespmem:s25], [sflag:$0x3] =	stream.indirect.gather @!p1 [hbm4b:s3+s24], $0x40, s23, s24, $0xb8;
	[tilespmem:$0x15090] =	vst v63  }
0x2c6: {  	p1 =	por p1, p2  }
0x2c7: {  	s23 =	sadd.s32 @!p1 $0x60, s20  }
0x2c8: {  	s24 =	simm.s32 @!p1 $0x20;
	s25 =	simm.s32 @!p1 $0xE290;
	p2 =	slt.s32 @!p1 s22, $0x81  }
0x2c9: {  	[tilespmem:s25], [sflag:$0x3] =	stream.indirect.gather @!p1 [hbm4b:s3+s24], $0x40, s23, s24, $0xb8;
	[tilespmem:$0x15090] =	vst v63  }
0x2ca: {  	p1 =	por p1, p2  }
0x2cb: {  	s23 =	sadd.s32 @!p1 $0x80, s20  }
0x2cc: {  	s24 =	simm.s32 @!p1 $0x20;
	s25 =	simm.s32 @!p1 $0xEA90;
	p2 =	slt.s32 @!p1 s22, $0xA1  }
0x2cd: {  	[tilespmem:s25], [sflag:$0x3] =	stream.indirect.gather @!p1 [hbm4b:s3+s24], $0x40, s23, s24, $0xb8;
	[tilespmem:$0x15090] =	vst v63  }
0x2ce: {  	p1 =	por p1, p2  }
0x2cf: {  	s23 =	sadd.s32 @!p1 $0xA0, s20  }
0x2d0: {  	s24 =	simm.s32 @!p1 $0x20;
	s25 =	simm.s32 @!p1 $0xF290;
	p2 =	slt.s32 @!p1 s22, $0xC1  }
0x2d1: {  	[tilespmem:s25], [sflag:$0x3] =	stream.indirect.gather @!p1 [hbm4b:s3+s24], $0x40, s23, s24, $0xb8;
	[tilespmem:$0x15090] =	vst v63  }
0x2d2: {  	p1 =	por p1, p2  }
.Ltmp46:
0x2d3: {  	_ = 	snop;
	(pc) =	sbr.rel @p1 .LBB2_68-.Ltmp46, $1  }
0x2d4: {  	_ =	sdelay $0x3  }
0x2d5: {  	s22 =	sshra.s32 @!p0 s21, $0x1F  }
0x2d6: {  	s22 =	sshrl.u32 @!p0 s22, $0x1B  }
0x2d7: {  	s21 =	sadd.s32 @!p0 s22, s21  }
0x2d8: {  	s21 =	sshra.s32 @!p0 s21, $0x5  }
0x2d9: {  	p1 =	por $0x0, $0x0;
	s22 =	simm.s32 $0xC0;
	s21 =	sadd.s32 $0xFFFFFFFA, s21  }
0x2da: {  	s22 =	simm.s32 @!p1 $0xA8;
	p1 =	sne.s32 s21, $0x1  }
.Ltmp47:
0x2db: {  	_ = 	snop;
	(pc) =	sbr.rel @!p1 .LBB2_67-.Ltmp47, $4  }
0x2dc: {  	_ = 	snop  }
0x2dd: {  	s23 =	sshll.u32 s22, $0x8  }
0x2de: {  	s24 =	sadd.s32 s22, s20;
	s23 =	sshra.s32 s23, $0x2  }
0x2df: {  	s22 =	simm.s32 $0xE0;
	s21 =	sadd.s32 $0xFFFFFFFF, s21;
	s23 =	sadd.s32 $0xCA90, s23  }
.LBB2_66:
0x2e0: {  	[tilespmem:s23], [sflag:$0x3] =	stream.indirect.gather [hbm4b:s3+s15], $0x40, s24, s15, $0xb8;
	[tilespmem:$0x15090] =	vst v63  }
0x2e1: {  	p2 =	sne.s32 s21, $0x1  }
.Ltmp48:
0x2e2: {  	p1 =	slt.s32 s22, $0xA8;
	s24 =	smov.u32 s22;
	(pc) =	sbr.rel @p2 .LBB2_66-.Ltmp48, $4  }
0x2e3: {  	s21 =	sadd.s32 $0xFFFFFFFF, s21;
	s24 =	simm.s32 @!p1 $0xA8  }
0x2e4: {  	s23 =	sshll.u32 s24, $0x8  }
0x2e5: {  	s23 =	sshra.s32 s23, $0x2  }
0x2e6: {  	s22 =	sadd.s32 $0x20, s22;
	s24 =	sadd.s32 s24, s20;
	s23 =	sadd.s32 $0xCA90, s23  }
.LBB2_67:
0x2e7: {  	[tilespmem:s23], [sflag:$0x3] =	stream.indirect.gather [hbm4b:s3+s15], $0x40, s24, s15, $0xb8;
	[tilespmem:$0x15090] =	vst v63  }
.LBB2_68:
0x2e8: {  	v0 =	vld [tilespmem:s18+$0x6403];
	_ =	sdelay $0x4  }
0x2e9: {  	(v2sf) =	vpush v0, $0x0;
	_ =	sdelay $0xe  }
0x2ea: {  	s20 =	spop (v2sf)  }
0x2eb: {  	s21 =	sadd.s32 $0x1F, s20  }
0x2ec: {  	p1 =	slt.s32 s21, $0x20  }
.Ltmp49:
0x2ed: {  	_ = 	snop;
	(pc) =	sbr.rel @p1 .LBB2_72-.Ltmp49, $1  }
0x2ee: {  	_ =	sdelay $0x3  }
0x2ef: {  	s22 =	sshra.s32 s21, $0x1F  }
0x2f0: {  	s22 =	sshrl.u32 s22, $0x1B  }
0x2f1: {  	s31 =	sadd.s32 s22, s21  }
0x2f2: {  	s21 =	sshra.s32 s31, $0x5  }
0x2f3: {  	p1 =	sne.s32 s21, $0x1  }
.Ltmp50:
0x2f4: {  	_ = 	snop;
	(pc) =	sbr.rel @!p1 .LBB2_71-.Ltmp50, $3  }
0x2f5: {  	_ =	sdelay $0x1  }
0x2f6: {  	_ =	swait.ge [sflag:s13], $0x800  }
0x2f7: {  	[sflag:s13] =	ssyncset.done $0x0;
	s21 =	sadd.s32 $0xFFFFFFFF, s21  }
.LBB2_70:
0x2f8: {  	p1 =	sne.s32 s21, $0x1;
	s21 =	sadd.s32 $0xFFFFFFFF, s21;
	[sflag:s13] =	ssyncadd.s32 $0xFFFFF800  }
.Ltmp51:
0x2f9: {  	(pc) =	sbr.rel @p1 .LBB2_70-.Ltmp51, $3  }
0x2fa: {  	_ =	sdelay $0x1  }
0x2fb: {  	_ =	swait.ge [sflag:s13], $0x800  }
0x2fc: {  	[sflag:s13] =	ssyncset.done $0x0  }
.LBB2_71:
0x2fd: {  	[sflag:s13] =	ssyncadd.s32 $0xFFFFF800  }
.LBB2_72:
0x2fe: {  	p1 =	slt.s32 s20, $0x4  }
.Ltmp52:
0x2ff: {  	_ = 	snop;
	(pc) =	sbr.rel @p1 .LBB2_73-.Ltmp52, $4  }
0x300: {  	s21 =	sshra.s32 s20, $0x1F  }
0x301: {  	s21 =	sshrl.u32 s21, $0x1E  }
0x302: {  	s21 =	sadd.s32 s21, s20  }
0x303: {  	v0 =	vimm.f32 $0.0e+00;
	s22 =	simm.s32 $0xFD90;
	s21 =	sshra.s32 s21, $0x2  }
0x304: {  	p2 =	sne.s32 s21, $0x1  }
.Ltmp53:
0x305: {  	_ = 	snop;
	(pc) =	sbr.rel @!p2 .LBB2_75-.Ltmp53, $4  }
0x306: {  	v3 =	vld [tilespmem:s22+$0x30]  }
0x307: {  	v4 =	vld [tilespmem:s22+$0x70]  }
0x308: {  	v6 =	vld [tilespmem:s22+$0xB0]  }
0x309: {  	v9 =	vld [tilespmem:s22+$0xF0];
	s23 =	sadd.s32 $0xFFFFFFFF, s21;
	p1 =	por $0x0, $0x0  }
0x30a: {  	v1 =	vld [tilespmem:s22+$0x10]  }
0x30b: {  	v5 =	vld [tilespmem:s22+$0x20]  }
0x30c: {  	v7 =	vld [tilespmem:s22+$0x50]  }
0x30d: {  	v8 =	vld [tilespmem:s22+$0x60]  }
0x30e: {  	v13 =	vld [tilespmem:s22+$0x80]  }
0x30f: {  	v14 =	vld [tilespmem:s22+$0x90]  }
0x310: {  	v15 =	vld [tilespmem:s22+$0xA0]  }
0x311: {  	v16 =	vld [tilespmem:s22+$0xC0]  }
0x312: {  	v17 =	vld [tilespmem:s22+$0xE0]  }
0x313: {  	v3 =	vadd.f32 v4, v3;
	v4 =	vadd.f32 v9, v6;
	v9 =	vld [tilespmem:s22+$0xD0]  }
0x314: {  	v2 =	vld [tilespmem:s22+$0x40];
	p2 =	sne.s32 s23, $0x1  }
.Ltmp54:
0x315: {  	v12 =	vld [tilespmem:s22+$0x0];
	s22 =	sadd.s32 $0x100, s22;
	v10 =	vadd.f32 v7, v1;
	(pc) =	sbr.rel @!p2 .LBB2_77-.Ltmp54, $4  }
0x316: {  	v11 =	vadd.f32 v8, v5;
	v6 =	vld [tilespmem:s22+$0xB0];
	v3 =	vadd.f32 v4, v3  }
0x317: {  	v13 =	vadd.f32 v16, v13;
	v15 =	vadd.f32 v17, v15;
	v4 =	vld [tilespmem:s22+$0x70]  }
0x318: {  	v1 =	vadd.f32 v3, v0;
	v3 =	vld [tilespmem:s22+$0x30];
	v14 =	vadd.f32 v9, v14  }
0x319: {  	s23 =	sadd.s32 $0xFFFFFFFF, s23;
	p1 =	por $0x1, $0x1;
	v5 =	vimm.f32 $0.0e+00;
	v7 =	vimm.f32 $0.0e+00;
	v8 =	vimm.f32 $0.0e+00;
	v9 =	vld [tilespmem:s22+$0xF0]  }
.LBB2_78:
0x31a: {  	p2 =	sne.s32 s23, $0x1;
	v16 =	vld [tilespmem:s22+$0x10];
	v12 =	vadd.f32 v2, v12;
	v10 =	vadd.f32 v14, v10  }
0x31b: {  	v14 =	vld [tilespmem:s22+$0x20];
	v11 =	vadd.f32 v15, v11  }
0x31c: {  	v2 =	vld [tilespmem:s22+$0x40];
	v12 =	vadd.f32 v13, v12;
	v5 =	vadd.f32 v10, v5  }
0x31d: {  	v10 =	vld [tilespmem:s22+$0x50];
	v7 =	vadd.f32 v11, v7  }
0x31e: {  	v3 =	vadd.f32 v4, v3;
	v11 =	vld [tilespmem:s22+$0x60];
	v4 =	vadd.f32 v9, v6  }
0x31f: {  	v8 =	vadd.f32 v12, v8;
	v6 =	vld [tilespmem:s22+$0x80]  }
0x320: {  	v9 =	vld [tilespmem:s22+$0x90];
	v3 =	vadd.f32 v4, v3  }
0x321: {  	v15 =	vld [tilespmem:s22+$0xA0]  }
0x322: {  	v13 =	vld [tilespmem:s22+$0xC0];
	v10 =	vadd.f32 v10, v16;
	v1 =	vadd.f32 v3, v1  }
0x323: {  	v16 =	vld [tilespmem:s22+$0xD0];
	v11 =	vadd.f32 v11, v14  }
0x324: {  	v17 =	vld [tilespmem:s22+$0xE0]  }
.Ltmp55:
0x325: {  	v12 =	vld [tilespmem:s22+$0x0];
	s22 =	sadd.s32 $0x100, s22;
	(pc) =	sbr.rel @p2 .LBB2_78-.Ltmp55, $4  }
0x326: {  	v3 =	vld [tilespmem:s22+$0x30]  }
0x327: {  	v4 =	vld [tilespmem:s22+$0x70];
	v13 =	vadd.f32 v13, v6  }
0x328: {  	v6 =	vld [tilespmem:s22+$0xB0];
	v14 =	vadd.f32 v16, v9  }
0x329: {  	s23 =	sadd.s32 $0xFFFFFFFF, s23;
	v9 =	vld [tilespmem:s22+$0xF0];
	v15 =	vadd.f32 v17, v15  }
.LBB2_79:
0x32a: {  	v16 =	vld [tilespmem:s22+$0x10]  }
0x32b: {  	v17 =	vld [tilespmem:s22+$0x20]  }
0x32c: {  	v18 =	vld [tilespmem:s22+$0x40]  }
0x32d: {  	v19 =	vld [tilespmem:s22+$0x50]  }
0x32e: {  	v20 =	vld [tilespmem:s22+$0x60]  }
0x32f: {  	v21 =	vld [tilespmem:s22+$0x80]  }
0x330: {  	v22 =	vld [tilespmem:s22+$0x90]  }
0x331: {  	v56 =	vld [tilespmem:s22+$0xC0]  }
0x332: {  	v2 =	vadd.f32 @p1 v2, v12;
	v57 =	vld [tilespmem:s22+$0xD0]  }
0x333: {  	v10 =	vadd.f32 @p1 v14, v10;
	v59 =	vld [tilespmem:s22+$0x0];
	v11 =	vadd.f32 @p1 v15, v11  }
0x334: {  	v23 =	vld [tilespmem:s22+$0xA0];
	v2 =	vadd.f32 @p1 v13, v2;
	v3 =	vadd.f32 v4, v3  }
0x335: {  	v58 =	vld [tilespmem:s22+$0xE0];
	v5 =	vadd.f32 @p1 v10, v5;
	v7 =	vadd.f32 @p1 v11, v7  }
0x336: {  	v4 =	vadd.f32 v9, v6;
	v2 =	vadd.f32 @p1 v2, v8  }
0x337: {  	v60 =	vadd.f32 v20, v17;
	v61 =	vadd.f32 v56, v21  }
0x338: {  	v62 =	vadd.f32 v57, v22;
	v6 =	vadd.f32 v18, v59  }
0x339: {  	v3 =	vadd.f32 v4, v3;
	v4 =	vadd.f32 v19, v16  }
.Ltmp56:
0x33a: {  	v63 =	vadd.f32 v58, v23;
	v6 =	vadd.f32 v61, v6;
	(pc) =	sbr.rel .LBB2_80-.Ltmp56, $4  }
0x33b: {  	v7 =	vpsel p1, v7, v0;
	v1 =	vadd.f32 v3, v1;
	v3 =	vadd.f32 v62, v4  }
0x33c: {  	v4 =	vpsel p1, v5, v0;
	v5 =	vadd.f32 v63, v60;
	v0 =	vpsel p1, v2, v0  }
0x33d: {  	v0 =	vadd.f32 v6, v0  }
0x33e: {  	v3 =	vadd.f32 v3, v4;
	v2 =	vadd.f32 v5, v7  }
.LBB2_73:
0x33f: {  	v3 =	vimm.f32 $0.0e+00;
	v2 =	vimm.f32 $0.0e+00;
	v1 =	vimm.f32 $0.0e+00  }
.LBB2_80:
0x340: {  	s22 =	sshll.u32 s21, $0x2  }
0x341: {  	s28 =	sshll.u32 s21, $0xA;
	p4 =	sgt.s32 s20, $0x1;
	p3 =	slt.s32 s22, s20  }
0x342: {  	s21 =	sshra.s32 s28, $0x2;
	s23 =	sor.u32 $0x1, s22;
	s22 =	sor.u32 $0x2, s22  }
0x343: {  	p2 =	slt.s32 s23, s20;
	p1 =	slt.s32 s22, s20;
	s20 =	simm.s32 @!p4 $0x1;
	v4 =	vld [tilespmem:s21+$0xFD90]  }
0x344: {  	v6 =	vld [tilespmem:s21+$0xFDA0];
	v5 =	vmov s20  }
0x345: {  	v7 =	vld [tilespmem:s21+$0xFDB0];
	s29 =	sshll.u32 s23, $0x8;
	v5 =	vcvt.s32.f32 v5  }
0x346: {  	v8 =	vld [tilespmem:s21+$0xFDC0];
	s20 =	sshra.s32 s29, $0x2  }
0x347: {  	v9 =	vld [tilespmem:s20+$0xFD90];
	v5 =	vbroadcast v5, $0x0  }
0x348: {  	v10 =	vld [tilespmem:s20+$0xFDA0]  }
0x349: {  	s30 =	sshll.u32 s22, $0x8;
	v11 =	vld [tilespmem:s20+$0xFDB0];
	(erf) = vrcp.f32 v5  }
0x34a: {  	s31 =	sshra.s32 s30, $0x2;
	v53 =	vld [tilespmem:s20+$0xFDC0]  }
0x34b: {  	v12 =	vld [tilespmem:s31+$0xFD90]  }
0x34c: {  	v13 =	vld [tilespmem:s31+$0xFDA0];
	v4 =	vpsel !p3, $0x0, v4;
	v6 =	vpsel !p3, $0x0, v6;
	v7 =	vpsel !p3, $0x0, v7  }
0x34d: {  	v54 =	vld [tilespmem:s31+$0xFDB0];
	v8 =	vpsel !p3, $0x0, v8;
	v0 =	vadd.f32 v4, v0;
	v3 =	vadd.f32 v6, v3  }
0x34e: {  	v58 =	vld [tilespmem:s31+$0xFDC0];
	v2 =	vadd.f32 v7, v2;
	v1 =	vadd.f32 v8, v1;
	v55 =	vpsel !p2, $0x0, v9  }
0x34f: {  	v56 =	vpsel !p2, $0x0, v10;
	v57 =	vpsel !p2, $0x0, v11;
	v0 =	vadd.f32 v55, v0  }
0x350: {  	v5 =	vpsel !p2, $0x0, v53;
	v59 =	vpsel !p1, $0x0, v12;
	v3 =	vadd.f32 v56, v3  }
0x351: {  	v60 =	vpsel !p1, $0x0, v13;
	v2 =	vadd.f32 v57, v2;
	v0 =	vadd.f32 v59, v0  }
0x352: {  	v4 =	vpsel !p1, $0x0, v54;
	v1 =	vadd.f32 v5, v1;
	v3 =	vadd.f32 v60, v3;
	v61 =	vpop (erf)  }
0x353: {  	v62 =	vpsel !p1, $0x0, v58;
	v2 =	vadd.f32 v4, v2;
	v0 =	vmul.f32 v0, v61  }
.Ltmp57:
0x354: {  	v1 =	vadd.f32 v62, v1;
	v3 =	vmul.f32 v3, v61;
	(pc) =	sbr.rel @p0 .LBB2_86-.Ltmp57, $4  }
0x355: {  	v63 =	vmul.f32 v2, v61;
	[tilespmem:s19+$0x13150] =	vst v0  }
0x356: {  	v1 =	vmul.f32 v1, v61;
	[tilespmem:s19+$0x13160] =	vst v3  }
0x357: {  	[tilespmem:s19+$0x13170] =	vst v63  }
0x358: {  	[tilespmem:s19+$0x13180] =	vst v1  }
0x359: {  	s18 =	sadd.s32 $0x7, s18  }
0x35a: {  	v0 =	vld [tilespmem:s18+$0x6400];
	_ =	sdelay $0x4  }
0x35b: {  	(v2sf) =	vpush v0, $0x0;
	_ =	sdelay $0xe  }
0x35c: {  	s20 =	spop (v2sf)  }
0x35d: {  	s19 =	sadd.s32 $0x1F, s20  }
0x35e: {  	p0 =	slt.s32 s19, $0x20  }
0x35f: {  	s18 =	smul.u32 @!p0 $0x320, s18  }
0x360: {  	s21 =	simm.s32 @!p0 $0x20  }
0x361: {  	s22 =	simm.s32 @!p0 $0xFD90;
	p1 =	slt.s32 @!p0 s20, $0x21;
	s18 =	sshra.s32 @!p0 s18, $0x2  }
0x362: {  	[tilespmem:s22], [sflag:$0x4] =	stream.indirect.gather @!p0 [hbm4b:s3+s21], $0x40, s18, s21, $0xb8;
	[tilespmem:$0x15090] =	vst v63  }
0x363: {  	p0 =	por p0, p1  }
0x364: {  	s21 =	sadd.s32 @!p0 $0x20, s18  }
0x365: {  	s22 =	simm.s32 @!p0 $0x20;
	s23 =	simm.s32 @!p0 $0x10590;
	p1 =	slt.s32 @!p0 s20, $0x41  }
0x366: {  	[tilespmem:s23], [sflag:$0x4] =	stream.indirect.gather @!p0 [hbm4b:s3+s22], $0x40, s21, s22, $0xb8;
	[tilespmem:$0x15090] =	vst v63  }
0x367: {  	p0 =	por p0, p1  }
0x368: {  	s21 =	sadd.s32 @!p0 $0x40, s18  }
0x369: {  	s22 =	simm.s32 @!p0 $0x20;
	s23 =	simm.s32 @!p0 $0x10D90;
	p1 =	slt.s32 @!p0 s20, $0x61  }
0x36a: {  	[tilespmem:s23], [sflag:$0x4] =	stream.indirect.gather @!p0 [hbm4b:s3+s22], $0x40, s21, s22, $0xb8;
	[tilespmem:$0x15090] =	vst v63  }
0x36b: {  	p0 =	por p0, p1  }
0x36c: {  	s21 =	sadd.s32 @!p0 $0x60, s18  }
0x36d: {  	s22 =	simm.s32 @!p0 $0x20;
	s23 =	simm.s32 @!p0 $0x11590;
	p1 =	slt.s32 @!p0 s20, $0x81  }
0x36e: {  	[tilespmem:s23], [sflag:$0x4] =	stream.indirect.gather @!p0 [hbm4b:s3+s22], $0x40, s21, s22, $0xb8;
	[tilespmem:$0x15090] =	vst v63  }
0x36f: {  	p0 =	por p0, p1  }
0x370: {  	s21 =	sadd.s32 @!p0 $0x80, s18  }
0x371: {  	s22 =	simm.s32 @!p0 $0x20;
	s23 =	simm.s32 @!p0 $0x11D90;
	p1 =	slt.s32 @!p0 s20, $0xA1  }
0x372: {  	[tilespmem:s23], [sflag:$0x4] =	stream.indirect.gather @!p0 [hbm4b:s3+s22], $0x40, s21, s22, $0xb8;
	[tilespmem:$0x15090] =	vst v63  }
0x373: {  	p0 =	por p0, p1  }
0x374: {  	s21 =	sadd.s32 @!p0 $0xA0, s18  }
0x375: {  	s22 =	simm.s32 @!p0 $0x20;
	s23 =	simm.s32 @!p0 $0x12590;
	p1 =	slt.s32 @!p0 s20, $0xC1  }
0x376: {  	[tilespmem:s23], [sflag:$0x4] =	stream.indirect.gather @!p0 [hbm4b:s3+s22], $0x40, s21, s22, $0xb8;
	[tilespmem:$0x15090] =	vst v63  }
0x377: {  	p0 =	por p0, p1  }
.Ltmp58:
0x378: {  	_ = 	snop;
	(pc) =	sbr.rel @p0 .LBB2_85-.Ltmp58, $1  }
0x379: {  	_ =	sdelay $0x3  }
0x37a: {  	s20 =	sshra.s32 s19, $0x1F  }
0x37b: {  	s20 =	sshrl.u32 s20, $0x1B  }
0x37c: {  	s31 =	sadd.s32 s20, s19  }
0x37d: {  	s19 =	sshra.s32 s31, $0x5  }
0x37e: {  	p0 =	por $0x0, $0x0;
	s20 =	simm.s32 $0xC0;
	s19 =	sadd.s32 $0xFFFFFFFA, s19  }
0x37f: {  	s20 =	simm.s32 @!p0 $0xA8;
	p0 =	sne.s32 s19, $0x1  }
.Ltmp59:
0x380: {  	_ = 	snop;
	(pc) =	sbr.rel @!p0 .LBB2_84-.Ltmp59, $4  }
0x381: {  	_ = 	snop  }
0x382: {  	s21 =	sshll.u32 s20, $0x8  }
0x383: {  	s22 =	sadd.s32 s20, s18;
	s21 =	sshra.s32 s21, $0x2  }
0x384: {  	s20 =	simm.s32 $0xE0;
	s19 =	sadd.s32 $0xFFFFFFFF, s19;
	s21 =	sadd.s32 $0xFD90, s21  }
.LBB2_83:
0x385: {  	[tilespmem:s21], [sflag:$0x4] =	stream.indirect.gather [hbm4b:s3+s15], $0x40, s22, s15, $0xb8;
	[tilespmem:$0x15090] =	vst v63  }
0x386: {  	p1 =	sne.s32 s19, $0x1  }
.Ltmp60:
0x387: {  	p0 =	slt.s32 s20, $0xA8;
	s22 =	smov.u32 s20;
	(pc) =	sbr.rel @p1 .LBB2_83-.Ltmp60, $4  }
0x388: {  	s19 =	sadd.s32 $0xFFFFFFFF, s19;
	s22 =	simm.s32 @!p0 $0xA8  }
0x389: {  	s21 =	sshll.u32 s22, $0x8  }
0x38a: {  	s21 =	sshra.s32 s21, $0x2  }
0x38b: {  	s20 =	sadd.s32 $0x20, s20;
	s22 =	sadd.s32 s22, s18;
	s21 =	sadd.s32 $0xFD90, s21  }
.Ltmp61:
0x38c: {  	_ = 	snop;
	(pc) =	sbr.rel .LBB2_84-.Ltmp61, $1  }
0x38d: {  	_ =	sdelay $0x3  }
.LBB2_27:
.Ltmp62:
0x38e: {  	(pc) =	sbr.rel .LBB2_31-.Ltmp62, $3  }
0x38f: {  	_ =	sdelay $0x1  }
0x390: {  	v5 =	vimm.f32 $0.0e+00  }
0x391: {  	v7 =	vimm.f32 $0.0e+00;
	v8 =	vimm.f32 $0.0e+00;
	v1 =	vimm.f32 $0.0e+00  }
.LBB2_43:
.Ltmp63:
0x392: {  	(pc) =	sbr.rel .LBB2_47-.Ltmp63, $3  }
0x393: {  	_ =	sdelay $0x1  }
0x394: {  	v5 =	vimm.f32 $0.0e+00  }
0x395: {  	v7 =	vimm.f32 $0.0e+00;
	v8 =	vimm.f32 $0.0e+00;
	v1 =	vimm.f32 $0.0e+00  }
.LBB2_59:
.Ltmp64:
0x396: {  	(pc) =	sbr.rel .LBB2_63-.Ltmp64, $3  }
0x397: {  	_ =	sdelay $0x1  }
0x398: {  	v5 =	vimm.f32 $0.0e+00  }
0x399: {  	v7 =	vimm.f32 $0.0e+00;
	v8 =	vimm.f32 $0.0e+00;
	v1 =	vimm.f32 $0.0e+00  }
.LBB2_75:
.Ltmp65:
0x39a: {  	(pc) =	sbr.rel .LBB2_79-.Ltmp65, $3  }
0x39b: {  	_ =	sdelay $0x1  }
0x39c: {  	v5 =	vimm.f32 $0.0e+00  }
0x39d: {  	v7 =	vimm.f32 $0.0e+00;
	v8 =	vimm.f32 $0.0e+00;
	v1 =	vimm.f32 $0.0e+00  }
.LBB2_29:
.Ltmp66:
0x39e: {  	(pc) =	sbr.rel .LBB2_31-.Ltmp66, $2  }
0x39f: {  	_ =	sdelay $0x2  }
0x3a0: {  	v5 =	vimm.f32 $0.0e+00;
	v7 =	vimm.f32 $0.0e+00;
	v8 =	vimm.f32 $0.0e+00  }
.LBB2_45:
.Ltmp67:
0x3a1: {  	(pc) =	sbr.rel .LBB2_47-.Ltmp67, $2  }
0x3a2: {  	_ =	sdelay $0x2  }
0x3a3: {  	v5 =	vimm.f32 $0.0e+00;
	v7 =	vimm.f32 $0.0e+00;
	v8 =	vimm.f32 $0.0e+00  }
.LBB2_61:
.Ltmp68:
0x3a4: {  	(pc) =	sbr.rel .LBB2_63-.Ltmp68, $2  }
0x3a5: {  	_ =	sdelay $0x2  }
0x3a6: {  	v5 =	vimm.f32 $0.0e+00;
	v7 =	vimm.f32 $0.0e+00;
	v8 =	vimm.f32 $0.0e+00  }
.LBB2_77:
.Ltmp69:
0x3a7: {  	(pc) =	sbr.rel .LBB2_79-.Ltmp69, $2  }
0x3a8: {  	_ =	sdelay $0x2  }
0x3a9: {  	v5 =	vimm.f32 $0.0e+00;
	v7 =	vimm.f32 $0.0e+00;
	v8 =	vimm.f32 $0.0e+00  }
.LBB2_87:
0x3aa: {  	_ =	sfence.sel $0x180000  }
0x3ab: {  	[bflag:$0x0] =	sbarrier.arrive $0xFFFF  }
0x3ac: {  	p0 =	sne.s32 s0, $0x0;
	_ =	strace $0x9000004A  }
0x3ad: {  	s0 =	sadd.s32 @!p0 $0x100000, s1;
	[bflag:$0x2] =	sbarrier.arrive $0xFFFF  }
0x3ae: {  	[sflag:s0] =	ssyncadd.tile.s32 @!p0 $0x1;
	_ =	shalt  }
.Lfunc_end2:
_tile_overlayer_lowered:
.L_overlay_start_2:
0x3af: {  	(tag) =	ssettag $0x2  }
0x3b0: {  	s0 =	rddreg [dreg:$0x0];
	s2 =	stileid.u32  }
0x3b1: {  	s1 =	rddreg [dreg:$0x1];
	p0 =	sne.s32 s2, $0x0  }
0x3b2: {  	s3 =	rddreg [dreg:$0x2];
	[bflag:$0x3] =	sbarrier.arrive $0xFFFF;
	s2 =	simm.s32 @!p0 $0x1C05  }
0x3b3: {  	[timem:s3], [sflag:s2] =	dma.local @!p0 [hbm:s0], s1  }
0x3b4: {  	s0 =	simm.s32 @!p0 $0x5  }
0x3b5: {  	_ =	swait.ge @!p0 [sflag:s0], s1  }
0x3b6: {  	s1 =	ssub.s32 @!p0 $0x0, s1;
	[sflag:s0] =	ssyncset.done @!p0 $0x0  }
0x3b7: {  	[sflag:s0] =	ssyncadd.s32 @!p0 s1  }
0x3b8: {  	[bflag:$0x3] =	sbarrier.arrive $0xFFFF  }
0x3b9: {  	_ =	shalt  }

// kernel: sparse-core-data-format-call.cloned.1.call-start
scs
called_computation_lowered:
.L_overlay_start_0:
0x0: {  	s2 =	sld [smem:$0x3FD9]  }
0x1: {  	s3 =	sld [smem:$0x3FFE];
	_ =	sdelay $0x1  }
0x2: {  	s1 =	srdreg.scid  }
0x3: {  	s0 =	sand.u32 $0x1, s1  }
0x4: {  	s18 =	sshll.u32 s0, $0xA;
	s2 =	sadd.s32 s3, s2  }
0x5: {  	s2 =	sadd.s32 s2, s18  }
0x6: {  	[smem:$0x3FC5] =	sst s2  }
0x7: {  	_ = 	snop  }
0x8: {  	s2 =	sld [smem:$0x3FC7];
	(tm) =	ssettm $0x1  }
0x9: {  	s19 =	sld [smem:$0x3FFB];
	_ =	sdelay $0x3  }
0xa: {  	_ =	strace s19  }
0xb: {  	s3 =	sld [smem:$0x3FFC];
	_ =	sdelay $0x3  }
0xc: {  	_ =	strace s3  }
0xd: {  	s3 =	sld [smem:$0x3FFD];
	_ =	sdelay $0x3  }
0xe: {  	_ =	strace s3  }
0xf: {  	_ =	strace $0x8FFFFFFF  }
0x10: {  	s20 =	sld [smem:$0x3FDB];
	_ =	sdelay $0x1  }
0x11: {  	s4 =	simm.s32 $_scs_section_size  }
0x12: {  	s5 =	simm.s32 $_size__tile_overlayer_lowered;
	s6 =	simm.s32 $_tile_overlayer_lowered  }
0x13: {  	s23 =	simm.s32 $0x1BFF;
	s22 =	sshll.u32 s6, $0x1;
	s3 =	sadd.s32 s4, s20  }
0x14: {  	s7 =	simm.s32 $0x0;
	s21 =	sshll.u32 s5, $0x1;
	s5 =	sadd.s32 s22, s3  }
0x15: {  	[timem:s7], [sflag:s23] =	dma.local [hbm:s5], s21  }
0x16: {  	_ =	swait.ge [sflag:s23], s21  }
0x17: {  	s4 =	ssub.s32 $0x0, s21;
	[sflag:s23] =	ssyncset.done $0x0  }
0x18: {  	[sflag:s23] =	ssyncadd.s32 s4;
	_ =	sdelay $0x1  }
0x19: {  	s24 =	simm.s32 $0x1B8B  }
0x1a: {  	_ =	swait.ge [sflag:s24], $0x1  }
0x1b: {  	[sflag:s24] =	ssyncset.done $0x0  }
0x1c: {  	s26 =	simm.s32 $0x1B8E;
	s25 =	sld [smem:$0x3FFE];
	[sflag:s24] =	ssyncadd.s32 $0xFFFFFFFF  }
0x1d: {  	s27 =	simm.s32 $execute0_lowered;
	[smem:$0x3FD2] =	sst s26  }
0x1e: {  	s5 =	sshll.u32 s27, $0x1;
	_ =	strace $0x80000046;
	[dreg:$0x1] =	wrdreg $0xFFFFFFFF  }
0x1f: {  	s28 =	simm.s32 $_size_execute0_lowered;
	s3 =	sadd.s32 s3, s5;
	[dreg:$0x0] =	wrdreg $0x0  }
0x20: {  	s5 =	sshll.u32 s28, $0x1;
	[dreg:$0x2] =	wrdreg s3  }
0x21: {  	[dreg:$0x3] =	wrdreg s5  }
0x22: {  	[dreg:$0x4] =	wrdreg $0xC0  }
0x23: {  	_ =	task [dreg:s7], $0x5FFFF  }
0x24: {  	[dreg:$0x1] =	wrdreg $0xFFFFFFFF  }
0x25: {  	[dreg:$0x0] =	wrdreg $0x60  }
0x26: {  	[dreg:$0x2] =	wrdreg s2  }
0x27: {  	[dreg:$0x3] =	wrdreg s25  }
0x28: {  	[dreg:$0x4] =	wrdreg $0x9  }
0x29: {  	_ =	task.clear_ibuf [dreg:s7], $0x5FFFF;
	_ =	strace $0x90000046  }
0x2a: {  	s29 =	simm.s32 $0x9;
	_ =	strace $0x80000048  }
0x2b: {  	_ =	swait.ge [sflag:s29], $0x1  }
0x2c: {  	[sflag:s29] =	ssyncadd.s32 $0xFFFFFFFF  }
0x2d: {  	_ =	strace $0x90000048  }
0x2e: {  	_ =	sfence  }
0x2f: {  	s30 =	sld [smem:$0x0];
	_ =	sdelay $0x2  }
0x30: {  	s31 =	sshll.u32 s1, $0xD;
	s1 =	sshrl.u32 s1, $0x2  }
0x31: {  	s3 =	sand.u32 $0x4000, s31;
	s1 =	sadd.s32 s1, s30  }
0x32: {  	s0 =	sor.u32 s3, s0;
	s1 =	sshll.u32 s1, $0x11  }
0x33: {  	s0 =	sor.u32 s1, s0  }
0x34: {  	s0 =	sadd.s32 $0x8F2B, s0  }
0x35: {  	[sflag:s0] =	ssyncadd.remote.s32 $0x1  }
0x36: {  	_ =	sfence.sel $0xFFFF  }
0x37: {  	[dreg:$0x0] =	wrdreg $0xFFFFFFFF;
	(pc) =	sbr.abs _section_cstart, $3  }
0x38: {  	[dreg:$0x1] =	wrdreg $0xFFFFFFFF  }
0x39: {  	_ =	task.clear_ibuf [dreg:s7], $0x2FFFF;
	_ =	strace $0x9FFFFFFF  }
0x3a: {  	(tm) =	ssettm $0x7FFFFFFF  }
0x3b: {  	_ =	shalt  }
tec
execute0_lowered:
.L_overlay_start_1:
0x0: {  	(tag) =	ssettag $0x1  }
0x1: {  	s0 =	srdreg.scid;
	s2 =	rddreg [dreg:$0x0]  }
0x2: {  	s5 =	rddreg [dreg:$0x1];
	s1 =	stileid.u32  }
0x3: {  	s4 =	simm.s32 $0x1;
	s6 =	simm.s32 $0x2;
	s15 =	simm.s32 $0x0  }
0x4: {  	p0 =	por $0x0, $0x0;
	s8 =	simm.s32 $0x80;
	s0 =	sshll.u32 s0, $0x4  }
0x5: {  	s14 =	simm.s32 $0x0;
	s9 =	simm.s32 $0x0;
	s3 =	sand.u32 $0x10, s0  }
.Ltmp0:
0x6: {  	s10 =	simm.s32 $0x0;
	s3 =	sor.u32 s1, s3;
	(pc) =	sbr.rel .LBB1_1-.Ltmp0, $4  }
0x7: {  	s0 =	rddreg [dreg:$0x2];
	_ =	strace $0x80000047;
	s3 =	sshll.u32 s3, $0x7  }
0x8: {  	s12 =	simm.s32 $0x0;
	[sflag:s4] =	ssyncpa.u1 $0x0;
	s7 =	ssub.s32 $0xF4200, s3  }
0x9: {  	s13 =	simm.s32 $0x0;
	[sflag:s6] =	ssyncpa.u1 $0x0;
	s6 =	sshrl.u32 s7, $0xC  }
0xa: {  	s5 =	sadd.s32 $0xA00, s5;
	s11 =	smov.u32 s3;
	s7 =	sadd.s32 $0x2, s6  }
.LBB1_5:
0xb: {  	p1 =	slt.u32 s13, $0x2  }
0xc: {  	s17 =	smov.u32 s15;
	p2 =	sgt.s32 @!p1 s15, $0xF41C0;
	s16 =	sshra.s32 @!p1 s15, $0x1F  }
0xd: {  	p3 =	sgt.s32 @!p1 s14, $0x40;
	s18 =	sshra.s32 @!p1 s14, $0x1F;
	p2 =	por !p2, p1  }
0xe: {  	s15 =	sand.u32 @!p1 s16, s15;
	p3 =	por !p3, p1;
	s16 =	smov.u32 s14  }
0xf: {  	s14 =	sand.u32 @!p1 s18, s14;
	s17 =	simm.s32 @p2 $0xF41C0;
	s16 =	simm.s32 @p3 $0x40  }
0x10: {  	s15 =	ssub.s32 @!p1 s17, s15;
	s14 =	ssub.s32 @!p1 s16, s14  }
0x11: {  	s18 =	smov.u32 s12;
	s16 =	sadd.s32 @!p1 $0xFFF0BE40, s15;
	s17 =	sadd.s32 @!p1 $0xFFFFFFC0, s14  }
0x12: {  	s15 =	ssub.s32 @!p1 $0xF4240, s15;
	p2 =	sgt.s32 @!p1 s16, $0x7F;
	p3 =	sgt.s32 @!p1 s17, $0x3F  }
0x13: {  	s14 =	ssub.s32 @!p1 $0x80, s14;
	p2 =	por !p2, p1;
	p3 =	por !p3, p1  }
0x14: {  	s16 =	sadd.s32 $0x1000, s11;
	s15 =	simm.s32 @!p2 $0x0;
	s14 =	simm.s32 @!p3 $0x0  }
0x15: {  	p2 =	sgt.s32 s16, $0xF423F;
	s14 =	smul.u32 @!p1 s14, s15;
	s15 =	sadd.s32 $0x40, s12  }
0x16: {  	s18 =	smov.u32 @p2 s15  }
0x17: {  	s16 =	smov.u32 @p2 s3;
	p2 =	sgt.s32 s18, $0x3F  }
0x18: {  	s18 =	simm.s32 @p2 $0x0;
	p2 =	sne.s32 s13, s7  }
.Ltmp1:
0x19: {  	p0 =	por !p0, !p0;
	s17 =	simm.s32 @!p1 $0x2;
	(pc) =	sbr.rel @!p2 .LBB1_6-.Ltmp1, $4  }
0x1a: {  	s15 =	smov.u32 s9;
	s9 =	smov.u32 s11;
	s14 =	sand.u32 @!p1 $0x3FFFFFFF, s14  }
0x1b: {  	s11 =	smov.u32 s16;
	_ =	swait.ge @!p1 [sflag:s17], s14;
	s19 =	ssub.s32 @!p1 $0x0, s14  }
0x1c: {  	s14 =	smov.u32 s10;
	s13 =	sadd.s32 $0x1, s13;
	[sflag:s17] =	ssyncset.done @!p1 $0x0  }
0x1d: {  	s10 =	smov.u32 s12;
	s12 =	smov.u32 s18;
	[sflag:s17] =	ssyncadd.s32 @!p1 s19  }
.LBB1_1:
0x1e: {  	p1 =	sgt.u32 s13, s6  }
0x1f: {  	s16 =	sshrl.u32 @!p1 s12, $0x3  }
0x20: {  	s17 =	sshll.u32 @!p1 s11, $0x3;
	s16 =	smul.u32 @!p1 $0x7A1400, s16  }
0x21: {  	s18 =	sshll.u32 @!p1 s12, $0x7;
	s17 =	sand.u32 @!p1 $0xFFFFFC00, s17  }
0x22: {  	s16 =	sadd.s32 @!p1 s16, s17;
	s17 =	sand.u32 @!p1 $0x380, s18  }
0x23: {  	s18 =	sand.u32 @!p1 $0x7F, s11;
	s16 =	sor.u32 @!p1 s17, s16  }
0x24: {  	s17 =	sor.u32 @!p1 s18, s16  }
0x25: {  	s18 =	smulhi.u32 @!p1 $0x218D6287, s17;
	_ =	sdelay $0x1  }
0x26: {  	s16 =	smulhi.u32 @!p1 $0x218D6287, s16;
	s18 =	sshrl.u32 @!p1 s18, $0x11  }
0x27: {  	s18 =	smul.u32 @!p1 $0xF4280, s18  }
0x28: {  	s19 =	sxor.u32 @!p1 $0xFFFFFFFF, s13;
	s16 =	sshrl.u32 @!p1 s16, $0x11  }
0x29: {  	s19 =	sshll.u32 @!p1 s19, $0xD;
	s16 =	sand.u32 @!p1 $0x3F, s16;
	s17 =	ssub.s32 @!p1 s17, s18  }
0x2a: {  	s16 =	smul.u32 @!p1 $0x1E850, s16;
	s18 =	sshrl.u32 @!p1 s17, $0x3;
	s17 =	sand.u32 @!p1 $0x7, s17  }
0x2b: {  	s19 =	sand.u32 @!p1 $0x2000, s19;
	s18 =	sadd.s32 @!p1 s2, s18;
	s17 =	sshll.u32 @!p1 s17, $0x12  }
0x2c: {  	s16 =	sadd.s32 @!p1 s16, s18;
	s17 =	sor.u32 @!p1 $0x400, s17;
	s18 =	simm.s32 @!p1 $0x7A1400  }
0x2d: {  	[tilespmem:s19], [sflag:$0x1] =	stream.strided.gather @!p1 [hbm4b:s16+s17], $0x2000, s18, s17, $0x38;
	[tilespmem:$0x8100] =	vst v63  }
0x2e: {  	p1 =	seq.s32 s13, $0x0  }
0x2f: {  	p2 =	sge.u32 @!p1 s13, s7  }
0x30: {  	p1 =	por p1, p2  }
.Ltmp2:
0x31: {  	_ = 	snop;
	(pc) =	sbr.rel @p1 .LBB1_5-.Ltmp2, $1  }
0x32: {  	_ =	sdelay $0x3  }
0x33: {  	s16 =	simm.s32 $0x1  }
0x34: {  	_ =	swait.ge [sflag:s4], $0x2000;
	s16 =	simm.s32 @!p0 $0x0  }
0x35: {  	[sflag:s4] =	ssyncset.done $0x0;
	s17 =	sshll.u32 s16, $0xD  }
0x36: {  	[sflag:s4] =	ssyncadd.s32 $0xFFFFE000;
	s17 =	sor.u32 $0x40, s17  }
0x37: {  	s16 =	smul.u32 $0x8200, s16;
	v0 =	vld [tilespmem:s17+$0x30]  }
0x38: {  	v1 =	vld [tilespmem:s17+$0xFFFFFFD0]  }
0x39: {  	s16 =	sshrl.u32 s16, $0x2;
	v5 =	vld [tilespmem:s17+$0xFFFFFFE0]  }
0x3a: {  	v6 =	vld [tilespmem:s17+$0xFFFFFFF0];
	s19 =	sor.u32 $0x4000, s16  }
0x3b: {  	s31 =	sand.u32 $0x1, s13;
	v4 =	vld [tilespmem:s17+$0x0];
	s18 =	sadd.s32 $0x0, s19  }
0x3c: {  	v3 =	vld [tilespmem:s17+$0x10];
	s16 =	smul.u32 $0x8200, s31;
	[tilespmem:s18+$0x1C70 ss:$0x41] =	vst.msk $0xffff, v0  }
0x3d: {  	v2 =	vld [tilespmem:s17+$0x20];
	[tilespmem:s18+$0x410 ss:$0x41] =	vst.msk $0xffff, v1  }
0x3e: {  	s16 =	sshrl.u32 s16, $0x2;
	v1 =	vld [tilespmem:s17+$0xFFFFFFC0];
	[tilespmem:s18+$0x820 ss:$0x41] =	vst.msk $0xffff, v5;
	s17 =	sadd.s32 $0x80, s17  }
0x3f: {  	s20 =	simm.s32 $0x4;
	s21 =	simm.s32 $0x8;
	s16 =	sor.u32 $0x4000, s16;
	[tilespmem:s18+$0xC30 ss:$0x41] =	vst.msk $0xffff, v6;
	v0 =	vld [tilespmem:s17+$0x30]  }
.LBB1_3:
0x40: {  	p1 =	sne.s32 s21, $0xFC;
	v5 =	vld [tilespmem:s17+$0xFFFFFFD0];
	[tilespmem:s18+$0x1040 ss:$0x41] =	vst.msk $0xffff, v4  }
0x41: {  	v6 =	vld [tilespmem:s17+$0xFFFFFFE0];
	[tilespmem:s18+$0x1450 ss:$0x41] =	vst.msk $0xffff, v3  }
0x42: {  	s22 =	sshra.s32 s20, $0x2;
	s20 =	smov.u32 s21;
	v7 =	vld [tilespmem:s17+$0xFFFFFFF0];
	[tilespmem:s18+$0x1860 ss:$0x41] =	vst.msk $0xffff, v2  }
.Ltmp3:
0x43: {  	v4 =	vld [tilespmem:s17+$0x0];
	[tilespmem:s18+$0x0 ss:$0x41] =	vst.msk $0xffff, v1;
	s18 =	sadd.s32 s22, s19;
	(pc) =	sbr.rel @p1 .LBB1_3-.Ltmp3, $4  }
0x44: {  	v3 =	vld [tilespmem:s17+$0x10];
	[tilespmem:s18+$0x1C70 ss:$0x41] =	vst.msk $0xffff, v0  }
0x45: {  	[tilespmem:s18+$0x410 ss:$0x41] =	vst.msk $0xffff, v5;
	v2 =	vld [tilespmem:s17+$0x20]  }
0x46: {  	v1 =	vld [tilespmem:s17+$0xFFFFFFC0];
	[tilespmem:s18+$0x820 ss:$0x41] =	vst.msk $0xffff, v6;
	s17 =	sadd.s32 $0x80, s17  }
0x47: {  	s21 =	sadd.s32 $0x4, s21;
	v0 =	vld [tilespmem:s17+$0x30];
	[tilespmem:s18+$0xC30 ss:$0x41] =	vst.msk $0xffff, v7  }
0x48: {  	s21 =	sshll.u32 s9, $0x7;
	s22 =	sshll.u32 s10, $0x3;
	s20 =	sshra.s32 s20, $0x2  }
0x49: {  	p1 =	sgt.s32 s9, $0xF41C0;
	s30 =	sshra.s32 s9, $0x1F;
	s25 =	sshra.s32 s10, $0x1F  }
0x4a: {  	v5 =	vld [tilespmem:s17+$0xFFFFFFD0];
	s28 =	sshrl.u32 s10, $0x3;
	s23 =	sand.u32 $0xFFFFFC00, s21;
	s22 =	sand.u32 $0xFFFFFC00, s22  }
0x4b: {  	[tilespmem:s18+$0x1040 ss:$0x41] =	vst.msk $0xffff, v4;
	v58 =	vld [tilespmem:s17+$0xFFFFFFE0];
	s21 =	sand.u32 $0x380, s21;
	s19 =	sadd.s32 s20, s19;
	s22 =	sadd.s32 s22, s23  }
0x4c: {  	v59 =	vld [tilespmem:s17+$0xFFFFFFF0];
	[tilespmem:s18+$0x1450 ss:$0x41] =	vst.msk $0xffff, v3;
	s29 =	sor.u32 s21, s22;
	s21 =	smov.u32 s9;
	s22 =	sand.u32 s30, s9  }
0x4d: {  	v60 =	vld [tilespmem:s17+$0x0];
	[tilespmem:s18+$0x1860 ss:$0x41] =	vst.msk $0xffff, v2;
	s30 =	sand.u32 $0x7, s10;
	s20 =	sshrl.u32 s29, $0x7;
	s21 =	simm.s32 @!p1 $0xF41C0  }
0x4e: {  	v61 =	vld [tilespmem:s17+$0x10];
	[tilespmem:s18+$0x0 ss:$0x41] =	vst.msk $0xffff, v1;
	p1 =	sgt.s32 s10, $0x40;
	s24 =	ssub.s32 s21, s22;
	s21 =	smov.u32 s10  }
0x4f: {  	v62 =	vld [tilespmem:s17+$0x20];
	[tilespmem:s19+$0x1C70 ss:$0x41] =	vst.msk $0xffff, v0;
	s31 =	smulhi.u32 $0x218DEF5, s20;
	s22 =	sand.u32 s25, s10;
	s21 =	simm.s32 @!p1 $0x40  }
0x50: {  	v63 =	vld [tilespmem:s17+$0xFFFFFFC0];
	[tilespmem:s19+$0x410 ss:$0x41] =	vst.msk $0xffff, v5;
	s26 =	sadd.s32 $0xFFF0BE40, s24;
	s17 =	ssub.s32 $0xF4240, s24;
	s21 =	ssub.s32 s21, s22  }
0x51: {  	[tilespmem:s19+$0x820 ss:$0x41] =	vst.msk $0xffff, v58;
	s23 =	sshrl.u32 s31, $0xD;
	p1 =	sgt.s32 s26, $0x7F;
	s27 =	sadd.s32 $0xFFFFFFC0, s21  }
0x52: {  	[tilespmem:s19+$0xC30 ss:$0x41] =	vst.msk $0xffff, v59;
	s23 =	smul.u32 $0xF4240, s23;
	s18 =	ssub.s32 $0x80, s21;
	p2 =	sgt.s32 s27, $0x3F  }
.Ltmp4:
0x53: {  	[tilespmem:s19+$0x1040 ss:$0x41] =	vst.msk $0xffff, v60;
	s17 =	simm.s32 @p1 $0x0;
	s18 =	simm.s32 @p2 $0x0;
	(pc) =	sbr.rel .LBB1_5-.Ltmp4, $4  }
0x54: {  	s29 =	sand.u32 $0xF, s28;
	[tilespmem:s19+$0x1450 ss:$0x41] =	vst.msk $0xffff, v61;
	s20 =	ssub.s32 s20, s23;
	s17 =	smul.u32 s18, s17  }
0x55: {  	[tilespmem:s19+$0x1860 ss:$0x41] =	vst.msk $0xffff, v62;
	s21 =	sshll.u32 s30, $0x12;
	s20 =	sshll.u32 s20, $0x4;
	s18 =	sadd.s32 s5, s29  }
0x56: {  	[tilespmem:s19+$0x0 ss:$0x41] =	vst.msk $0xffff, v63;
	s31 =	sor.u32 $0x40, s21;
	s18 =	sadd.s32 s20, s18;
	s17 =	sand.u32 $0x3FFFFFFF, s17  }
0x57: {  	[hbm4b:s18+s31] =	stream.strided.scatter [tilespmem:s16], [sflag:$0x2], s17, s8, s31, $0x18;
	[tilespmem:$0x8100] =	vst v63  }
.LBB1_6:
0x58: {  	_ =	sfence.sel $0x180000  }
0x59: {  	s2 =	simm.s32 $0x1;
	[bflag:$0x0] =	sbarrier.arrive $0xFFFF  }
0x5a: {  	s31 =	simm.s32 $0x2;
	[sflag:s2] =	ssyncpa.u1 $0x1  }
0x5b: {  	[sflag:s31] =	ssyncpa.u1 $0x1  }
0x5c: {  	p0 =	sne.s32 s1, $0x0;
	_ =	strace $0x90000047  }
0x5d: {  	s0 =	sadd.s32 @!p0 $0x100000, s0;
	[bflag:$0x2] =	sbarrier.arrive $0xFFFF  }
0x5e: {  	[sflag:s0] =	ssyncadd.tile.s32 @!p0 $0x1;
	_ =	shalt  }
.Lfunc_end1:
_tile_overlayer_lowered:
.L_overlay_start_2:
0x5f: {  	(tag) =	ssettag $0x2  }
0x60: {  	s0 =	rddreg [dreg:$0x0];
	s2 =	stileid.u32  }
0x61: {  	s1 =	rddreg [dreg:$0x1];
	p0 =	sne.s32 s2, $0x0  }
0x62: {  	s3 =	rddreg [dreg:$0x2];
	[bflag:$0x3] =	sbarrier.arrive $0xFFFF;
	s2 =	simm.s32 @!p0 $0x1C01  }
0x63: {  	[timem:s3], [sflag:s2] =	dma.local @!p0 [hbm:s0], s1  }
0x64: {  	s0 =	simm.s32 @!p0 $0x1  }
0x65: {  	_ =	swait.ge @!p0 [sflag:s0], s1  }
0x66: {  	s1 =	ssub.s32 @!p0 $0x0, s1;
	[sflag:s0] =	ssyncset.done @!p0 $0x0  }
0x67: {  	[sflag:s0] =	ssyncadd.s32 @!p0 s1  }
0x68: {  	[bflag:$0x3] =	sbarrier.arrive $0xFFFF  }
0x69: {  	_ =	shalt  }

</sc_bundles>
